<compile_context>
chip_gen: v7x
topology: tpu7x:2x2x1
jax: 0.10.2.dev20260603
libtpu: 0.0.44.dev20260713+nightly
codegen_flags: <defaults>
</compile_context>

<pallas_src>
import functools

import jax
import jax.numpy as jnp
from jax import lax
from jax.experimental import pallas as pl
from jax.experimental.pallas import tpu as pltpu
from jax.experimental.pallas import tpu_sc as plsc

_TABLE = 120000
_B = 16384
_H = 200
_NW = 32
_C = 1024
_CPR = _B // _C
_NCHUNK = _H * _CPR // _NW
_NB = 10
_NGRP = _NCHUNK // _NB

_mesh = plsc.VectorSubcoreMesh(core_axis_name="c", subcore_axis_name="s")


@functools.partial(
    pl.kernel,
    mesh=_mesh,
    out_type=jax.ShapeDtypeStruct((_H, _B), jnp.int32),
    compiler_params=pltpu.CompilerParams(needs_layout_passes=False),
    scratch_types=[
        pltpu.VMEM((_TABLE,), jnp.int32),
        [pltpu.VMEM((1, _C), jnp.int32)] * _NB,
        [pltpu.SemaphoreType.DMA] * _NB,
        [pltpu.SemaphoreType.DMA] * _NB,
    ],
)
def _sc_gather(idx_hbm, table_hbm, out_hbm, table_v, bufs, sem_in, sem_out):
    wid = lax.axis_index("s") * 2 + lax.axis_index("c")
    k0 = wid * _NCHUNK

    def in_copy(c, j):
        k = k0 + c
        return pltpu.make_async_copy(
            idx_hbm.at[pl.ds(k // _CPR, 1), pl.ds((k % _CPR) * _C, _C)],
            bufs[j], sem_in[j])

    def out_copy(c, j):
        k = k0 + c
        return pltpu.make_async_copy(
            bufs[j],
            out_hbm.at[pl.ds(k // _CPR, 1), pl.ds((k % _CPR) * _C, _C)],
            sem_out[j])

    _DEPTH = _NB - 2

    for c in range(_DEPTH):
        in_copy(c, c).start()
    pltpu.sync_copy(table_hbm, table_v)

    def group(g, carry):
        for j in range(_NB):
            c = g * _NB + j
            jp = (j + _DEPTH) % _NB

            @pl.when(c >= 2)
            def _():
                out_copy(c - 2, jp).wait()

            @pl.when(c + _DEPTH < _NCHUNK)
            def _():
                in_copy(c + _DEPTH, jp).start()

            in_copy(c, j).wait()

            @plsc.parallel_loop(0, _C // 16, unroll=8)
            def vec_body(i):
                v = bufs[j][0, pl.ds(i * 16, 16)]
                bufs[j][0, pl.ds(i * 16, 16)] = plsc.load_gather(
                    table_v, [v])

            out_copy(c, j).start()
        return carry

    lax.fori_loop(0, _NGRP, group, 0)

    for c in range(_NCHUNK - 2, _NCHUNK):
        out_copy(c, c % _NB).wait()


def kernel(inputs, table):
    idx_t = jnp.transpose(inputs.astype(jnp.int32))
    return jnp.transpose(_sc_gather(idx_t, table))

# --- scband reference (transcript-rebuilt; emitter-appended) ---
"""Pipeline reference for scband-pos-to-tokens-62208306315370 (READ-ONLY COPY).

The authoritative reference and input builder live on the scoring server;
editing this copy changes nothing except your own understanding.
"""

import jax, jax.numpy as jnp
import numpy as np

VOCAB = 100000       # number of keys in word_index
HASH_SPACE = 120000  # total id space; ids >= VOCAB map to default_value
DEFAULT_VALUE = 0
BATCH = 16384
HIST_LEN = 200


def setup_inputs(seed: int = 0) -> dict:
    key = jax.random.key(seed)
    # inputs: integer key-ids standing in for string tokens (StaticHashTable keys).
    # Ids in [VOCAB, HASH_SPACE) are out-of-vocabulary and map to default_value.
    inputs = jax.random.randint(
        jax.random.fold_in(key, 0), (BATCH, HIST_LEN), 0, HASH_SPACE, dtype=jnp.int32
    ).astype(jnp.int64)
    # Dense lookup table modeling tf.lookup.StaticHashTable:
    # key id k in [0, VOCAB) -> word_index value (k+1); everything else -> default 0.
    table = jnp.concatenate([
        jnp.arange(1, VOCAB + 1, dtype=jnp.int32),
        jnp.full((HASH_SPACE - VOCAB,), DEFAULT_VALUE, dtype=jnp.int32),
    ])
    return {"inputs": inputs, "table": table}


def reference(inputs, table):
    # x = self.table.lookup(x)  -> gather
    x = jnp.take(table, inputs, axis=0)
    # x = tf.reshape(x, (tf.shape(x)[0], -1))
    x = jnp.reshape(x, (x.shape[0], -1))
    return x

if __name__ == "__main__":
    import jax
    _d = setup_inputs()
    print(jax.jit(kernel)(*tuple(_d.values())))

</pallas_src>

<mosaic_0001>
#map = affine_map<(d0, d1) -> (0, 0)>
#map1 = affine_map<(d0, d1) -> (0)>
module attributes {stable_mosaic.version = 14 : i64} {
  func.func @_sc_gather(%arg0: i32, %arg1: i32, %arg2: memref<200x16384xi32, #tpu.memory_space<hbm>>, %arg3: memref<120000xi32, #tpu.memory_space<hbm>>, %arg4: memref<200x16384xi32, #tpu.memory_space<hbm>>, %arg5: memref<120000xi32, #tpu.memory_space<vmem>>, %arg6: memref<1x1024xi32, #tpu.memory_space<vmem>>, %arg7: memref<1x1024xi32, #tpu.memory_space<vmem>>, %arg8: memref<1x1024xi32, #tpu.memory_space<vmem>>, %arg9: memref<1x1024xi32, #tpu.memory_space<vmem>>, %arg10: memref<1x1024xi32, #tpu.memory_space<vmem>>, %arg11: memref<1x1024xi32, #tpu.memory_space<vmem>>, %arg12: memref<1x1024xi32, #tpu.memory_space<vmem>>, %arg13: memref<1x1024xi32, #tpu.memory_space<vmem>>, %arg14: memref<1x1024xi32, #tpu.memory_space<vmem>>, %arg15: memref<1x1024xi32, #tpu.memory_space<vmem>>, %arg16: memref<!tpu.dma_semaphore, #tpu.memory_space<semaphore_mem>>, %arg17: memref<!tpu.dma_semaphore, #tpu.memory_space<semaphore_mem>>, %arg18: memref<!tpu.dma_semaphore, #tpu.memory_space<semaphore_mem>>, %arg19: memref<!tpu.dma_semaphore, #tpu.memory_space<semaphore_mem>>, %arg20: memref<!tpu.dma_semaphore, #tpu.memory_space<semaphore_mem>>, %arg21: memref<!tpu.dma_semaphore, #tpu.memory_space<semaphore_mem>>, %arg22: memref<!tpu.dma_semaphore, #tpu.memory_space<semaphore_mem>>, %arg23: memref<!tpu.dma_semaphore, #tpu.memory_space<semaphore_mem>>, %arg24: memref<!tpu.dma_semaphore, #tpu.memory_space<semaphore_mem>>, %arg25: memref<!tpu.dma_semaphore, #tpu.memory_space<semaphore_mem>>, %arg26: memref<!tpu.dma_semaphore, #tpu.memory_space<semaphore_mem>>, %arg27: memref<!tpu.dma_semaphore, #tpu.memory_space<semaphore_mem>>, %arg28: memref<!tpu.dma_semaphore, #tpu.memory_space<semaphore_mem>>, %arg29: memref<!tpu.dma_semaphore, #tpu.memory_space<semaphore_mem>>, %arg30: memref<!tpu.dma_semaphore, #tpu.memory_space<semaphore_mem>>, %arg31: memref<!tpu.dma_semaphore, #tpu.memory_space<semaphore_mem>>, %arg32: memref<!tpu.dma_semaphore, #tpu.memory_space<semaphore_mem>>, %arg33: memref<!tpu.dma_semaphore, #tpu.memory_space<semaphore_mem>>, %arg34: memref<!tpu.dma_semaphore, #tpu.memory_space<semaphore_mem>>, %arg35: memref<!tpu.dma_semaphore, #tpu.memory_space<semaphore_mem>>) attributes {dimension_semantics = [#tpu.dimension_semantics<core_parallel>, #tpu.dimension_semantics<subcore_parallel>], iteration_bounds = array<i64: 2, 16>, scalar_prefetch = 0 : i64, scratch_operands = 31 : i64, tpu.core_type = #tpu.core_type<sc_vector_subcore>, window_params = [{transform_indices = #map}, {transform_indices = #map1}, {transform_indices = #map}]} {
    %mul3A = arith.constant 2 : i32
    %mul3A_0 = arith.muli %arg1, %mul3A : i32
    %add3A = arith.addi %mul3A_0, %arg0 : i32
    %mul3A_1 = arith.constant 100 : i32
    %mul3A_2 = arith.muli %add3A, %mul3A_1 : i32
    %add3A_3 = arith.constant 0 : i32
    %add3A_4 = arith.addi %mul3A_2, %add3A_3 : i32
    %jit3A = arith.constant 16 : i32
    %div3A = arith.divsi %add3A_4, %jit3A : i32
    %sign3A = arith.constant 0 : i32
    %sign3A_5 = arith.cmpi sgt, %add3A_4, %sign3A : i32
    %sign3A_6 = arith.extui %sign3A_5 : i1 to i32
    %sign3A_7 = arith.constant 0 : i32
    %sign3A_8 = arith.cmpi slt, %add3A_4, %sign3A_7 : i32
    %sign3A_9 = arith.extui %sign3A_8 : i1 to i32
    %sign3A_10 = arith.subi %sign3A_6, %sign3A_9 : i32
    %sign3A_11 = arith.constant 0 : i32
    %sign3A_12 = arith.cmpi sgt, %jit3A, %sign3A_11 : i32
    %sign3A_13 = arith.extui %sign3A_12 : i1 to i32
    %sign3A_14 = arith.constant 0 : i32
    %sign3A_15 = arith.cmpi slt, %jit3A, %sign3A_14 : i32
    %sign3A_16 = arith.extui %sign3A_15 : i1 to i32
    %sign3A_17 = arith.subi %sign3A_13, %sign3A_16 : i32
    %ne3A = arith.cmpi ne, %sign3A_10, %sign3A_17 : i32
    %rem3A = arith.remsi %add3A_4, %jit3A : i32
    %ne3A_18 = arith.constant 0 : i32
    %ne3A_19 = arith.cmpi ne, %rem3A, %ne3A_18 : i32
    %and3A = arith.andi %ne3A, %ne3A_19 : i1
    %sub3A = arith.constant 1 : i32
    %sub3A_20 = arith.subi %div3A, %sub3A : i32
    %select_n3A = arith.select %and3A, %sub3A_20, %div3A : i32
    %jit3A_21 = arith.constant 16 : i32
    %eq3A = arith.constant 0 : i32
    %eq3A_22 = arith.cmpi eq, %jit3A_21, %eq3A : i32
    %jit3A_23 = arith.constant 1 : i32
    %select_n3A_24 = arith.select %eq3A_22, %jit3A_23, %jit3A_21 : i32
    %rem3A_25 = arith.remsi %add3A_4, %select_n3A_24 : i32
    %ne3A_26 = arith.constant 0 : i32
    %ne3A_27 = arith.cmpi ne, %rem3A_25, %ne3A_26 : i32
    %lt3A = arith.constant 0 : i32
    %lt3A_28 = arith.cmpi slt, %rem3A_25, %lt3A : i32
    %lt3A_29 = arith.constant 0 : i32
    %lt3A_30 = arith.cmpi slt, %select_n3A_24, %lt3A_29 : i32
    %ne3A_31 = arith.xori %lt3A_28, %lt3A_30 : i1
    %and3A_32 = arith.andi %ne3A_31, %ne3A_27 : i1
    %add3A_33 = arith.addi %rem3A_25, %select_n3A_24 : i32
    %select_n3A_34 = arith.select %and3A_32, %add3A_33, %rem3A_25 : i32
    %mul3A_35 = arith.constant 1024 : i32
    %mul3A_36 = arith.muli %select_n3A_34, %mul3A_35 : i32
    %dma_start3A = tpu.memref_slice %arg2[%select_n3A, %mul3A_36] : memref<200x16384xi32, #tpu.memory_space<hbm>> -> memref<1x1024xi32, #tpu.memory_space<hbm>>
    %dma_start3A_37 = tpu.memref_slice %arg2[%select_n3A, %mul3A_36] : memref<200x16384xi32, #tpu.memory_space<hbm>> -> memref<1x1024xi32, #tpu.memory_space<hbm>>
    tpu.enqueue_dma source(%dma_start3A_37 : memref<1x1024xi32, #tpu.memory_space<hbm>>) target(%arg6 : memref<1x1024xi32, #tpu.memory_space<vmem>>) target_semaphore(%arg16 : memref<!tpu.dma_semaphore, #tpu.memory_space<semaphore_mem>>)
    %add3A_38 = arith.constant 1 : i32
    %add3A_39 = arith.addi %mul3A_2, %add3A_38 : i32
    %jit3A_40 = arith.constant 16 : i32
    %div3A_41 = arith.divsi %add3A_39, %jit3A_40 : i32
    %sign3A_42 = arith.constant 0 : i32
    %sign3A_43 = arith.cmpi sgt, %add3A_39, %sign3A_42 : i32
    %sign3A_44 = arith.extui %sign3A_43 : i1 to i32
    %sign3A_45 = arith.constant 0 : i32
    %sign3A_46 = arith.cmpi slt, %add3A_39, %sign3A_45 : i32
    %sign3A_47 = arith.extui %sign3A_46 : i1 to i32
    %sign3A_48 = arith.subi %sign3A_44, %sign3A_47 : i32
    %sign3A_49 = arith.constant 0 : i32
    %sign3A_50 = arith.cmpi sgt, %jit3A_40, %sign3A_49 : i32
    %sign3A_51 = arith.extui %sign3A_50 : i1 to i32
    %sign3A_52 = arith.constant 0 : i32
    %sign3A_53 = arith.cmpi slt, %jit3A_40, %sign3A_52 : i32
    %sign3A_54 = arith.extui %sign3A_53 : i1 to i32
    %sign3A_55 = arith.subi %sign3A_51, %sign3A_54 : i32
    %ne3A_56 = arith.cmpi ne, %sign3A_48, %sign3A_55 : i32
    %rem3A_57 = arith.remsi %add3A_39, %jit3A_40 : i32
    %ne3A_58 = arith.constant 0 : i32
    %ne3A_59 = arith.cmpi ne, %rem3A_57, %ne3A_58 : i32
    %and3A_60 = arith.andi %ne3A_56, %ne3A_59 : i1
    %sub3A_61 = arith.constant 1 : i32
    %sub3A_62 = arith.subi %div3A_41, %sub3A_61 : i32
    %select_n3A_63 = arith.select %and3A_60, %sub3A_62, %div3A_41 : i32
    %jit3A_64 = arith.constant 16 : i32
    %eq3A_65 = arith.constant 0 : i32
    %eq3A_66 = arith.cmpi eq, %jit3A_64, %eq3A_65 : i32
    %jit3A_67 = arith.constant 1 : i32
    %select_n3A_68 = arith.select %eq3A_66, %jit3A_67, %jit3A_64 : i32
    %rem3A_69 = arith.remsi %add3A_39, %select_n3A_68 : i32
    %ne3A_70 = arith.constant 0 : i32
    %ne3A_71 = arith.cmpi ne, %rem3A_69, %ne3A_70 : i32
    %lt3A_72 = arith.constant 0 : i32
    %lt3A_73 = arith.cmpi slt, %rem3A_69, %lt3A_72 : i32
    %lt3A_74 = arith.constant 0 : i32
    %lt3A_75 = arith.cmpi slt, %select_n3A_68, %lt3A_74 : i32
    %ne3A_76 = arith.xori %lt3A_73, %lt3A_75 : i1
    %and3A_77 = arith.andi %ne3A_76, %ne3A_71 : i1
    %add3A_78 = arith.addi %rem3A_69, %select_n3A_68 : i32
    %select_n3A_79 = arith.select %and3A_77, %add3A_78, %rem3A_69 : i32
    %mul3A_80 = arith.constant 1024 : i32
    %mul3A_81 = arith.muli %select_n3A_79, %mul3A_80 : i32
    %dma_start3A_82 = tpu.memref_slice %arg2[%select_n3A_63, %mul3A_81] : memref<200x16384xi32, #tpu.memory_space<hbm>> -> memref<1x1024xi32, #tpu.memory_space<hbm>>
    %dma_start3A_83 = tpu.memref_slice %arg2[%select_n3A_63, %mul3A_81] : memref<200x16384xi32, #tpu.memory_space<hbm>> -> memref<1x1024xi32, #tpu.memory_space<hbm>>
    tpu.enqueue_dma source(%dma_start3A_83 : memref<1x1024xi32, #tpu.memory_space<hbm>>) target(%arg7 : memref<1x1024xi32, #tpu.memory_space<vmem>>) target_semaphore(%arg17 : memref<!tpu.dma_semaphore, #tpu.memory_space<semaphore_mem>>)
    %add3A_84 = arith.constant 2 : i32
    %add3A_85 = arith.addi %mul3A_2, %add3A_84 : i32
    %jit3A_86 = arith.constant 16 : i32
    %div3A_87 = arith.divsi %add3A_85, %jit3A_86 : i32
    %sign3A_88 = arith.constant 0 : i32
    %sign3A_89 = arith.cmpi sgt, %add3A_85, %sign3A_88 : i32
    %sign3A_90 = arith.extui %sign3A_89 : i1 to i32
    %sign3A_91 = arith.constant 0 : i32
    %sign3A_92 = arith.cmpi slt, %add3A_85, %sign3A_91 : i32
    %sign3A_93 = arith.extui %sign3A_92 : i1 to i32
    %sign3A_94 = arith.subi %sign3A_90, %sign3A_93 : i32
    %sign3A_95 = arith.constant 0 : i32
    %sign3A_96 = arith.cmpi sgt, %jit3A_86, %sign3A_95 : i32
    %sign3A_97 = arith.extui %sign3A_96 : i1 to i32
    %sign3A_98 = arith.constant 0 : i32
    %sign3A_99 = arith.cmpi slt, %jit3A_86, %sign3A_98 : i32
    %sign3A_100 = arith.extui %sign3A_99 : i1 to i32
    %sign3A_101 = arith.subi %sign3A_97, %sign3A_100 : i32
    %ne3A_102 = arith.cmpi ne, %sign3A_94, %sign3A_101 : i32
    %rem3A_103 = arith.remsi %add3A_85, %jit3A_86 : i32
    %ne3A_104 = arith.constant 0 : i32
    %ne3A_105 = arith.cmpi ne, %rem3A_103, %ne3A_104 : i32
    %and3A_106 = arith.andi %ne3A_102, %ne3A_105 : i1
    %sub3A_107 = arith.constant 1 : i32
    %sub3A_108 = arith.subi %div3A_87, %sub3A_107 : i32
    %select_n3A_109 = arith.select %and3A_106, %sub3A_108, %div3A_87 : i32
    %jit3A_110 = arith.constant 16 : i32
    %eq3A_111 = arith.constant 0 : i32
    %eq3A_112 = arith.cmpi eq, %jit3A_110, %eq3A_111 : i32
    %jit3A_113 = arith.constant 1 : i32
    %select_n3A_114 = arith.select %eq3A_112, %jit3A_113, %jit3A_110 : i32
    %rem3A_115 = arith.remsi %add3A_85, %select_n3A_114 : i32
    %ne3A_116 = arith.constant 0 : i32
    %ne3A_117 = arith.cmpi ne, %rem3A_115, %ne3A_116 : i32
    %lt3A_118 = arith.constant 0 : i32
    %lt3A_119 = arith.cmpi slt, %rem3A_115, %lt3A_118 : i32
    %lt3A_120 = arith.constant 0 : i32
    %lt3A_121 = arith.cmpi slt, %select_n3A_114, %lt3A_120 : i32
    %ne3A_122 = arith.xori %lt3A_119, %lt3A_121 : i1
    %and3A_123 = arith.andi %ne3A_122, %ne3A_117 : i1
    %add3A_124 = arith.addi %rem3A_115, %select_n3A_114 : i32
    %select_n3A_125 = arith.select %and3A_123, %add3A_124, %rem3A_115 : i32
    %mul3A_126 = arith.constant 1024 : i32
    %mul3A_127 = arith.muli %select_n3A_125, %mul3A_126 : i32
    %dma_start3A_128 = tpu.memref_slice %arg2[%select_n3A_109, %mul3A_127] : memref<200x16384xi32, #tpu.memory_space<hbm>> -> memref<1x1024xi32, #tpu.memory_space<hbm>>
    %dma_start3A_129 = tpu.memref_slice %arg2[%select_n3A_109, %mul3A_127] : memref<200x16384xi32, #tpu.memory_space<hbm>> -> memref<1x1024xi32, #tpu.memory_space<hbm>>
    tpu.enqueue_dma source(%dma_start3A_129 : memref<1x1024xi32, #tpu.memory_space<hbm>>) target(%arg8 : memref<1x1024xi32, #tpu.memory_space<vmem>>) target_semaphore(%arg18 : memref<!tpu.dma_semaphore, #tpu.memory_space<semaphore_mem>>)
    %add3A_130 = arith.constant 3 : i32
    %add3A_131 = arith.addi %mul3A_2, %add3A_130 : i32
    %jit3A_132 = arith.constant 16 : i32
    %div3A_133 = arith.divsi %add3A_131, %jit3A_132 : i32
    %sign3A_134 = arith.constant 0 : i32
    %sign3A_135 = arith.cmpi sgt, %add3A_131, %sign3A_134 : i32
    %sign3A_136 = arith.extui %sign3A_135 : i1 to i32
    %sign3A_137 = arith.constant 0 : i32
    %sign3A_138 = arith.cmpi slt, %add3A_131, %sign3A_137 : i32
    %sign3A_139 = arith.extui %sign3A_138 : i1 to i32
    %sign3A_140 = arith.subi %sign3A_136, %sign3A_139 : i32
    %sign3A_141 = arith.constant 0 : i32
    %sign3A_142 = arith.cmpi sgt, %jit3A_132, %sign3A_141 : i32
    %sign3A_143 = arith.extui %sign3A_142 : i1 to i32
    %sign3A_144 = arith.constant 0 : i32
    %sign3A_145 = arith.cmpi slt, %jit3A_132, %sign3A_144 : i32
    %sign3A_146 = arith.extui %sign3A_145 : i1 to i32
    %sign3A_147 = arith.subi %sign3A_143, %sign3A_146 : i32
    %ne3A_148 = arith.cmpi ne, %sign3A_140, %sign3A_147 : i32
    %rem3A_149 = arith.remsi %add3A_131, %jit3A_132 : i32
    %ne3A_150 = arith.constant 0 : i32
    %ne3A_151 = arith.cmpi ne, %rem3A_149, %ne3A_150 : i32
    %and3A_152 = arith.andi %ne3A_148, %ne3A_151 : i1
    %sub3A_153 = arith.constant 1 : i32
    %sub3A_154 = arith.subi %div3A_133, %sub3A_153 : i32
    %select_n3A_155 = arith.select %and3A_152, %sub3A_154, %div3A_133 : i32
    %jit3A_156 = arith.constant 16 : i32
    %eq3A_157 = arith.constant 0 : i32
    %eq3A_158 = arith.cmpi eq, %jit3A_156, %eq3A_157 : i32
    %jit3A_159 = arith.constant 1 : i32
    %select_n3A_160 = arith.select %eq3A_158, %jit3A_159, %jit3A_156 : i32
    %rem3A_161 = arith.remsi %add3A_131, %select_n3A_160 : i32
    %ne3A_162 = arith.constant 0 : i32
    %ne3A_163 = arith.cmpi ne, %rem3A_161, %ne3A_162 : i32
    %lt3A_164 = arith.constant 0 : i32
    %lt3A_165 = arith.cmpi slt, %rem3A_161, %lt3A_164 : i32
    %lt3A_166 = arith.constant 0 : i32
    %lt3A_167 = arith.cmpi slt, %select_n3A_160, %lt3A_166 : i32
    %ne3A_168 = arith.xori %lt3A_165, %lt3A_167 : i1
    %and3A_169 = arith.andi %ne3A_168, %ne3A_163 : i1
    %add3A_170 = arith.addi %rem3A_161, %select_n3A_160 : i32
    %select_n3A_171 = arith.select %and3A_169, %add3A_170, %rem3A_161 : i32
    %mul3A_172 = arith.constant 1024 : i32
    %mul3A_173 = arith.muli %select_n3A_171, %mul3A_172 : i32
    %dma_start3A_174 = tpu.memref_slice %arg2[%select_n3A_155, %mul3A_173] : memref<200x16384xi32, #tpu.memory_space<hbm>> -> memref<1x1024xi32, #tpu.memory_space<hbm>>
    %dma_start3A_175 = tpu.memref_slice %arg2[%select_n3A_155, %mul3A_173] : memref<200x16384xi32, #tpu.memory_space<hbm>> -> memref<1x1024xi32, #tpu.memory_space<hbm>>
    tpu.enqueue_dma source(%dma_start3A_175 : memref<1x1024xi32, #tpu.memory_space<hbm>>) target(%arg9 : memref<1x1024xi32, #tpu.memory_space<vmem>>) target_semaphore(%arg19 : memref<!tpu.dma_semaphore, #tpu.memory_space<semaphore_mem>>)
    %add3A_176 = arith.constant 4 : i32
    %add3A_177 = arith.addi %mul3A_2, %add3A_176 : i32
    %jit3A_178 = arith.constant 16 : i32
    %div3A_179 = arith.divsi %add3A_177, %jit3A_178 : i32
    %sign3A_180 = arith.constant 0 : i32
    %sign3A_181 = arith.cmpi sgt, %add3A_177, %sign3A_180 : i32
    %sign3A_182 = arith.extui %sign3A_181 : i1 to i32
    %sign3A_183 = arith.constant 0 : i32
    %sign3A_184 = arith.cmpi slt, %add3A_177, %sign3A_183 : i32
    %sign3A_185 = arith.extui %sign3A_184 : i1 to i32
    %sign3A_186 = arith.subi %sign3A_182, %sign3A_185 : i32
    %sign3A_187 = arith.constant 0 : i32
    %sign3A_188 = arith.cmpi sgt, %jit3A_178, %sign3A_187 : i32
    %sign3A_189 = arith.extui %sign3A_188 : i1 to i32
    %sign3A_190 = arith.constant 0 : i32
    %sign3A_191 = arith.cmpi slt, %jit3A_178, %sign3A_190 : i32
    %sign3A_192 = arith.extui %sign3A_191 : i1 to i32
    %sign3A_193 = arith.subi %sign3A_189, %sign3A_192 : i32
    %ne3A_194 = arith.cmpi ne, %sign3A_186, %sign3A_193 : i32
    %rem3A_195 = arith.remsi %add3A_177, %jit3A_178 : i32
    %ne3A_196 = arith.constant 0 : i32
    %ne3A_197 = arith.cmpi ne, %rem3A_195, %ne3A_196 : i32
    %and3A_198 = arith.andi %ne3A_194, %ne3A_197 : i1
    %sub3A_199 = arith.constant 1 : i32
    %sub3A_200 = arith.subi %div3A_179, %sub3A_199 : i32
    %select_n3A_201 = arith.select %and3A_198, %sub3A_200, %div3A_179 : i32
    %jit3A_202 = arith.constant 16 : i32
    %eq3A_203 = arith.constant 0 : i32
    %eq3A_204 = arith.cmpi eq, %jit3A_202, %eq3A_203 : i32
    %jit3A_205 = arith.constant 1 : i32
    %select_n3A_206 = arith.select %eq3A_204, %jit3A_205, %jit3A_202 : i32
    %rem3A_207 = arith.remsi %add3A_177, %select_n3A_206 : i32
    %ne3A_208 = arith.constant 0 : i32
    %ne3A_209 = arith.cmpi ne, %rem3A_207, %ne3A_208 : i32
    %lt3A_210 = arith.constant 0 : i32
    %lt3A_211 = arith.cmpi slt, %rem3A_207, %lt3A_210 : i32
    %lt3A_212 = arith.constant 0 : i32
    %lt3A_213 = arith.cmpi slt, %select_n3A_206, %lt3A_212 : i32
    %ne3A_214 = arith.xori %lt3A_211, %lt3A_213 : i1
    %and3A_215 = arith.andi %ne3A_214, %ne3A_209 : i1
    %add3A_216 = arith.addi %rem3A_207, %select_n3A_206 : i32
    %select_n3A_217 = arith.select %and3A_215, %add3A_216, %rem3A_207 : i32
    %mul3A_218 = arith.constant 1024 : i32
    %mul3A_219 = arith.muli %select_n3A_217, %mul3A_218 : i32
    %dma_start3A_220 = tpu.memref_slice %arg2[%select_n3A_201, %mul3A_219] : memref<200x16384xi32, #tpu.memory_space<hbm>> -> memref<1x1024xi32, #tpu.memory_space<hbm>>
    %dma_start3A_221 = tpu.memref_slice %arg2[%select_n3A_201, %mul3A_219] : memref<200x16384xi32, #tpu.memory_space<hbm>> -> memref<1x1024xi32, #tpu.memory_space<hbm>>
    tpu.enqueue_dma source(%dma_start3A_221 : memref<1x1024xi32, #tpu.memory_space<hbm>>) target(%arg10 : memref<1x1024xi32, #tpu.memory_space<vmem>>) target_semaphore(%arg20 : memref<!tpu.dma_semaphore, #tpu.memory_space<semaphore_mem>>)
    %add3A_222 = arith.constant 5 : i32
    %add3A_223 = arith.addi %mul3A_2, %add3A_222 : i32
    %jit3A_224 = arith.constant 16 : i32
    %div3A_225 = arith.divsi %add3A_223, %jit3A_224 : i32
    %sign3A_226 = arith.constant 0 : i32
    %sign3A_227 = arith.cmpi sgt, %add3A_223, %sign3A_226 : i32
    %sign3A_228 = arith.extui %sign3A_227 : i1 to i32
    %sign3A_229 = arith.constant 0 : i32
    %sign3A_230 = arith.cmpi slt, %add3A_223, %sign3A_229 : i32
    %sign3A_231 = arith.extui %sign3A_230 : i1 to i32
    %sign3A_232 = arith.subi %sign3A_228, %sign3A_231 : i32
    %sign3A_233 = arith.constant 0 : i32
    %sign3A_234 = arith.cmpi sgt, %jit3A_224, %sign3A_233 : i32
    %sign3A_235 = arith.extui %sign3A_234 : i1 to i32
    %sign3A_236 = arith.constant 0 : i32
    %sign3A_237 = arith.cmpi slt, %jit3A_224, %sign3A_236 : i32
    %sign3A_238 = arith.extui %sign3A_237 : i1 to i32
    %sign3A_239 = arith.subi %sign3A_235, %sign3A_238 : i32
    %ne3A_240 = arith.cmpi ne, %sign3A_232, %sign3A_239 : i32
    %rem3A_241 = arith.remsi %add3A_223, %jit3A_224 : i32
    %ne3A_242 = arith.constant 0 : i32
    %ne3A_243 = arith.cmpi ne, %rem3A_241, %ne3A_242 : i32
    %and3A_244 = arith.andi %ne3A_240, %ne3A_243 : i1
    %sub3A_245 = arith.constant 1 : i32
    %sub3A_246 = arith.subi %div3A_225, %sub3A_245 : i32
    %select_n3A_247 = arith.select %and3A_244, %sub3A_246, %div3A_225 : i32
    %jit3A_248 = arith.constant 16 : i32
    %eq3A_249 = arith.constant 0 : i32
    %eq3A_250 = arith.cmpi eq, %jit3A_248, %eq3A_249 : i32
    %jit3A_251 = arith.constant 1 : i32
    %select_n3A_252 = arith.select %eq3A_250, %jit3A_251, %jit3A_248 : i32
    %rem3A_253 = arith.remsi %add3A_223, %select_n3A_252 : i32
    %ne3A_254 = arith.constant 0 : i32
    %ne3A_255 = arith.cmpi ne, %rem3A_253, %ne3A_254 : i32
    %lt3A_256 = arith.constant 0 : i32
    %lt3A_257 = arith.cmpi slt, %rem3A_253, %lt3A_256 : i32
    %lt3A_258 = arith.constant 0 : i32
    %lt3A_259 = arith.cmpi slt, %select_n3A_252, %lt3A_258 : i32
    %ne3A_260 = arith.xori %lt3A_257, %lt3A_259 : i1
    %and3A_261 = arith.andi %ne3A_260, %ne3A_255 : i1
    %add3A_262 = arith.addi %rem3A_253, %select_n3A_252 : i32
    %select_n3A_263 = arith.select %and3A_261, %add3A_262, %rem3A_253 : i32
    %mul3A_264 = arith.constant 1024 : i32
    %mul3A_265 = arith.muli %select_n3A_263, %mul3A_264 : i32
    %dma_start3A_266 = tpu.memref_slice %arg2[%select_n3A_247, %mul3A_265] : memref<200x16384xi32, #tpu.memory_space<hbm>> -> memref<1x1024xi32, #tpu.memory_space<hbm>>
    %dma_start3A_267 = tpu.memref_slice %arg2[%select_n3A_247, %mul3A_265] : memref<200x16384xi32, #tpu.memory_space<hbm>> -> memref<1x1024xi32, #tpu.memory_space<hbm>>
    tpu.enqueue_dma source(%dma_start3A_267 : memref<1x1024xi32, #tpu.memory_space<hbm>>) target(%arg11 : memref<1x1024xi32, #tpu.memory_space<vmem>>) target_semaphore(%arg21 : memref<!tpu.dma_semaphore, #tpu.memory_space<semaphore_mem>>)
    %add3A_268 = arith.constant 6 : i32
    %add3A_269 = arith.addi %mul3A_2, %add3A_268 : i32
    %jit3A_270 = arith.constant 16 : i32
    %div3A_271 = arith.divsi %add3A_269, %jit3A_270 : i32
    %sign3A_272 = arith.constant 0 : i32
    %sign3A_273 = arith.cmpi sgt, %add3A_269, %sign3A_272 : i32
    %sign3A_274 = arith.extui %sign3A_273 : i1 to i32
    %sign3A_275 = arith.constant 0 : i32
    %sign3A_276 = arith.cmpi slt, %add3A_269, %sign3A_275 : i32
    %sign3A_277 = arith.extui %sign3A_276 : i1 to i32
    %sign3A_278 = arith.subi %sign3A_274, %sign3A_277 : i32
    %sign3A_279 = arith.constant 0 : i32
    %sign3A_280 = arith.cmpi sgt, %jit3A_270, %sign3A_279 : i32
    %sign3A_281 = arith.extui %sign3A_280 : i1 to i32
    %sign3A_282 = arith.constant 0 : i32
    %sign3A_283 = arith.cmpi slt, %jit3A_270, %sign3A_282 : i32
    %sign3A_284 = arith.extui %sign3A_283 : i1 to i32
    %sign3A_285 = arith.subi %sign3A_281, %sign3A_284 : i32
    %ne3A_286 = arith.cmpi ne, %sign3A_278, %sign3A_285 : i32
    %rem3A_287 = arith.remsi %add3A_269, %jit3A_270 : i32
    %ne3A_288 = arith.constant 0 : i32
    %ne3A_289 = arith.cmpi ne, %rem3A_287, %ne3A_288 : i32
    %and3A_290 = arith.andi %ne3A_286, %ne3A_289 : i1
    %sub3A_291 = arith.constant 1 : i32
    %sub3A_292 = arith.subi %div3A_271, %sub3A_291 : i32
    %select_n3A_293 = arith.select %and3A_290, %sub3A_292, %div3A_271 : i32
    %jit3A_294 = arith.constant 16 : i32
    %eq3A_295 = arith.constant 0 : i32
    %eq3A_296 = arith.cmpi eq, %jit3A_294, %eq3A_295 : i32
    %jit3A_297 = arith.constant 1 : i32
    %select_n3A_298 = arith.select %eq3A_296, %jit3A_297, %jit3A_294 : i32
    %rem3A_299 = arith.remsi %add3A_269, %select_n3A_298 : i32
    %ne3A_300 = arith.constant 0 : i32
    %ne3A_301 = arith.cmpi ne, %rem3A_299, %ne3A_300 : i32
    %lt3A_302 = arith.constant 0 : i32
    %lt3A_303 = arith.cmpi slt, %rem3A_299, %lt3A_302 : i32
    %lt3A_304 = arith.constant 0 : i32
    %lt3A_305 = arith.cmpi slt, %select_n3A_298, %lt3A_304 : i32
    %ne3A_306 = arith.xori %lt3A_303, %lt3A_305 : i1
    %and3A_307 = arith.andi %ne3A_306, %ne3A_301 : i1
    %add3A_308 = arith.addi %rem3A_299, %select_n3A_298 : i32
    %select_n3A_309 = arith.select %and3A_307, %add3A_308, %rem3A_299 : i32
    %mul3A_310 = arith.constant 1024 : i32
    %mul3A_311 = arith.muli %select_n3A_309, %mul3A_310 : i32
    %dma_start3A_312 = tpu.memref_slice %arg2[%select_n3A_293, %mul3A_311] : memref<200x16384xi32, #tpu.memory_space<hbm>> -> memref<1x1024xi32, #tpu.memory_space<hbm>>
    %dma_start3A_313 = tpu.memref_slice %arg2[%select_n3A_293, %mul3A_311] : memref<200x16384xi32, #tpu.memory_space<hbm>> -> memref<1x1024xi32, #tpu.memory_space<hbm>>
    tpu.enqueue_dma source(%dma_start3A_313 : memref<1x1024xi32, #tpu.memory_space<hbm>>) target(%arg12 : memref<1x1024xi32, #tpu.memory_space<vmem>>) target_semaphore(%arg22 : memref<!tpu.dma_semaphore, #tpu.memory_space<semaphore_mem>>)
    %add3A_314 = arith.constant 7 : i32
    %add3A_315 = arith.addi %mul3A_2, %add3A_314 : i32
    %jit3A_316 = arith.constant 16 : i32
    %div3A_317 = arith.divsi %add3A_315, %jit3A_316 : i32
    %sign3A_318 = arith.constant 0 : i32
    %sign3A_319 = arith.cmpi sgt, %add3A_315, %sign3A_318 : i32
    %sign3A_320 = arith.extui %sign3A_319 : i1 to i32
    %sign3A_321 = arith.constant 0 : i32
    %sign3A_322 = arith.cmpi slt, %add3A_315, %sign3A_321 : i32
    %sign3A_323 = arith.extui %sign3A_322 : i1 to i32
    %sign3A_324 = arith.subi %sign3A_320, %sign3A_323 : i32
    %sign3A_325 = arith.constant 0 : i32
    %sign3A_326 = arith.cmpi sgt, %jit3A_316, %sign3A_325 : i32
    %sign3A_327 = arith.extui %sign3A_326 : i1 to i32
    %sign3A_328 = arith.constant 0 : i32
    %sign3A_329 = arith.cmpi slt, %jit3A_316, %sign3A_328 : i32
    %sign3A_330 = arith.extui %sign3A_329 : i1 to i32
    %sign3A_331 = arith.subi %sign3A_327, %sign3A_330 : i32
    %ne3A_332 = arith.cmpi ne, %sign3A_324, %sign3A_331 : i32
    %rem3A_333 = arith.remsi %add3A_315, %jit3A_316 : i32
    %ne3A_334 = arith.constant 0 : i32
    %ne3A_335 = arith.cmpi ne, %rem3A_333, %ne3A_334 : i32
    %and3A_336 = arith.andi %ne3A_332, %ne3A_335 : i1
    %sub3A_337 = arith.constant 1 : i32
    %sub3A_338 = arith.subi %div3A_317, %sub3A_337 : i32
    %select_n3A_339 = arith.select %and3A_336, %sub3A_338, %div3A_317 : i32
    %jit3A_340 = arith.constant 16 : i32
    %eq3A_341 = arith.constant 0 : i32
    %eq3A_342 = arith.cmpi eq, %jit3A_340, %eq3A_341 : i32
    %jit3A_343 = arith.constant 1 : i32
    %select_n3A_344 = arith.select %eq3A_342, %jit3A_343, %jit3A_340 : i32
    %rem3A_345 = arith.remsi %add3A_315, %select_n3A_344 : i32
    %ne3A_346 = arith.constant 0 : i32
    %ne3A_347 = arith.cmpi ne, %rem3A_345, %ne3A_346 : i32
    %lt3A_348 = arith.constant 0 : i32
    %lt3A_349 = arith.cmpi slt, %rem3A_345, %lt3A_348 : i32
    %lt3A_350 = arith.constant 0 : i32
    %lt3A_351 = arith.cmpi slt, %select_n3A_344, %lt3A_350 : i32
    %ne3A_352 = arith.xori %lt3A_349, %lt3A_351 : i1
    %and3A_353 = arith.andi %ne3A_352, %ne3A_347 : i1
    %add3A_354 = arith.addi %rem3A_345, %select_n3A_344 : i32
    %select_n3A_355 = arith.select %and3A_353, %add3A_354, %rem3A_345 : i32
    %mul3A_356 = arith.constant 1024 : i32
    %mul3A_357 = arith.muli %select_n3A_355, %mul3A_356 : i32
    %dma_start3A_358 = tpu.memref_slice %arg2[%select_n3A_339, %mul3A_357] : memref<200x16384xi32, #tpu.memory_space<hbm>> -> memref<1x1024xi32, #tpu.memory_space<hbm>>
    %dma_start3A_359 = tpu.memref_slice %arg2[%select_n3A_339, %mul3A_357] : memref<200x16384xi32, #tpu.memory_space<hbm>> -> memref<1x1024xi32, #tpu.memory_space<hbm>>
    tpu.enqueue_dma source(%dma_start3A_359 : memref<1x1024xi32, #tpu.memory_space<hbm>>) target(%arg13 : memref<1x1024xi32, #tpu.memory_space<vmem>>) target_semaphore(%arg23 : memref<!tpu.dma_semaphore, #tpu.memory_space<semaphore_mem>>)
    "tpu.region"() ({
      %run_scoped3A = tpu.sem_alloc : memref<!tpu.dma_semaphore, #tpu.memory_space<semaphore_mem>>
      tpu.enqueue_dma source(%arg3 : memref<120000xi32, #tpu.memory_space<hbm>>) target(%arg5 : memref<120000xi32, #tpu.memory_space<vmem>>) target_semaphore(%run_scoped3A : memref<!tpu.dma_semaphore, #tpu.memory_space<semaphore_mem>>)
      tpu.wait_dma2 semaphore(%run_scoped3A : memref<!tpu.dma_semaphore, #tpu.memory_space<semaphore_mem>>) src(%arg3 : memref<120000xi32, #tpu.memory_space<hbm>>) dst(%arg5 : memref<120000xi32, #tpu.memory_space<vmem>>)
      tpu.yield
    }) : () -> ()
    %scan3A = arith.constant 0 : i32
    %scan3A_360 = arith.constant 0 : i32
    %scan3A_361 = arith.constant 10 : i32
    %scan3A_362 = arith.addi %scan3A_360, %scan3A_361 : i32
    %scan3A_363 = arith.constant 1 : i32
    scf.for %scan3A_456 = %scan3A_360 to %scan3A_362 step %scan3A_363  : i32 {
      %mul3A_457 = arith.constant 10 : i32
      %mul3A_458 = arith.muli %scan3A_456, %mul3A_457 : i32
      %add3A_459 = arith.constant 0 : i32
      %add3A_460 = arith.addi %mul3A_458, %add3A_459 : i32
      %ge3A = arith.constant 2 : i32
      %ge3A_461 = arith.cmpi sge, %add3A_460, %ge3A : i32
      %convert_element_type3A = arith.extui %ge3A_461 : i1 to i32
      %cond3A = arith.constant 0 : i32
      %cond3A_462 = arith.cmpi ne, %convert_element_type3A, %cond3A : i32
      scf.if %cond3A_462 {
        %sub3A_1543 = arith.constant 2 : i32
        %sub3A_1544 = arith.subi %add3A_460, %sub3A_1543 : i32
        %add3A_1545 = arith.addi %mul3A_2, %sub3A_1544 : i32
        %jit3A_1546 = arith.constant 16 : i32
        %div3A_1547 = arith.divsi %add3A_1545, %jit3A_1546 : i32
        %sign3A_1548 = arith.constant 0 : i32
        %sign3A_1549 = arith.cmpi sgt, %add3A_1545, %sign3A_1548 : i32
        %sign3A_1550 = arith.extui %sign3A_1549 : i1 to i32
        %sign3A_1551 = arith.constant 0 : i32
        %sign3A_1552 = arith.cmpi slt, %add3A_1545, %sign3A_1551 : i32
        %sign3A_1553 = arith.extui %sign3A_1552 : i1 to i32
        %sign3A_1554 = arith.subi %sign3A_1550, %sign3A_1553 : i32
        %sign3A_1555 = arith.constant 0 : i32
        %sign3A_1556 = arith.cmpi sgt, %jit3A_1546, %sign3A_1555 : i32
        %sign3A_1557 = arith.extui %sign3A_1556 : i1 to i32
        %sign3A_1558 = arith.constant 0 : i32
        %sign3A_1559 = arith.cmpi slt, %jit3A_1546, %sign3A_1558 : i32
        %sign3A_1560 = arith.extui %sign3A_1559 : i1 to i32
        %sign3A_1561 = arith.subi %sign3A_1557, %sign3A_1560 : i32
        %ne3A_1562 = arith.cmpi ne, %sign3A_1554, %sign3A_1561 : i32
        %rem3A_1563 = arith.remsi %add3A_1545, %jit3A_1546 : i32
        %ne3A_1564 = arith.constant 0 : i32
        %ne3A_1565 = arith.cmpi ne, %rem3A_1563, %ne3A_1564 : i32
        %and3A_1566 = arith.andi %ne3A_1562, %ne3A_1565 : i1
        %sub3A_1567 = arith.constant 1 : i32
        %sub3A_1568 = arith.subi %div3A_1547, %sub3A_1567 : i32
        %select_n3A_1569 = arith.select %and3A_1566, %sub3A_1568, %div3A_1547 : i32
        %jit3A_1570 = arith.constant 16 : i32
        %eq3A_1571 = arith.constant 0 : i32
        %eq3A_1572 = arith.cmpi eq, %jit3A_1570, %eq3A_1571 : i32
        %jit3A_1573 = arith.constant 1 : i32
        %select_n3A_1574 = arith.select %eq3A_1572, %jit3A_1573, %jit3A_1570 : i32
        %rem3A_1575 = arith.remsi %add3A_1545, %select_n3A_1574 : i32
        %ne3A_1576 = arith.constant 0 : i32
        %ne3A_1577 = arith.cmpi ne, %rem3A_1575, %ne3A_1576 : i32
        %lt3A_1578 = arith.constant 0 : i32
        %lt3A_1579 = arith.cmpi slt, %rem3A_1575, %lt3A_1578 : i32
        %lt3A_1580 = arith.constant 0 : i32
        %lt3A_1581 = arith.cmpi slt, %select_n3A_1574, %lt3A_1580 : i32
        %ne3A_1582 = arith.xori %lt3A_1579, %lt3A_1581 : i1
        %and3A_1583 = arith.andi %ne3A_1582, %ne3A_1577 : i1
        %add3A_1584 = arith.addi %rem3A_1575, %select_n3A_1574 : i32
        %select_n3A_1585 = arith.select %and3A_1583, %add3A_1584, %rem3A_1575 : i32
        %mul3A_1586 = arith.constant 1024 : i32
        %mul3A_1587 = arith.muli %select_n3A_1585, %mul3A_1586 : i32
        %dma_wait3A_1588 = tpu.memref_slice %arg4[%select_n3A_1569, %mul3A_1587] : memref<200x16384xi32, #tpu.memory_space<hbm>> -> memref<1x1024xi32, #tpu.memory_space<hbm>>
        %dma_wait3A_1589 = tpu.memref_slice %arg4[%select_n3A_1569, %mul3A_1587] : memref<200x16384xi32, #tpu.memory_space<hbm>> -> memref<1x1024xi32, #tpu.memory_space<hbm>>
        tpu.wait_dma2 semaphore(%arg34 : memref<!tpu.dma_semaphore, #tpu.memory_space<semaphore_mem>>) src(%arg14 : memref<1x1024xi32, #tpu.memory_space<vmem>>) dst(%dma_wait3A_1589 : memref<1x1024xi32, #tpu.memory_space<hbm>>)
      } else {
      }
      %add3A_463 = arith.constant 8 : i32
      %add3A_464 = arith.addi %add3A_460, %add3A_463 : i32
      %lt3A_465 = arith.constant 100 : i32
      %lt3A_466 = arith.cmpi slt, %add3A_464, %lt3A_465 : i32
      %convert_element_type3A_467 = arith.extui %lt3A_466 : i1 to i32
      %cond3A_468 = arith.constant 0 : i32
      %cond3A_469 = arith.cmpi ne, %convert_element_type3A_467, %cond3A_468 : i32
      scf.if %cond3A_469 {
        %add3A_1543 = arith.constant 8 : i32
        %add3A_1544 = arith.addi %add3A_460, %add3A_1543 : i32
        %add3A_1545 = arith.addi %mul3A_2, %add3A_1544 : i32
        %jit3A_1546 = arith.constant 16 : i32
        %div3A_1547 = arith.divsi %add3A_1545, %jit3A_1546 : i32
        %sign3A_1548 = arith.constant 0 : i32
        %sign3A_1549 = arith.cmpi sgt, %add3A_1545, %sign3A_1548 : i32
        %sign3A_1550 = arith.extui %sign3A_1549 : i1 to i32
        %sign3A_1551 = arith.constant 0 : i32
        %sign3A_1552 = arith.cmpi slt, %add3A_1545, %sign3A_1551 : i32
        %sign3A_1553 = arith.extui %sign3A_1552 : i1 to i32
        %sign3A_1554 = arith.subi %sign3A_1550, %sign3A_1553 : i32
        %sign3A_1555 = arith.constant 0 : i32
        %sign3A_1556 = arith.cmpi sgt, %jit3A_1546, %sign3A_1555 : i32
        %sign3A_1557 = arith.extui %sign3A_1556 : i1 to i32
        %sign3A_1558 = arith.constant 0 : i32
        %sign3A_1559 = arith.cmpi slt, %jit3A_1546, %sign3A_1558 : i32
        %sign3A_1560 = arith.extui %sign3A_1559 : i1 to i32
        %sign3A_1561 = arith.subi %sign3A_1557, %sign3A_1560 : i32
        %ne3A_1562 = arith.cmpi ne, %sign3A_1554, %sign3A_1561 : i32
        %rem3A_1563 = arith.remsi %add3A_1545, %jit3A_1546 : i32
        %ne3A_1564 = arith.constant 0 : i32
        %ne3A_1565 = arith.cmpi ne, %rem3A_1563, %ne3A_1564 : i32
        %and3A_1566 = arith.andi %ne3A_1562, %ne3A_1565 : i1
        %sub3A_1567 = arith.constant 1 : i32
        %sub3A_1568 = arith.subi %div3A_1547, %sub3A_1567 : i32
        %select_n3A_1569 = arith.select %and3A_1566, %sub3A_1568, %div3A_1547 : i32
        %jit3A_1570 = arith.constant 16 : i32
        %eq3A_1571 = arith.constant 0 : i32
        %eq3A_1572 = arith.cmpi eq, %jit3A_1570, %eq3A_1571 : i32
        %jit3A_1573 = arith.constant 1 : i32
        %select_n3A_1574 = arith.select %eq3A_1572, %jit3A_1573, %jit3A_1570 : i32
        %rem3A_1575 = arith.remsi %add3A_1545, %select_n3A_1574 : i32
        %ne3A_1576 = arith.constant 0 : i32
        %ne3A_1577 = arith.cmpi ne, %rem3A_1575, %ne3A_1576 : i32
        %lt3A_1578 = arith.constant 0 : i32
        %lt3A_1579 = arith.cmpi slt, %rem3A_1575, %lt3A_1578 : i32
        %lt3A_1580 = arith.constant 0 : i32
        %lt3A_1581 = arith.cmpi slt, %select_n3A_1574, %lt3A_1580 : i32
        %ne3A_1582 = arith.xori %lt3A_1579, %lt3A_1581 : i1
        %and3A_1583 = arith.andi %ne3A_1582, %ne3A_1577 : i1
        %add3A_1584 = arith.addi %rem3A_1575, %select_n3A_1574 : i32
        %select_n3A_1585 = arith.select %and3A_1583, %add3A_1584, %rem3A_1575 : i32
        %mul3A_1586 = arith.constant 1024 : i32
        %mul3A_1587 = arith.muli %select_n3A_1585, %mul3A_1586 : i32
        %dma_start3A_1588 = tpu.memref_slice %arg2[%select_n3A_1569, %mul3A_1587] : memref<200x16384xi32, #tpu.memory_space<hbm>> -> memref<1x1024xi32, #tpu.memory_space<hbm>>
        %dma_start3A_1589 = tpu.memref_slice %arg2[%select_n3A_1569, %mul3A_1587] : memref<200x16384xi32, #tpu.memory_space<hbm>> -> memref<1x1024xi32, #tpu.memory_space<hbm>>
        tpu.enqueue_dma source(%dma_start3A_1589 : memref<1x1024xi32, #tpu.memory_space<hbm>>) target(%arg14 : memref<1x1024xi32, #tpu.memory_space<vmem>>) target_semaphore(%arg24 : memref<!tpu.dma_semaphore, #tpu.memory_space<semaphore_mem>>)
      } else {
      }
      %add3A_470 = arith.addi %mul3A_2, %add3A_460 : i32
      %jit3A_471 = arith.constant 16 : i32
      %div3A_472 = arith.divsi %add3A_470, %jit3A_471 : i32
      %sign3A_473 = arith.constant 0 : i32
      %sign3A_474 = arith.cmpi sgt, %add3A_470, %sign3A_473 : i32
      %sign3A_475 = arith.extui %sign3A_474 : i1 to i32
      %sign3A_476 = arith.constant 0 : i32
      %sign3A_477 = arith.cmpi slt, %add3A_470, %sign3A_476 : i32
      %sign3A_478 = arith.extui %sign3A_477 : i1 to i32
      %sign3A_479 = arith.subi %sign3A_475, %sign3A_478 : i32
      %sign3A_480 = arith.constant 0 : i32
      %sign3A_481 = arith.cmpi sgt, %jit3A_471, %sign3A_480 : i32
      %sign3A_482 = arith.extui %sign3A_481 : i1 to i32
      %sign3A_483 = arith.constant 0 : i32
      %sign3A_484 = arith.cmpi slt, %jit3A_471, %sign3A_483 : i32
      %sign3A_485 = arith.extui %sign3A_484 : i1 to i32
      %sign3A_486 = arith.subi %sign3A_482, %sign3A_485 : i32
      %ne3A_487 = arith.cmpi ne, %sign3A_479, %sign3A_486 : i32
      %rem3A_488 = arith.remsi %add3A_470, %jit3A_471 : i32
      %ne3A_489 = arith.constant 0 : i32
      %ne3A_490 = arith.cmpi ne, %rem3A_488, %ne3A_489 : i32
      %and3A_491 = arith.andi %ne3A_487, %ne3A_490 : i1
      %sub3A_492 = arith.constant 1 : i32
      %sub3A_493 = arith.subi %div3A_472, %sub3A_492 : i32
      %select_n3A_494 = arith.select %and3A_491, %sub3A_493, %div3A_472 : i32
      %jit3A_495 = arith.constant 16 : i32
      %eq3A_496 = arith.constant 0 : i32
      %eq3A_497 = arith.cmpi eq, %jit3A_495, %eq3A_496 : i32
      %jit3A_498 = arith.constant 1 : i32
      %select_n3A_499 = arith.select %eq3A_497, %jit3A_498, %jit3A_495 : i32
      %rem3A_500 = arith.remsi %add3A_470, %select_n3A_499 : i32
      %ne3A_501 = arith.constant 0 : i32
      %ne3A_502 = arith.cmpi ne, %rem3A_500, %ne3A_501 : i32
      %lt3A_503 = arith.constant 0 : i32
      %lt3A_504 = arith.cmpi slt, %rem3A_500, %lt3A_503 : i32
      %lt3A_505 = arith.constant 0 : i32
      %lt3A_506 = arith.cmpi slt, %select_n3A_499, %lt3A_505 : i32
      %ne3A_507 = arith.xori %lt3A_504, %lt3A_506 : i1
      %and3A_508 = arith.andi %ne3A_507, %ne3A_502 : i1
      %add3A_509 = arith.addi %rem3A_500, %select_n3A_499 : i32
      %select_n3A_510 = arith.select %and3A_508, %add3A_509, %rem3A_500 : i32
      %mul3A_511 = arith.constant 1024 : i32
      %mul3A_512 = arith.muli %select_n3A_510, %mul3A_511 : i32
      %dma_wait3A_513 = tpu.memref_slice %arg2[%select_n3A_494, %mul3A_512] : memref<200x16384xi32, #tpu.memory_space<hbm>> -> memref<1x1024xi32, #tpu.memory_space<hbm>>
      %dma_wait3A_514 = tpu.memref_slice %arg2[%select_n3A_494, %mul3A_512] : memref<200x16384xi32, #tpu.memory_space<hbm>> -> memref<1x1024xi32, #tpu.memory_space<hbm>>
      tpu.wait_dma2 semaphore(%arg16 : memref<!tpu.dma_semaphore, #tpu.memory_space<semaphore_mem>>) src(%dma_wait3A_514 : memref<1x1024xi32, #tpu.memory_space<hbm>>) dst(%arg6 : memref<1x1024xi32, #tpu.memory_space<vmem>>)
      %parallel_loop3A = arith.constant 0 : i32
      %parallel_loop3A_515 = arith.constant 64 : i32
      %parallel_loop3A_516 = arith.constant 1 : i32
      scf.for %parallel_loop3A_1543 = %parallel_loop3A to %parallel_loop3A_515 step %parallel_loop3A_516  : i32 {
        %parallel_loop3A_1544 = arith.constant 16 : i32
        %parallel_loop3A_1545 = arith.muli %parallel_loop3A_1543, %parallel_loop3A_1544 : i32
        %parallel_loop3A_1546 = arith.constant 0 : i32
        %parallel_loop3A_1547 = arith.index_cast %parallel_loop3A_1546 : i32 to index
        %parallel_loop3A_1548 = arith.index_cast %parallel_loop3A_1545 : i32 to index
        %parallel_loop3A_1549 = tpu.vector_load %arg6[%parallel_loop3A_1547, %parallel_loop3A_1548] {strides = array<i32>} : memref<1x1024xi32, #tpu.memory_space<vmem>>, vector<16xi32>,
        %parallel_loop3A_1550 = tpu.vector_load_idx %arg5[%parallel_loop3A_1549] : memref<120000xi32, #tpu.memory_space<vmem>>[vector<16xi32>], vector<16xi32>,
        %parallel_loop3A_1551 = arith.constant 16 : i32
        %parallel_loop3A_1552 = arith.muli %parallel_loop3A_1543, %parallel_loop3A_1551 : i32
        %parallel_loop3A_1553 = arith.constant 0 : i32
        %parallel_loop3A_1554 = arith.index_cast %parallel_loop3A_1553 : i32 to index
        %parallel_loop3A_1555 = arith.index_cast %parallel_loop3A_1552 : i32 to index
        %parallel_loop3A_1556 = tpu.vector_load %arg6[%parallel_loop3A_1554, %parallel_loop3A_1555] {strides = array<i32>} : memref<1x1024xi32, #tpu.memory_space<vmem>>, vector<16xi32>,
        tpu.vector_store %arg6[%parallel_loop3A_1554, %parallel_loop3A_1555], %parallel_loop3A_1550 {strides = array<i32>} : memref<1x1024xi32, #tpu.memory_space<vmem>>, vector<16xi32>,
      } {sc.loop_unroll_factor = 8 : i64, sc.parallel_access}
      %add3A_517 = arith.addi %mul3A_2, %add3A_460 : i32
      %jit3A_518 = arith.constant 16 : i32
      %div3A_519 = arith.divsi %add3A_517, %jit3A_518 : i32
      %sign3A_520 = arith.constant 0 : i32
      %sign3A_521 = arith.cmpi sgt, %add3A_517, %sign3A_520 : i32
      %sign3A_522 = arith.extui %sign3A_521 : i1 to i32
      %sign3A_523 = arith.constant 0 : i32
      %sign3A_524 = arith.cmpi slt, %add3A_517, %sign3A_523 : i32
      %sign3A_525 = arith.extui %sign3A_524 : i1 to i32
      %sign3A_526 = arith.subi %sign3A_522, %sign3A_525 : i32
      %sign3A_527 = arith.constant 0 : i32
      %sign3A_528 = arith.cmpi sgt, %jit3A_518, %sign3A_527 : i32
      %sign3A_529 = arith.extui %sign3A_528 : i1 to i32
      %sign3A_530 = arith.constant 0 : i32
      %sign3A_531 = arith.cmpi slt, %jit3A_518, %sign3A_530 : i32
      %sign3A_532 = arith.extui %sign3A_531 : i1 to i32
      %sign3A_533 = arith.subi %sign3A_529, %sign3A_532 : i32
      %ne3A_534 = arith.cmpi ne, %sign3A_526, %sign3A_533 : i32
      %rem3A_535 = arith.remsi %add3A_517, %jit3A_518 : i32
      %ne3A_536 = arith.constant 0 : i32
      %ne3A_537 = arith.cmpi ne, %rem3A_535, %ne3A_536 : i32
      %and3A_538 = arith.andi %ne3A_534, %ne3A_537 : i1
      %sub3A_539 = arith.constant 1 : i32
      %sub3A_540 = arith.subi %div3A_519, %sub3A_539 : i32
      %select_n3A_541 = arith.select %and3A_538, %sub3A_540, %div3A_519 : i32
      %jit3A_542 = arith.constant 16 : i32
      %eq3A_543 = arith.constant 0 : i32
      %eq3A_544 = arith.cmpi eq, %jit3A_542, %eq3A_543 : i32
      %jit3A_545 = arith.constant 1 : i32
      %select_n3A_546 = arith.select %eq3A_544, %jit3A_545, %jit3A_542 : i32
      %rem3A_547 = arith.remsi %add3A_517, %select_n3A_546 : i32
      %ne3A_548 = arith.constant 0 : i32
      %ne3A_549 = arith.cmpi ne, %rem3A_547, %ne3A_548 : i32
      %lt3A_550 = arith.constant 0 : i32
      %lt3A_551 = arith.cmpi slt, %rem3A_547, %lt3A_550 : i32
      %lt3A_552 = arith.constant 0 : i32
      %lt3A_553 = arith.cmpi slt, %select_n3A_546, %lt3A_552 : i32
      %ne3A_554 = arith.xori %lt3A_551, %lt3A_553 : i1
      %and3A_555 = arith.andi %ne3A_554, %ne3A_549 : i1
      %add3A_556 = arith.addi %rem3A_547, %select_n3A_546 : i32
      %select_n3A_557 = arith.select %and3A_555, %add3A_556, %rem3A_547 : i32
      %mul3A_558 = arith.constant 1024 : i32
      %mul3A_559 = arith.muli %select_n3A_557, %mul3A_558 : i32
      %dma_start3A_560 = tpu.memref_slice %arg4[%select_n3A_541, %mul3A_559] : memref<200x16384xi32, #tpu.memory_space<hbm>> -> memref<1x1024xi32, #tpu.memory_space<hbm>>
      %dma_start3A_561 = tpu.memref_slice %arg4[%select_n3A_541, %mul3A_559] : memref<200x16384xi32, #tpu.memory_space<hbm>> -> memref<1x1024xi32, #tpu.memory_space<hbm>>
      tpu.enqueue_dma source(%arg6 : memref<1x1024xi32, #tpu.memory_space<vmem>>) target(%dma_start3A_561 : memref<1x1024xi32, #tpu.memory_space<hbm>>) target_semaphore(%arg26 : memref<!tpu.dma_semaphore, #tpu.memory_space<semaphore_mem>>)
      %mul3A_562 = arith.constant 10 : i32
      %mul3A_563 = arith.muli %scan3A_456, %mul3A_562 : i32
      %add3A_564 = arith.constant 1 : i32
      %add3A_565 = arith.addi %mul3A_563, %add3A_564 : i32
      %ge3A_566 = arith.constant 2 : i32
      %ge3A_567 = arith.cmpi sge, %add3A_565, %ge3A_566 : i32
      %convert_element_type3A_568 = arith.extui %ge3A_567 : i1 to i32
      %cond3A_569 = arith.constant 0 : i32
      %cond3A_570 = arith.cmpi ne, %convert_element_type3A_568, %cond3A_569 : i32
      scf.if %cond3A_570 {
        %sub3A_1543 = arith.constant 2 : i32
        %sub3A_1544 = arith.subi %add3A_565, %sub3A_1543 : i32
        %add3A_1545 = arith.addi %mul3A_2, %sub3A_1544 : i32
        %jit3A_1546 = arith.constant 16 : i32
        %div3A_1547 = arith.divsi %add3A_1545, %jit3A_1546 : i32
        %sign3A_1548 = arith.constant 0 : i32
        %sign3A_1549 = arith.cmpi sgt, %add3A_1545, %sign3A_1548 : i32
        %sign3A_1550 = arith.extui %sign3A_1549 : i1 to i32
        %sign3A_1551 = arith.constant 0 : i32
        %sign3A_1552 = arith.cmpi slt, %add3A_1545, %sign3A_1551 : i32
        %sign3A_1553 = arith.extui %sign3A_1552 : i1 to i32
        %sign3A_1554 = arith.subi %sign3A_1550, %sign3A_1553 : i32
        %sign3A_1555 = arith.constant 0 : i32
        %sign3A_1556 = arith.cmpi sgt, %jit3A_1546, %sign3A_1555 : i32
        %sign3A_1557 = arith.extui %sign3A_1556 : i1 to i32
        %sign3A_1558 = arith.constant 0 : i32
        %sign3A_1559 = arith.cmpi slt, %jit3A_1546, %sign3A_1558 : i32
        %sign3A_1560 = arith.extui %sign3A_1559 : i1 to i32
        %sign3A_1561 = arith.subi %sign3A_1557, %sign3A_1560 : i32
        %ne3A_1562 = arith.cmpi ne, %sign3A_1554, %sign3A_1561 : i32
        %rem3A_1563 = arith.remsi %add3A_1545, %jit3A_1546 : i32
        %ne3A_1564 = arith.constant 0 : i32
        %ne3A_1565 = arith.cmpi ne, %rem3A_1563, %ne3A_1564 : i32
        %and3A_1566 = arith.andi %ne3A_1562, %ne3A_1565 : i1
        %sub3A_1567 = arith.constant 1 : i32
        %sub3A_1568 = arith.subi %div3A_1547, %sub3A_1567 : i32
        %select_n3A_1569 = arith.select %and3A_1566, %sub3A_1568, %div3A_1547 : i32
        %jit3A_1570 = arith.constant 16 : i32
        %eq3A_1571 = arith.constant 0 : i32
        %eq3A_1572 = arith.cmpi eq, %jit3A_1570, %eq3A_1571 : i32
        %jit3A_1573 = arith.constant 1 : i32
        %select_n3A_1574 = arith.select %eq3A_1572, %jit3A_1573, %jit3A_1570 : i32
        %rem3A_1575 = arith.remsi %add3A_1545, %select_n3A_1574 : i32
        %ne3A_1576 = arith.constant 0 : i32
        %ne3A_1577 = arith.cmpi ne, %rem3A_1575, %ne3A_1576 : i32
        %lt3A_1578 = arith.constant 0 : i32
        %lt3A_1579 = arith.cmpi slt, %rem3A_1575, %lt3A_1578 : i32
        %lt3A_1580 = arith.constant 0 : i32
        %lt3A_1581 = arith.cmpi slt, %select_n3A_1574, %lt3A_1580 : i32
        %ne3A_1582 = arith.xori %lt3A_1579, %lt3A_1581 : i1
        %and3A_1583 = arith.andi %ne3A_1582, %ne3A_1577 : i1
        %add3A_1584 = arith.addi %rem3A_1575, %select_n3A_1574 : i32
        %select_n3A_1585 = arith.select %and3A_1583, %add3A_1584, %rem3A_1575 : i32
        %mul3A_1586 = arith.constant 1024 : i32
        %mul3A_1587 = arith.muli %select_n3A_1585, %mul3A_1586 : i32
        %dma_wait3A_1588 = tpu.memref_slice %arg4[%select_n3A_1569, %mul3A_1587] : memref<200x16384xi32, #tpu.memory_space<hbm>> -> memref<1x1024xi32, #tpu.memory_space<hbm>>
        %dma_wait3A_1589 = tpu.memref_slice %arg4[%select_n3A_1569, %mul3A_1587] : memref<200x16384xi32, #tpu.memory_space<hbm>> -> memref<1x1024xi32, #tpu.memory_space<hbm>>
        tpu.wait_dma2 semaphore(%arg35 : memref<!tpu.dma_semaphore, #tpu.memory_space<semaphore_mem>>) src(%arg15 : memref<1x1024xi32, #tpu.memory_space<vmem>>) dst(%dma_wait3A_1589 : memref<1x1024xi32, #tpu.memory_space<hbm>>)
      } else {
      }
      %add3A_571 = arith.constant 8 : i32
      %add3A_572 = arith.addi %add3A_565, %add3A_571 : i32
      %lt3A_573 = arith.constant 100 : i32
      %lt3A_574 = arith.cmpi slt, %add3A_572, %lt3A_573 : i32
      %convert_element_type3A_575 = arith.extui %lt3A_574 : i1 to i32
      %cond3A_576 = arith.constant 0 : i32
      %cond3A_577 = arith.cmpi ne, %convert_element_type3A_575, %cond3A_576 : i32
      scf.if %cond3A_577 {
        %add3A_1543 = arith.constant 8 : i32
        %add3A_1544 = arith.addi %add3A_565, %add3A_1543 : i32
        %add3A_1545 = arith.addi %mul3A_2, %add3A_1544 : i32
        %jit3A_1546 = arith.constant 16 : i32
        %div3A_1547 = arith.divsi %add3A_1545, %jit3A_1546 : i32
        %sign3A_1548 = arith.constant 0 : i32
        %sign3A_1549 = arith.cmpi sgt, %add3A_1545, %sign3A_1548 : i32
        %sign3A_1550 = arith.extui %sign3A_1549 : i1 to i32
        %sign3A_1551 = arith.constant 0 : i32
        %sign3A_1552 = arith.cmpi slt, %add3A_1545, %sign3A_1551 : i32
        %sign3A_1553 = arith.extui %sign3A_1552 : i1 to i32
        %sign3A_1554 = arith.subi %sign3A_1550, %sign3A_1553 : i32
        %sign3A_1555 = arith.constant 0 : i32
        %sign3A_1556 = arith.cmpi sgt, %jit3A_1546, %sign3A_1555 : i32
        %sign3A_1557 = arith.extui %sign3A_1556 : i1 to i32
        %sign3A_1558 = arith.constant 0 : i32
        %sign3A_1559 = arith.cmpi slt, %jit3A_1546, %sign3A_1558 : i32
        %sign3A_1560 = arith.extui %sign3A_1559 : i1 to i32
        %sign3A_1561 = arith.subi %sign3A_1557, %sign3A_1560 : i32
        %ne3A_1562 = arith.cmpi ne, %sign3A_1554, %sign3A_1561 : i32
        %rem3A_1563 = arith.remsi %add3A_1545, %jit3A_1546 : i32
        %ne3A_1564 = arith.constant 0 : i32
        %ne3A_1565 = arith.cmpi ne, %rem3A_1563, %ne3A_1564 : i32
        %and3A_1566 = arith.andi %ne3A_1562, %ne3A_1565 : i1
        %sub3A_1567 = arith.constant 1 : i32
        %sub3A_1568 = arith.subi %div3A_1547, %sub3A_1567 : i32
        %select_n3A_1569 = arith.select %and3A_1566, %sub3A_1568, %div3A_1547 : i32
        %jit3A_1570 = arith.constant 16 : i32
        %eq3A_1571 = arith.constant 0 : i32
        %eq3A_1572 = arith.cmpi eq, %jit3A_1570, %eq3A_1571 : i32
        %jit3A_1573 = arith.constant 1 : i32
        %select_n3A_1574 = arith.select %eq3A_1572, %jit3A_1573, %jit3A_1570 : i32
        %rem3A_1575 = arith.remsi %add3A_1545, %select_n3A_1574 : i32
        %ne3A_1576 = arith.constant 0 : i32
        %ne3A_1577 = arith.cmpi ne, %rem3A_1575, %ne3A_1576 : i32
        %lt3A_1578 = arith.constant 0 : i32
        %lt3A_1579 = arith.cmpi slt, %rem3A_1575, %lt3A_1578 : i32
        %lt3A_1580 = arith.constant 0 : i32
        %lt3A_1581 = arith.cmpi slt, %select_n3A_1574, %lt3A_1580 : i32
        %ne3A_1582 = arith.xori %lt3A_1579, %lt3A_1581 : i1
        %and3A_1583 = arith.andi %ne3A_1582, %ne3A_1577 : i1
        %add3A_1584 = arith.addi %rem3A_1575, %select_n3A_1574 : i32
        %select_n3A_1585 = arith.select %and3A_1583, %add3A_1584, %rem3A_1575 : i32
        %mul3A_1586 = arith.constant 1024 : i32
        %mul3A_1587 = arith.muli %select_n3A_1585, %mul3A_1586 : i32
        %dma_start3A_1588 = tpu.memref_slice %arg2[%select_n3A_1569, %mul3A_1587] : memref<200x16384xi32, #tpu.memory_space<hbm>> -> memref<1x1024xi32, #tpu.memory_space<hbm>>
        %dma_start3A_1589 = tpu.memref_slice %arg2[%select_n3A_1569, %mul3A_1587] : memref<200x16384xi32, #tpu.memory_space<hbm>> -> memref<1x1024xi32, #tpu.memory_space<hbm>>
        tpu.enqueue_dma source(%dma_start3A_1589 : memref<1x1024xi32, #tpu.memory_space<hbm>>) target(%arg15 : memref<1x1024xi32, #tpu.memory_space<vmem>>) target_semaphore(%arg25 : memref<!tpu.dma_semaphore, #tpu.memory_space<semaphore_mem>>)
      } else {
      }
      %add3A_578 = arith.addi %mul3A_2, %add3A_565 : i32
      %jit3A_579 = arith.constant 16 : i32
      %div3A_580 = arith.divsi %add3A_578, %jit3A_579 : i32
      %sign3A_581 = arith.constant 0 : i32
      %sign3A_582 = arith.cmpi sgt, %add3A_578, %sign3A_581 : i32
      %sign3A_583 = arith.extui %sign3A_582 : i1 to i32
      %sign3A_584 = arith.constant 0 : i32
      %sign3A_585 = arith.cmpi slt, %add3A_578, %sign3A_584 : i32
      %sign3A_586 = arith.extui %sign3A_585 : i1 to i32
      %sign3A_587 = arith.subi %sign3A_583, %sign3A_586 : i32
      %sign3A_588 = arith.constant 0 : i32
      %sign3A_589 = arith.cmpi sgt, %jit3A_579, %sign3A_588 : i32
      %sign3A_590 = arith.extui %sign3A_589 : i1 to i32
      %sign3A_591 = arith.constant 0 : i32
      %sign3A_592 = arith.cmpi slt, %jit3A_579, %sign3A_591 : i32
      %sign3A_593 = arith.extui %sign3A_592 : i1 to i32
      %sign3A_594 = arith.subi %sign3A_590, %sign3A_593 : i32
      %ne3A_595 = arith.cmpi ne, %sign3A_587, %sign3A_594 : i32
      %rem3A_596 = arith.remsi %add3A_578, %jit3A_579 : i32
      %ne3A_597 = arith.constant 0 : i32
      %ne3A_598 = arith.cmpi ne, %rem3A_596, %ne3A_597 : i32
      %and3A_599 = arith.andi %ne3A_595, %ne3A_598 : i1
      %sub3A_600 = arith.constant 1 : i32
      %sub3A_601 = arith.subi %div3A_580, %sub3A_600 : i32
      %select_n3A_602 = arith.select %and3A_599, %sub3A_601, %div3A_580 : i32
      %jit3A_603 = arith.constant 16 : i32
      %eq3A_604 = arith.constant 0 : i32
      %eq3A_605 = arith.cmpi eq, %jit3A_603, %eq3A_604 : i32
      %jit3A_606 = arith.constant 1 : i32
      %select_n3A_607 = arith.select %eq3A_605, %jit3A_606, %jit3A_603 : i32
      %rem3A_608 = arith.remsi %add3A_578, %select_n3A_607 : i32
      %ne3A_609 = arith.constant 0 : i32
      %ne3A_610 = arith.cmpi ne, %rem3A_608, %ne3A_609 : i32
      %lt3A_611 = arith.constant 0 : i32
      %lt3A_612 = arith.cmpi slt, %rem3A_608, %lt3A_611 : i32
      %lt3A_613 = arith.constant 0 : i32
      %lt3A_614 = arith.cmpi slt, %select_n3A_607, %lt3A_613 : i32
      %ne3A_615 = arith.xori %lt3A_612, %lt3A_614 : i1
      %and3A_616 = arith.andi %ne3A_615, %ne3A_610 : i1
      %add3A_617 = arith.addi %rem3A_608, %select_n3A_607 : i32
      %select_n3A_618 = arith.select %and3A_616, %add3A_617, %rem3A_608 : i32
      %mul3A_619 = arith.constant 1024 : i32
      %mul3A_620 = arith.muli %select_n3A_618, %mul3A_619 : i32
      %dma_wait3A_621 = tpu.memref_slice %arg2[%select_n3A_602, %mul3A_620] : memref<200x16384xi32, #tpu.memory_space<hbm>> -> memref<1x1024xi32, #tpu.memory_space<hbm>>
      %dma_wait3A_622 = tpu.memref_slice %arg2[%select_n3A_602, %mul3A_620] : memref<200x16384xi32, #tpu.memory_space<hbm>> -> memref<1x1024xi32, #tpu.memory_space<hbm>>
      tpu.wait_dma2 semaphore(%arg17 : memref<!tpu.dma_semaphore, #tpu.memory_space<semaphore_mem>>) src(%dma_wait3A_622 : memref<1x1024xi32, #tpu.memory_space<hbm>>) dst(%arg7 : memref<1x1024xi32, #tpu.memory_space<vmem>>)
      %parallel_loop3A_623 = arith.constant 0 : i32
      %parallel_loop3A_624 = arith.constant 64 : i32
      %parallel_loop3A_625 = arith.constant 1 : i32
      scf.for %parallel_loop3A_1543 = %parallel_loop3A_623 to %parallel_loop3A_624 step %parallel_loop3A_625  : i32 {
        %parallel_loop3A_1544 = arith.constant 16 : i32
        %parallel_loop3A_1545 = arith.muli %parallel_loop3A_1543, %parallel_loop3A_1544 : i32
        %parallel_loop3A_1546 = arith.constant 0 : i32
        %parallel_loop3A_1547 = arith.index_cast %parallel_loop3A_1546 : i32 to index
        %parallel_loop3A_1548 = arith.index_cast %parallel_loop3A_1545 : i32 to index
        %parallel_loop3A_1549 = tpu.vector_load %arg7[%parallel_loop3A_1547, %parallel_loop3A_1548] {strides = array<i32>} : memref<1x1024xi32, #tpu.memory_space<vmem>>, vector<16xi32>,
        %parallel_loop3A_1550 = tpu.vector_load_idx %arg5[%parallel_loop3A_1549] : memref<120000xi32, #tpu.memory_space<vmem>>[vector<16xi32>], vector<16xi32>,
        %parallel_loop3A_1551 = arith.constant 16 : i32
        %parallel_loop3A_1552 = arith.muli %parallel_loop3A_1543, %parallel_loop3A_1551 : i32
        %parallel_loop3A_1553 = arith.constant 0 : i32
        %parallel_loop3A_1554 = arith.index_cast %parallel_loop3A_1553 : i32 to index
        %parallel_loop3A_1555 = arith.index_cast %parallel_loop3A_1552 : i32 to index
        %parallel_loop3A_1556 = tpu.vector_load %arg7[%parallel_loop3A_1554, %parallel_loop3A_1555] {strides = array<i32>} : memref<1x1024xi32, #tpu.memory_space<vmem>>, vector<16xi32>,
        tpu.vector_store %arg7[%parallel_loop3A_1554, %parallel_loop3A_1555], %parallel_loop3A_1550 {strides = array<i32>} : memref<1x1024xi32, #tpu.memory_space<vmem>>, vector<16xi32>,
      } {sc.loop_unroll_factor = 8 : i64, sc.parallel_access}
      %add3A_626 = arith.addi %mul3A_2, %add3A_565 : i32
      %jit3A_627 = arith.constant 16 : i32
      %div3A_628 = arith.divsi %add3A_626, %jit3A_627 : i32
      %sign3A_629 = arith.constant 0 : i32
      %sign3A_630 = arith.cmpi sgt, %add3A_626, %sign3A_629 : i32
      %sign3A_631 = arith.extui %sign3A_630 : i1 to i32
      %sign3A_632 = arith.constant 0 : i32
      %sign3A_633 = arith.cmpi slt, %add3A_626, %sign3A_632 : i32
      %sign3A_634 = arith.extui %sign3A_633 : i1 to i32
      %sign3A_635 = arith.subi %sign3A_631, %sign3A_634 : i32
      %sign3A_636 = arith.constant 0 : i32
      %sign3A_637 = arith.cmpi sgt, %jit3A_627, %sign3A_636 : i32
      %sign3A_638 = arith.extui %sign3A_637 : i1 to i32
      %sign3A_639 = arith.constant 0 : i32
      %sign3A_640 = arith.cmpi slt, %jit3A_627, %sign3A_639 : i32
      %sign3A_641 = arith.extui %sign3A_640 : i1 to i32
      %sign3A_642 = arith.subi %sign3A_638, %sign3A_641 : i32
      %ne3A_643 = arith.cmpi ne, %sign3A_635, %sign3A_642 : i32
      %rem3A_644 = arith.remsi %add3A_626, %jit3A_627 : i32
      %ne3A_645 = arith.constant 0 : i32
      %ne3A_646 = arith.cmpi ne, %rem3A_644, %ne3A_645 : i32
      %and3A_647 = arith.andi %ne3A_643, %ne3A_646 : i1
      %sub3A_648 = arith.constant 1 : i32
      %sub3A_649 = arith.subi %div3A_628, %sub3A_648 : i32
      %select_n3A_650 = arith.select %and3A_647, %sub3A_649, %div3A_628 : i32
      %jit3A_651 = arith.constant 16 : i32
      %eq3A_652 = arith.constant 0 : i32
      %eq3A_653 = arith.cmpi eq, %jit3A_651, %eq3A_652 : i32
      %jit3A_654 = arith.constant 1 : i32
      %select_n3A_655 = arith.select %eq3A_653, %jit3A_654, %jit3A_651 : i32
      %rem3A_656 = arith.remsi %add3A_626, %select_n3A_655 : i32
      %ne3A_657 = arith.constant 0 : i32
      %ne3A_658 = arith.cmpi ne, %rem3A_656, %ne3A_657 : i32
      %lt3A_659 = arith.constant 0 : i32
      %lt3A_660 = arith.cmpi slt, %rem3A_656, %lt3A_659 : i32
      %lt3A_661 = arith.constant 0 : i32
      %lt3A_662 = arith.cmpi slt, %select_n3A_655, %lt3A_661 : i32
      %ne3A_663 = arith.xori %lt3A_660, %lt3A_662 : i1
      %and3A_664 = arith.andi %ne3A_663, %ne3A_658 : i1
      %add3A_665 = arith.addi %rem3A_656, %select_n3A_655 : i32
      %select_n3A_666 = arith.select %and3A_664, %add3A_665, %rem3A_656 : i32
      %mul3A_667 = arith.constant 1024 : i32
      %mul3A_668 = arith.muli %select_n3A_666, %mul3A_667 : i32
      %dma_start3A_669 = tpu.memref_slice %arg4[%select_n3A_650, %mul3A_668] : memref<200x16384xi32, #tpu.memory_space<hbm>> -> memref<1x1024xi32, #tpu.memory_space<hbm>>
      %dma_start3A_670 = tpu.memref_slice %arg4[%select_n3A_650, %mul3A_668] : memref<200x16384xi32, #tpu.memory_space<hbm>> -> memref<1x1024xi32, #tpu.memory_space<hbm>>
      tpu.enqueue_dma source(%arg7 : memref<1x1024xi32, #tpu.memory_space<vmem>>) target(%dma_start3A_670 : memref<1x1024xi32, #tpu.memory_space<hbm>>) target_semaphore(%arg27 : memref<!tpu.dma_semaphore, #tpu.memory_space<semaphore_mem>>)
      %mul3A_671 = arith.constant 10 : i32
      %mul3A_672 = arith.muli %scan3A_456, %mul3A_671 : i32
      %add3A_673 = arith.constant 2 : i32
      %add3A_674 = arith.addi %mul3A_672, %add3A_673 : i32
      %ge3A_675 = arith.constant 2 : i32
      %ge3A_676 = arith.cmpi sge, %add3A_674, %ge3A_675 : i32
      %convert_element_type3A_677 = arith.extui %ge3A_676 : i1 to i32
      %cond3A_678 = arith.constant 0 : i32
      %cond3A_679 = arith.cmpi ne, %convert_element_type3A_677, %cond3A_678 : i32
      scf.if %cond3A_679 {
        %sub3A_1543 = arith.constant 2 : i32
        %sub3A_1544 = arith.subi %add3A_674, %sub3A_1543 : i32
        %add3A_1545 = arith.addi %mul3A_2, %sub3A_1544 : i32
        %jit3A_1546 = arith.constant 16 : i32
        %div3A_1547 = arith.divsi %add3A_1545, %jit3A_1546 : i32
        %sign3A_1548 = arith.constant 0 : i32
        %sign3A_1549 = arith.cmpi sgt, %add3A_1545, %sign3A_1548 : i32
        %sign3A_1550 = arith.extui %sign3A_1549 : i1 to i32
        %sign3A_1551 = arith.constant 0 : i32
        %sign3A_1552 = arith.cmpi slt, %add3A_1545, %sign3A_1551 : i32
        %sign3A_1553 = arith.extui %sign3A_1552 : i1 to i32
        %sign3A_1554 = arith.subi %sign3A_1550, %sign3A_1553 : i32
        %sign3A_1555 = arith.constant 0 : i32
        %sign3A_1556 = arith.cmpi sgt, %jit3A_1546, %sign3A_1555 : i32
        %sign3A_1557 = arith.extui %sign3A_1556 : i1 to i32
        %sign3A_1558 = arith.constant 0 : i32
        %sign3A_1559 = arith.cmpi slt, %jit3A_1546, %sign3A_1558 : i32
        %sign3A_1560 = arith.extui %sign3A_1559 : i1 to i32
        %sign3A_1561 = arith.subi %sign3A_1557, %sign3A_1560 : i32
        %ne3A_1562 = arith.cmpi ne, %sign3A_1554, %sign3A_1561 : i32
        %rem3A_1563 = arith.remsi %add3A_1545, %jit3A_1546 : i32
        %ne3A_1564 = arith.constant 0 : i32
        %ne3A_1565 = arith.cmpi ne, %rem3A_1563, %ne3A_1564 : i32
        %and3A_1566 = arith.andi %ne3A_1562, %ne3A_1565 : i1
        %sub3A_1567 = arith.constant 1 : i32
        %sub3A_1568 = arith.subi %div3A_1547, %sub3A_1567 : i32
        %select_n3A_1569 = arith.select %and3A_1566, %sub3A_1568, %div3A_1547 : i32
        %jit3A_1570 = arith.constant 16 : i32
        %eq3A_1571 = arith.constant 0 : i32
        %eq3A_1572 = arith.cmpi eq, %jit3A_1570, %eq3A_1571 : i32
        %jit3A_1573 = arith.constant 1 : i32
        %select_n3A_1574 = arith.select %eq3A_1572, %jit3A_1573, %jit3A_1570 : i32
        %rem3A_1575 = arith.remsi %add3A_1545, %select_n3A_1574 : i32
        %ne3A_1576 = arith.constant 0 : i32
        %ne3A_1577 = arith.cmpi ne, %rem3A_1575, %ne3A_1576 : i32
        %lt3A_1578 = arith.constant 0 : i32
        %lt3A_1579 = arith.cmpi slt, %rem3A_1575, %lt3A_1578 : i32
        %lt3A_1580 = arith.constant 0 : i32
        %lt3A_1581 = arith.cmpi slt, %select_n3A_1574, %lt3A_1580 : i32
        %ne3A_1582 = arith.xori %lt3A_1579, %lt3A_1581 : i1
        %and3A_1583 = arith.andi %ne3A_1582, %ne3A_1577 : i1
        %add3A_1584 = arith.addi %rem3A_1575, %select_n3A_1574 : i32
        %select_n3A_1585 = arith.select %and3A_1583, %add3A_1584, %rem3A_1575 : i32
        %mul3A_1586 = arith.constant 1024 : i32
        %mul3A_1587 = arith.muli %select_n3A_1585, %mul3A_1586 : i32
        %dma_wait3A_1588 = tpu.memref_slice %arg4[%select_n3A_1569, %mul3A_1587] : memref<200x16384xi32, #tpu.memory_space<hbm>> -> memref<1x1024xi32, #tpu.memory_space<hbm>>
        %dma_wait3A_1589 = tpu.memref_slice %arg4[%select_n3A_1569, %mul3A_1587] : memref<200x16384xi32, #tpu.memory_space<hbm>> -> memref<1x1024xi32, #tpu.memory_space<hbm>>
        tpu.wait_dma2 semaphore(%arg26 : memref<!tpu.dma_semaphore, #tpu.memory_space<semaphore_mem>>) src(%arg6 : memref<1x1024xi32, #tpu.memory_space<vmem>>) dst(%dma_wait3A_1589 : memref<1x1024xi32, #tpu.memory_space<hbm>>)
      } else {
      }
      %add3A_680 = arith.constant 8 : i32
      %add3A_681 = arith.addi %add3A_674, %add3A_680 : i32
      %lt3A_682 = arith.constant 100 : i32
      %lt3A_683 = arith.cmpi slt, %add3A_681, %lt3A_682 : i32
      %convert_element_type3A_684 = arith.extui %lt3A_683 : i1 to i32
      %cond3A_685 = arith.constant 0 : i32
      %cond3A_686 = arith.cmpi ne, %convert_element_type3A_684, %cond3A_685 : i32
      scf.if %cond3A_686 {
        %add3A_1543 = arith.constant 8 : i32
        %add3A_1544 = arith.addi %add3A_674, %add3A_1543 : i32
        %add3A_1545 = arith.addi %mul3A_2, %add3A_1544 : i32
        %jit3A_1546 = arith.constant 16 : i32
        %div3A_1547 = arith.divsi %add3A_1545, %jit3A_1546 : i32
        %sign3A_1548 = arith.constant 0 : i32
        %sign3A_1549 = arith.cmpi sgt, %add3A_1545, %sign3A_1548 : i32
        %sign3A_1550 = arith.extui %sign3A_1549 : i1 to i32
        %sign3A_1551 = arith.constant 0 : i32
        %sign3A_1552 = arith.cmpi slt, %add3A_1545, %sign3A_1551 : i32
        %sign3A_1553 = arith.extui %sign3A_1552 : i1 to i32
        %sign3A_1554 = arith.subi %sign3A_1550, %sign3A_1553 : i32
        %sign3A_1555 = arith.constant 0 : i32
        %sign3A_1556 = arith.cmpi sgt, %jit3A_1546, %sign3A_1555 : i32
        %sign3A_1557 = arith.extui %sign3A_1556 : i1 to i32
        %sign3A_1558 = arith.constant 0 : i32
        %sign3A_1559 = arith.cmpi slt, %jit3A_1546, %sign3A_1558 : i32
        %sign3A_1560 = arith.extui %sign3A_1559 : i1 to i32
        %sign3A_1561 = arith.subi %sign3A_1557, %sign3A_1560 : i32
        %ne3A_1562 = arith.cmpi ne, %sign3A_1554, %sign3A_1561 : i32
        %rem3A_1563 = arith.remsi %add3A_1545, %jit3A_1546 : i32
        %ne3A_1564 = arith.constant 0 : i32
        %ne3A_1565 = arith.cmpi ne, %rem3A_1563, %ne3A_1564 : i32
        %and3A_1566 = arith.andi %ne3A_1562, %ne3A_1565 : i1
        %sub3A_1567 = arith.constant 1 : i32
        %sub3A_1568 = arith.subi %div3A_1547, %sub3A_1567 : i32
        %select_n3A_1569 = arith.select %and3A_1566, %sub3A_1568, %div3A_1547 : i32
        %jit3A_1570 = arith.constant 16 : i32
        %eq3A_1571 = arith.constant 0 : i32
        %eq3A_1572 = arith.cmpi eq, %jit3A_1570, %eq3A_1571 : i32
        %jit3A_1573 = arith.constant 1 : i32
        %select_n3A_1574 = arith.select %eq3A_1572, %jit3A_1573, %jit3A_1570 : i32
        %rem3A_1575 = arith.remsi %add3A_1545, %select_n3A_1574 : i32
        %ne3A_1576 = arith.constant 0 : i32
        %ne3A_1577 = arith.cmpi ne, %rem3A_1575, %ne3A_1576 : i32
        %lt3A_1578 = arith.constant 0 : i32
        %lt3A_1579 = arith.cmpi slt, %rem3A_1575, %lt3A_1578 : i32
        %lt3A_1580 = arith.constant 0 : i32
        %lt3A_1581 = arith.cmpi slt, %select_n3A_1574, %lt3A_1580 : i32
        %ne3A_1582 = arith.xori %lt3A_1579, %lt3A_1581 : i1
        %and3A_1583 = arith.andi %ne3A_1582, %ne3A_1577 : i1
        %add3A_1584 = arith.addi %rem3A_1575, %select_n3A_1574 : i32
        %select_n3A_1585 = arith.select %and3A_1583, %add3A_1584, %rem3A_1575 : i32
        %mul3A_1586 = arith.constant 1024 : i32
        %mul3A_1587 = arith.muli %select_n3A_1585, %mul3A_1586 : i32
        %dma_start3A_1588 = tpu.memref_slice %arg2[%select_n3A_1569, %mul3A_1587] : memref<200x16384xi32, #tpu.memory_space<hbm>> -> memref<1x1024xi32, #tpu.memory_space<hbm>>
        %dma_start3A_1589 = tpu.memref_slice %arg2[%select_n3A_1569, %mul3A_1587] : memref<200x16384xi32, #tpu.memory_space<hbm>> -> memref<1x1024xi32, #tpu.memory_space<hbm>>
        tpu.enqueue_dma source(%dma_start3A_1589 : memref<1x1024xi32, #tpu.memory_space<hbm>>) target(%arg6 : memref<1x1024xi32, #tpu.memory_space<vmem>>) target_semaphore(%arg16 : memref<!tpu.dma_semaphore, #tpu.memory_space<semaphore_mem>>)
      } else {
      }
      %add3A_687 = arith.addi %mul3A_2, %add3A_674 : i32
      %jit3A_688 = arith.constant 16 : i32
      %div3A_689 = arith.divsi %add3A_687, %jit3A_688 : i32
      %sign3A_690 = arith.constant 0 : i32
      %sign3A_691 = arith.cmpi sgt, %add3A_687, %sign3A_690 : i32
      %sign3A_692 = arith.extui %sign3A_691 : i1 to i32
      %sign3A_693 = arith.constant 0 : i32
      %sign3A_694 = arith.cmpi slt, %add3A_687, %sign3A_693 : i32
      %sign3A_695 = arith.extui %sign3A_694 : i1 to i32
      %sign3A_696 = arith.subi %sign3A_692, %sign3A_695 : i32
      %sign3A_697 = arith.constant 0 : i32
      %sign3A_698 = arith.cmpi sgt, %jit3A_688, %sign3A_697 : i32
      %sign3A_699 = arith.extui %sign3A_698 : i1 to i32
      %sign3A_700 = arith.constant 0 : i32
      %sign3A_701 = arith.cmpi slt, %jit3A_688, %sign3A_700 : i32
      %sign3A_702 = arith.extui %sign3A_701 : i1 to i32
      %sign3A_703 = arith.subi %sign3A_699, %sign3A_702 : i32
      %ne3A_704 = arith.cmpi ne, %sign3A_696, %sign3A_703 : i32
      %rem3A_705 = arith.remsi %add3A_687, %jit3A_688 : i32
      %ne3A_706 = arith.constant 0 : i32
      %ne3A_707 = arith.cmpi ne, %rem3A_705, %ne3A_706 : i32
      %and3A_708 = arith.andi %ne3A_704, %ne3A_707 : i1
      %sub3A_709 = arith.constant 1 : i32
      %sub3A_710 = arith.subi %div3A_689, %sub3A_709 : i32
      %select_n3A_711 = arith.select %and3A_708, %sub3A_710, %div3A_689 : i32
      %jit3A_712 = arith.constant 16 : i32
      %eq3A_713 = arith.constant 0 : i32
      %eq3A_714 = arith.cmpi eq, %jit3A_712, %eq3A_713 : i32
      %jit3A_715 = arith.constant 1 : i32
      %select_n3A_716 = arith.select %eq3A_714, %jit3A_715, %jit3A_712 : i32
      %rem3A_717 = arith.remsi %add3A_687, %select_n3A_716 : i32
      %ne3A_718 = arith.constant 0 : i32
      %ne3A_719 = arith.cmpi ne, %rem3A_717, %ne3A_718 : i32
      %lt3A_720 = arith.constant 0 : i32
      %lt3A_721 = arith.cmpi slt, %rem3A_717, %lt3A_720 : i32
      %lt3A_722 = arith.constant 0 : i32
      %lt3A_723 = arith.cmpi slt, %select_n3A_716, %lt3A_722 : i32
      %ne3A_724 = arith.xori %lt3A_721, %lt3A_723 : i1
      %and3A_725 = arith.andi %ne3A_724, %ne3A_719 : i1
      %add3A_726 = arith.addi %rem3A_717, %select_n3A_716 : i32
      %select_n3A_727 = arith.select %and3A_725, %add3A_726, %rem3A_717 : i32
      %mul3A_728 = arith.constant 1024 : i32
      %mul3A_729 = arith.muli %select_n3A_727, %mul3A_728 : i32
      %dma_wait3A_730 = tpu.memref_slice %arg2[%select_n3A_711, %mul3A_729] : memref<200x16384xi32, #tpu.memory_space<hbm>> -> memref<1x1024xi32, #tpu.memory_space<hbm>>
      %dma_wait3A_731 = tpu.memref_slice %arg2[%select_n3A_711, %mul3A_729] : memref<200x16384xi32, #tpu.memory_space<hbm>> -> memref<1x1024xi32, #tpu.memory_space<hbm>>
      tpu.wait_dma2 semaphore(%arg18 : memref<!tpu.dma_semaphore, #tpu.memory_space<semaphore_mem>>) src(%dma_wait3A_731 : memref<1x1024xi32, #tpu.memory_space<hbm>>) dst(%arg8 : memref<1x1024xi32, #tpu.memory_space<vmem>>)
      %parallel_loop3A_732 = arith.constant 0 : i32
      %parallel_loop3A_733 = arith.constant 64 : i32
      %parallel_loop3A_734 = arith.constant 1 : i32
      scf.for %parallel_loop3A_1543 = %parallel_loop3A_732 to %parallel_loop3A_733 step %parallel_loop3A_734  : i32 {
        %parallel_loop3A_1544 = arith.constant 16 : i32
        %parallel_loop3A_1545 = arith.muli %parallel_loop3A_1543, %parallel_loop3A_1544 : i32
        %parallel_loop3A_1546 = arith.constant 0 : i32
        %parallel_loop3A_1547 = arith.index_cast %parallel_loop3A_1546 : i32 to index
        %parallel_loop3A_1548 = arith.index_cast %parallel_loop3A_1545 : i32 to index
        %parallel_loop3A_1549 = tpu.vector_load %arg8[%parallel_loop3A_1547, %parallel_loop3A_1548] {strides = array<i32>} : memref<1x1024xi32, #tpu.memory_space<vmem>>, vector<16xi32>,
        %parallel_loop3A_1550 = tpu.vector_load_idx %arg5[%parallel_loop3A_1549] : memref<120000xi32, #tpu.memory_space<vmem>>[vector<16xi32>], vector<16xi32>,
        %parallel_loop3A_1551 = arith.constant 16 : i32
        %parallel_loop3A_1552 = arith.muli %parallel_loop3A_1543, %parallel_loop3A_1551 : i32
        %parallel_loop3A_1553 = arith.constant 0 : i32
        %parallel_loop3A_1554 = arith.index_cast %parallel_loop3A_1553 : i32 to index
        %parallel_loop3A_1555 = arith.index_cast %parallel_loop3A_1552 : i32 to index
        %parallel_loop3A_1556 = tpu.vector_load %arg8[%parallel_loop3A_1554, %parallel_loop3A_1555] {strides = array<i32>} : memref<1x1024xi32, #tpu.memory_space<vmem>>, vector<16xi32>,
        tpu.vector_store %arg8[%parallel_loop3A_1554, %parallel_loop3A_1555], %parallel_loop3A_1550 {strides = array<i32>} : memref<1x1024xi32, #tpu.memory_space<vmem>>, vector<16xi32>,
      } {sc.loop_unroll_factor = 8 : i64, sc.parallel_access}
      %add3A_735 = arith.addi %mul3A_2, %add3A_674 : i32
      %jit3A_736 = arith.constant 16 : i32
      %div3A_737 = arith.divsi %add3A_735, %jit3A_736 : i32
      %sign3A_738 = arith.constant 0 : i32
      %sign3A_739 = arith.cmpi sgt, %add3A_735, %sign3A_738 : i32
      %sign3A_740 = arith.extui %sign3A_739 : i1 to i32
      %sign3A_741 = arith.constant 0 : i32
      %sign3A_742 = arith.cmpi slt, %add3A_735, %sign3A_741 : i32
      %sign3A_743 = arith.extui %sign3A_742 : i1 to i32
      %sign3A_744 = arith.subi %sign3A_740, %sign3A_743 : i32
      %sign3A_745 = arith.constant 0 : i32
      %sign3A_746 = arith.cmpi sgt, %jit3A_736, %sign3A_745 : i32
      %sign3A_747 = arith.extui %sign3A_746 : i1 to i32
      %sign3A_748 = arith.constant 0 : i32
      %sign3A_749 = arith.cmpi slt, %jit3A_736, %sign3A_748 : i32
      %sign3A_750 = arith.extui %sign3A_749 : i1 to i32
      %sign3A_751 = arith.subi %sign3A_747, %sign3A_750 : i32
      %ne3A_752 = arith.cmpi ne, %sign3A_744, %sign3A_751 : i32
      %rem3A_753 = arith.remsi %add3A_735, %jit3A_736 : i32
      %ne3A_754 = arith.constant 0 : i32
      %ne3A_755 = arith.cmpi ne, %rem3A_753, %ne3A_754 : i32
      %and3A_756 = arith.andi %ne3A_752, %ne3A_755 : i1
      %sub3A_757 = arith.constant 1 : i32
      %sub3A_758 = arith.subi %div3A_737, %sub3A_757 : i32
      %select_n3A_759 = arith.select %and3A_756, %sub3A_758, %div3A_737 : i32
      %jit3A_760 = arith.constant 16 : i32
      %eq3A_761 = arith.constant 0 : i32
      %eq3A_762 = arith.cmpi eq, %jit3A_760, %eq3A_761 : i32
      %jit3A_763 = arith.constant 1 : i32
      %select_n3A_764 = arith.select %eq3A_762, %jit3A_763, %jit3A_760 : i32
      %rem3A_765 = arith.remsi %add3A_735, %select_n3A_764 : i32
      %ne3A_766 = arith.constant 0 : i32
      %ne3A_767 = arith.cmpi ne, %rem3A_765, %ne3A_766 : i32
      %lt3A_768 = arith.constant 0 : i32
      %lt3A_769 = arith.cmpi slt, %rem3A_765, %lt3A_768 : i32
      %lt3A_770 = arith.constant 0 : i32
      %lt3A_771 = arith.cmpi slt, %select_n3A_764, %lt3A_770 : i32
      %ne3A_772 = arith.xori %lt3A_769, %lt3A_771 : i1
      %and3A_773 = arith.andi %ne3A_772, %ne3A_767 : i1
      %add3A_774 = arith.addi %rem3A_765, %select_n3A_764 : i32
      %select_n3A_775 = arith.select %and3A_773, %add3A_774, %rem3A_765 : i32
      %mul3A_776 = arith.constant 1024 : i32
      %mul3A_777 = arith.muli %select_n3A_775, %mul3A_776 : i32
      %dma_start3A_778 = tpu.memref_slice %arg4[%select_n3A_759, %mul3A_777] : memref<200x16384xi32, #tpu.memory_space<hbm>> -> memref<1x1024xi32, #tpu.memory_space<hbm>>
      %dma_start3A_779 = tpu.memref_slice %arg4[%select_n3A_759, %mul3A_777] : memref<200x16384xi32, #tpu.memory_space<hbm>> -> memref<1x1024xi32, #tpu.memory_space<hbm>>
      tpu.enqueue_dma source(%arg8 : memref<1x1024xi32, #tpu.memory_space<vmem>>) target(%dma_start3A_779 : memref<1x1024xi32, #tpu.memory_space<hbm>>) target_semaphore(%arg28 : memref<!tpu.dma_semaphore, #tpu.memory_space<semaphore_mem>>)
      %mul3A_780 = arith.constant 10 : i32
      %mul3A_781 = arith.muli %scan3A_456, %mul3A_780 : i32
      %add3A_782 = arith.constant 3 : i32
      %add3A_783 = arith.addi %mul3A_781, %add3A_782 : i32
      %ge3A_784 = arith.constant 2 : i32
      %ge3A_785 = arith.cmpi sge, %add3A_783, %ge3A_784 : i32
      %convert_element_type3A_786 = arith.extui %ge3A_785 : i1 to i32
      %cond3A_787 = arith.constant 0 : i32
      %cond3A_788 = arith.cmpi ne, %convert_element_type3A_786, %cond3A_787 : i32
      scf.if %cond3A_788 {
        %sub3A_1543 = arith.constant 2 : i32
        %sub3A_1544 = arith.subi %add3A_783, %sub3A_1543 : i32
        %add3A_1545 = arith.addi %mul3A_2, %sub3A_1544 : i32
        %jit3A_1546 = arith.constant 16 : i32
        %div3A_1547 = arith.divsi %add3A_1545, %jit3A_1546 : i32
        %sign3A_1548 = arith.constant 0 : i32
        %sign3A_1549 = arith.cmpi sgt, %add3A_1545, %sign3A_1548 : i32
        %sign3A_1550 = arith.extui %sign3A_1549 : i1 to i32
        %sign3A_1551 = arith.constant 0 : i32
        %sign3A_1552 = arith.cmpi slt, %add3A_1545, %sign3A_1551 : i32
        %sign3A_1553 = arith.extui %sign3A_1552 : i1 to i32
        %sign3A_1554 = arith.subi %sign3A_1550, %sign3A_1553 : i32
        %sign3A_1555 = arith.constant 0 : i32
        %sign3A_1556 = arith.cmpi sgt, %jit3A_1546, %sign3A_1555 : i32
        %sign3A_1557 = arith.extui %sign3A_1556 : i1 to i32
        %sign3A_1558 = arith.constant 0 : i32
        %sign3A_1559 = arith.cmpi slt, %jit3A_1546, %sign3A_1558 : i32
        %sign3A_1560 = arith.extui %sign3A_1559 : i1 to i32
        %sign3A_1561 = arith.subi %sign3A_1557, %sign3A_1560 : i32
        %ne3A_1562 = arith.cmpi ne, %sign3A_1554, %sign3A_1561 : i32
        %rem3A_1563 = arith.remsi %add3A_1545, %jit3A_1546 : i32
        %ne3A_1564 = arith.constant 0 : i32
        %ne3A_1565 = arith.cmpi ne, %rem3A_1563, %ne3A_1564 : i32
        %and3A_1566 = arith.andi %ne3A_1562, %ne3A_1565 : i1
        %sub3A_1567 = arith.constant 1 : i32
        %sub3A_1568 = arith.subi %div3A_1547, %sub3A_1567 : i32
        %select_n3A_1569 = arith.select %and3A_1566, %sub3A_1568, %div3A_1547 : i32
        %jit3A_1570 = arith.constant 16 : i32
        %eq3A_1571 = arith.constant 0 : i32
        %eq3A_1572 = arith.cmpi eq, %jit3A_1570, %eq3A_1571 : i32
        %jit3A_1573 = arith.constant 1 : i32
        %select_n3A_1574 = arith.select %eq3A_1572, %jit3A_1573, %jit3A_1570 : i32
        %rem3A_1575 = arith.remsi %add3A_1545, %select_n3A_1574 : i32
        %ne3A_1576 = arith.constant 0 : i32
        %ne3A_1577 = arith.cmpi ne, %rem3A_1575, %ne3A_1576 : i32
        %lt3A_1578 = arith.constant 0 : i32
        %lt3A_1579 = arith.cmpi slt, %rem3A_1575, %lt3A_1578 : i32
        %lt3A_1580 = arith.constant 0 : i32
        %lt3A_1581 = arith.cmpi slt, %select_n3A_1574, %lt3A_1580 : i32
        %ne3A_1582 = arith.xori %lt3A_1579, %lt3A_1581 : i1
        %and3A_1583 = arith.andi %ne3A_1582, %ne3A_1577 : i1
        %add3A_1584 = arith.addi %rem3A_1575, %select_n3A_1574 : i32
        %select_n3A_1585 = arith.select %and3A_1583, %add3A_1584, %rem3A_1575 : i32
        %mul3A_1586 = arith.constant 1024 : i32
        %mul3A_1587 = arith.muli %select_n3A_1585, %mul3A_1586 : i32
        %dma_wait3A_1588 = tpu.memref_slice %arg4[%select_n3A_1569, %mul3A_1587] : memref<200x16384xi32, #tpu.memory_space<hbm>> -> memref<1x1024xi32, #tpu.memory_space<hbm>>
        %dma_wait3A_1589 = tpu.memref_slice %arg4[%select_n3A_1569, %mul3A_1587] : memref<200x16384xi32, #tpu.memory_space<hbm>> -> memref<1x1024xi32, #tpu.memory_space<hbm>>
        tpu.wait_dma2 semaphore(%arg27 : memref<!tpu.dma_semaphore, #tpu.memory_space<semaphore_mem>>) src(%arg7 : memref<1x1024xi32, #tpu.memory_space<vmem>>) dst(%dma_wait3A_1589 : memref<1x1024xi32, #tpu.memory_space<hbm>>)
      } else {
      }
      %add3A_789 = arith.constant 8 : i32
      %add3A_790 = arith.addi %add3A_783, %add3A_789 : i32
      %lt3A_791 = arith.constant 100 : i32
      %lt3A_792 = arith.cmpi slt, %add3A_790, %lt3A_791 : i32
      %convert_element_type3A_793 = arith.extui %lt3A_792 : i1 to i32
      %cond3A_794 = arith.constant 0 : i32
      %cond3A_795 = arith.cmpi ne, %convert_element_type3A_793, %cond3A_794 : i32
      scf.if %cond3A_795 {
        %add3A_1543 = arith.constant 8 : i32
        %add3A_1544 = arith.addi %add3A_783, %add3A_1543 : i32
        %add3A_1545 = arith.addi %mul3A_2, %add3A_1544 : i32
        %jit3A_1546 = arith.constant 16 : i32
        %div3A_1547 = arith.divsi %add3A_1545, %jit3A_1546 : i32
        %sign3A_1548 = arith.constant 0 : i32
        %sign3A_1549 = arith.cmpi sgt, %add3A_1545, %sign3A_1548 : i32
        %sign3A_1550 = arith.extui %sign3A_1549 : i1 to i32
        %sign3A_1551 = arith.constant 0 : i32
        %sign3A_1552 = arith.cmpi slt, %add3A_1545, %sign3A_1551 : i32
        %sign3A_1553 = arith.extui %sign3A_1552 : i1 to i32
        %sign3A_1554 = arith.subi %sign3A_1550, %sign3A_1553 : i32
        %sign3A_1555 = arith.constant 0 : i32
        %sign3A_1556 = arith.cmpi sgt, %jit3A_1546, %sign3A_1555 : i32
        %sign3A_1557 = arith.extui %sign3A_1556 : i1 to i32
        %sign3A_1558 = arith.constant 0 : i32
        %sign3A_1559 = arith.cmpi slt, %jit3A_1546, %sign3A_1558 : i32
        %sign3A_1560 = arith.extui %sign3A_1559 : i1 to i32
        %sign3A_1561 = arith.subi %sign3A_1557, %sign3A_1560 : i32
        %ne3A_1562 = arith.cmpi ne, %sign3A_1554, %sign3A_1561 : i32
        %rem3A_1563 = arith.remsi %add3A_1545, %jit3A_1546 : i32
        %ne3A_1564 = arith.constant 0 : i32
        %ne3A_1565 = arith.cmpi ne, %rem3A_1563, %ne3A_1564 : i32
        %and3A_1566 = arith.andi %ne3A_1562, %ne3A_1565 : i1
        %sub3A_1567 = arith.constant 1 : i32
        %sub3A_1568 = arith.subi %div3A_1547, %sub3A_1567 : i32
        %select_n3A_1569 = arith.select %and3A_1566, %sub3A_1568, %div3A_1547 : i32
        %jit3A_1570 = arith.constant 16 : i32
        %eq3A_1571 = arith.constant 0 : i32
        %eq3A_1572 = arith.cmpi eq, %jit3A_1570, %eq3A_1571 : i32
        %jit3A_1573 = arith.constant 1 : i32
        %select_n3A_1574 = arith.select %eq3A_1572, %jit3A_1573, %jit3A_1570 : i32
        %rem3A_1575 = arith.remsi %add3A_1545, %select_n3A_1574 : i32
        %ne3A_1576 = arith.constant 0 : i32
        %ne3A_1577 = arith.cmpi ne, %rem3A_1575, %ne3A_1576 : i32
        %lt3A_1578 = arith.constant 0 : i32
        %lt3A_1579 = arith.cmpi slt, %rem3A_1575, %lt3A_1578 : i32
        %lt3A_1580 = arith.constant 0 : i32
        %lt3A_1581 = arith.cmpi slt, %select_n3A_1574, %lt3A_1580 : i32
        %ne3A_1582 = arith.xori %lt3A_1579, %lt3A_1581 : i1
        %and3A_1583 = arith.andi %ne3A_1582, %ne3A_1577 : i1
        %add3A_1584 = arith.addi %rem3A_1575, %select_n3A_1574 : i32
        %select_n3A_1585 = arith.select %and3A_1583, %add3A_1584, %rem3A_1575 : i32
        %mul3A_1586 = arith.constant 1024 : i32
        %mul3A_1587 = arith.muli %select_n3A_1585, %mul3A_1586 : i32
        %dma_start3A_1588 = tpu.memref_slice %arg2[%select_n3A_1569, %mul3A_1587] : memref<200x16384xi32, #tpu.memory_space<hbm>> -> memref<1x1024xi32, #tpu.memory_space<hbm>>
        %dma_start3A_1589 = tpu.memref_slice %arg2[%select_n3A_1569, %mul3A_1587] : memref<200x16384xi32, #tpu.memory_space<hbm>> -> memref<1x1024xi32, #tpu.memory_space<hbm>>
        tpu.enqueue_dma source(%dma_start3A_1589 : memref<1x1024xi32, #tpu.memory_space<hbm>>) target(%arg7 : memref<1x1024xi32, #tpu.memory_space<vmem>>) target_semaphore(%arg17 : memref<!tpu.dma_semaphore, #tpu.memory_space<semaphore_mem>>)
      } else {
      }
      %add3A_796 = arith.addi %mul3A_2, %add3A_783 : i32
      %jit3A_797 = arith.constant 16 : i32
      %div3A_798 = arith.divsi %add3A_796, %jit3A_797 : i32
      %sign3A_799 = arith.constant 0 : i32
      %sign3A_800 = arith.cmpi sgt, %add3A_796, %sign3A_799 : i32
      %sign3A_801 = arith.extui %sign3A_800 : i1 to i32
      %sign3A_802 = arith.constant 0 : i32
      %sign3A_803 = arith.cmpi slt, %add3A_796, %sign3A_802 : i32
      %sign3A_804 = arith.extui %sign3A_803 : i1 to i32
      %sign3A_805 = arith.subi %sign3A_801, %sign3A_804 : i32
      %sign3A_806 = arith.constant 0 : i32
      %sign3A_807 = arith.cmpi sgt, %jit3A_797, %sign3A_806 : i32
      %sign3A_808 = arith.extui %sign3A_807 : i1 to i32
      %sign3A_809 = arith.constant 0 : i32
      %sign3A_810 = arith.cmpi slt, %jit3A_797, %sign3A_809 : i32
      %sign3A_811 = arith.extui %sign3A_810 : i1 to i32
      %sign3A_812 = arith.subi %sign3A_808, %sign3A_811 : i32
      %ne3A_813 = arith.cmpi ne, %sign3A_805, %sign3A_812 : i32
      %rem3A_814 = arith.remsi %add3A_796, %jit3A_797 : i32
      %ne3A_815 = arith.constant 0 : i32
      %ne3A_816 = arith.cmpi ne, %rem3A_814, %ne3A_815 : i32
      %and3A_817 = arith.andi %ne3A_813, %ne3A_816 : i1
      %sub3A_818 = arith.constant 1 : i32
      %sub3A_819 = arith.subi %div3A_798, %sub3A_818 : i32
      %select_n3A_820 = arith.select %and3A_817, %sub3A_819, %div3A_798 : i32
      %jit3A_821 = arith.constant 16 : i32
      %eq3A_822 = arith.constant 0 : i32
      %eq3A_823 = arith.cmpi eq, %jit3A_821, %eq3A_822 : i32
      %jit3A_824 = arith.constant 1 : i32
      %select_n3A_825 = arith.select %eq3A_823, %jit3A_824, %jit3A_821 : i32
      %rem3A_826 = arith.remsi %add3A_796, %select_n3A_825 : i32
      %ne3A_827 = arith.constant 0 : i32
      %ne3A_828 = arith.cmpi ne, %rem3A_826, %ne3A_827 : i32
      %lt3A_829 = arith.constant 0 : i32
      %lt3A_830 = arith.cmpi slt, %rem3A_826, %lt3A_829 : i32
      %lt3A_831 = arith.constant 0 : i32
      %lt3A_832 = arith.cmpi slt, %select_n3A_825, %lt3A_831 : i32
      %ne3A_833 = arith.xori %lt3A_830, %lt3A_832 : i1
      %and3A_834 = arith.andi %ne3A_833, %ne3A_828 : i1
      %add3A_835 = arith.addi %rem3A_826, %select_n3A_825 : i32
      %select_n3A_836 = arith.select %and3A_834, %add3A_835, %rem3A_826 : i32
      %mul3A_837 = arith.constant 1024 : i32
      %mul3A_838 = arith.muli %select_n3A_836, %mul3A_837 : i32
      %dma_wait3A_839 = tpu.memref_slice %arg2[%select_n3A_820, %mul3A_838] : memref<200x16384xi32, #tpu.memory_space<hbm>> -> memref<1x1024xi32, #tpu.memory_space<hbm>>
      %dma_wait3A_840 = tpu.memref_slice %arg2[%select_n3A_820, %mul3A_838] : memref<200x16384xi32, #tpu.memory_space<hbm>> -> memref<1x1024xi32, #tpu.memory_space<hbm>>
      tpu.wait_dma2 semaphore(%arg19 : memref<!tpu.dma_semaphore, #tpu.memory_space<semaphore_mem>>) src(%dma_wait3A_840 : memref<1x1024xi32, #tpu.memory_space<hbm>>) dst(%arg9 : memref<1x1024xi32, #tpu.memory_space<vmem>>)
      %parallel_loop3A_841 = arith.constant 0 : i32
      %parallel_loop3A_842 = arith.constant 64 : i32
      %parallel_loop3A_843 = arith.constant 1 : i32
      scf.for %parallel_loop3A_1543 = %parallel_loop3A_841 to %parallel_loop3A_842 step %parallel_loop3A_843  : i32 {
        %parallel_loop3A_1544 = arith.constant 16 : i32
        %parallel_loop3A_1545 = arith.muli %parallel_loop3A_1543, %parallel_loop3A_1544 : i32
        %parallel_loop3A_1546 = arith.constant 0 : i32
        %parallel_loop3A_1547 = arith.index_cast %parallel_loop3A_1546 : i32 to index
        %parallel_loop3A_1548 = arith.index_cast %parallel_loop3A_1545 : i32 to index
        %parallel_loop3A_1549 = tpu.vector_load %arg9[%parallel_loop3A_1547, %parallel_loop3A_1548] {strides = array<i32>} : memref<1x1024xi32, #tpu.memory_space<vmem>>, vector<16xi32>,
        %parallel_loop3A_1550 = tpu.vector_load_idx %arg5[%parallel_loop3A_1549] : memref<120000xi32, #tpu.memory_space<vmem>>[vector<16xi32>], vector<16xi32>,
        %parallel_loop3A_1551 = arith.constant 16 : i32
        %parallel_loop3A_1552 = arith.muli %parallel_loop3A_1543, %parallel_loop3A_1551 : i32
        %parallel_loop3A_1553 = arith.constant 0 : i32
        %parallel_loop3A_1554 = arith.index_cast %parallel_loop3A_1553 : i32 to index
        %parallel_loop3A_1555 = arith.index_cast %parallel_loop3A_1552 : i32 to index
        %parallel_loop3A_1556 = tpu.vector_load %arg9[%parallel_loop3A_1554, %parallel_loop3A_1555] {strides = array<i32>} : memref<1x1024xi32, #tpu.memory_space<vmem>>, vector<16xi32>,
        tpu.vector_store %arg9[%parallel_loop3A_1554, %parallel_loop3A_1555], %parallel_loop3A_1550 {strides = array<i32>} : memref<1x1024xi32, #tpu.memory_space<vmem>>, vector<16xi32>,
      } {sc.loop_unroll_factor = 8 : i64, sc.parallel_access}
      %add3A_844 = arith.addi %mul3A_2, %add3A_783 : i32
      %jit3A_845 = arith.constant 16 : i32
      %div3A_846 = arith.divsi %add3A_844, %jit3A_845 : i32
      %sign3A_847 = arith.constant 0 : i32
      %sign3A_848 = arith.cmpi sgt, %add3A_844, %sign3A_847 : i32
      %sign3A_849 = arith.extui %sign3A_848 : i1 to i32
      %sign3A_850 = arith.constant 0 : i32
      %sign3A_851 = arith.cmpi slt, %add3A_844, %sign3A_850 : i32
      %sign3A_852 = arith.extui %sign3A_851 : i1 to i32
      %sign3A_853 = arith.subi %sign3A_849, %sign3A_852 : i32
      %sign3A_854 = arith.constant 0 : i32
      %sign3A_855 = arith.cmpi sgt, %jit3A_845, %sign3A_854 : i32
      %sign3A_856 = arith.extui %sign3A_855 : i1 to i32
      %sign3A_857 = arith.constant 0 : i32
      %sign3A_858 = arith.cmpi slt, %jit3A_845, %sign3A_857 : i32
      %sign3A_859 = arith.extui %sign3A_858 : i1 to i32
      %sign3A_860 = arith.subi %sign3A_856, %sign3A_859 : i32
      %ne3A_861 = arith.cmpi ne, %sign3A_853, %sign3A_860 : i32
      %rem3A_862 = arith.remsi %add3A_844, %jit3A_845 : i32
      %ne3A_863 = arith.constant 0 : i32
      %ne3A_864 = arith.cmpi ne, %rem3A_862, %ne3A_863 : i32
      %and3A_865 = arith.andi %ne3A_861, %ne3A_864 : i1
      %sub3A_866 = arith.constant 1 : i32
      %sub3A_867 = arith.subi %div3A_846, %sub3A_866 : i32
      %select_n3A_868 = arith.select %and3A_865, %sub3A_867, %div3A_846 : i32
      %jit3A_869 = arith.constant 16 : i32
      %eq3A_870 = arith.constant 0 : i32
      %eq3A_871 = arith.cmpi eq, %jit3A_869, %eq3A_870 : i32
      %jit3A_872 = arith.constant 1 : i32
      %select_n3A_873 = arith.select %eq3A_871, %jit3A_872, %jit3A_869 : i32
      %rem3A_874 = arith.remsi %add3A_844, %select_n3A_873 : i32
      %ne3A_875 = arith.constant 0 : i32
      %ne3A_876 = arith.cmpi ne, %rem3A_874, %ne3A_875 : i32
      %lt3A_877 = arith.constant 0 : i32
      %lt3A_878 = arith.cmpi slt, %rem3A_874, %lt3A_877 : i32
      %lt3A_879 = arith.constant 0 : i32
      %lt3A_880 = arith.cmpi slt, %select_n3A_873, %lt3A_879 : i32
      %ne3A_881 = arith.xori %lt3A_878, %lt3A_880 : i1
      %and3A_882 = arith.andi %ne3A_881, %ne3A_876 : i1
      %add3A_883 = arith.addi %rem3A_874, %select_n3A_873 : i32
      %select_n3A_884 = arith.select %and3A_882, %add3A_883, %rem3A_874 : i32
      %mul3A_885 = arith.constant 1024 : i32
      %mul3A_886 = arith.muli %select_n3A_884, %mul3A_885 : i32
      %dma_start3A_887 = tpu.memref_slice %arg4[%select_n3A_868, %mul3A_886] : memref<200x16384xi32, #tpu.memory_space<hbm>> -> memref<1x1024xi32, #tpu.memory_space<hbm>>
      %dma_start3A_888 = tpu.memref_slice %arg4[%select_n3A_868, %mul3A_886] : memref<200x16384xi32, #tpu.memory_space<hbm>> -> memref<1x1024xi32, #tpu.memory_space<hbm>>
      tpu.enqueue_dma source(%arg9 : memref<1x1024xi32, #tpu.memory_space<vmem>>) target(%dma_start3A_888 : memref<1x1024xi32, #tpu.memory_space<hbm>>) target_semaphore(%arg29 : memref<!tpu.dma_semaphore, #tpu.memory_space<semaphore_mem>>)
      %mul3A_889 = arith.constant 10 : i32
      %mul3A_890 = arith.muli %scan3A_456, %mul3A_889 : i32
      %add3A_891 = arith.constant 4 : i32
      %add3A_892 = arith.addi %mul3A_890, %add3A_891 : i32
      %ge3A_893 = arith.constant 2 : i32
      %ge3A_894 = arith.cmpi sge, %add3A_892, %ge3A_893 : i32
      %convert_element_type3A_895 = arith.extui %ge3A_894 : i1 to i32
      %cond3A_896 = arith.constant 0 : i32
      %cond3A_897 = arith.cmpi ne, %convert_element_type3A_895, %cond3A_896 : i32
      scf.if %cond3A_897 {
        %sub3A_1543 = arith.constant 2 : i32
        %sub3A_1544 = arith.subi %add3A_892, %sub3A_1543 : i32
        %add3A_1545 = arith.addi %mul3A_2, %sub3A_1544 : i32
        %jit3A_1546 = arith.constant 16 : i32
        %div3A_1547 = arith.divsi %add3A_1545, %jit3A_1546 : i32
        %sign3A_1548 = arith.constant 0 : i32
        %sign3A_1549 = arith.cmpi sgt, %add3A_1545, %sign3A_1548 : i32
        %sign3A_1550 = arith.extui %sign3A_1549 : i1 to i32
        %sign3A_1551 = arith.constant 0 : i32
        %sign3A_1552 = arith.cmpi slt, %add3A_1545, %sign3A_1551 : i32
        %sign3A_1553 = arith.extui %sign3A_1552 : i1 to i32
        %sign3A_1554 = arith.subi %sign3A_1550, %sign3A_1553 : i32
        %sign3A_1555 = arith.constant 0 : i32
        %sign3A_1556 = arith.cmpi sgt, %jit3A_1546, %sign3A_1555 : i32
        %sign3A_1557 = arith.extui %sign3A_1556 : i1 to i32
        %sign3A_1558 = arith.constant 0 : i32
        %sign3A_1559 = arith.cmpi slt, %jit3A_1546, %sign3A_1558 : i32
        %sign3A_1560 = arith.extui %sign3A_1559 : i1 to i32
        %sign3A_1561 = arith.subi %sign3A_1557, %sign3A_1560 : i32
        %ne3A_1562 = arith.cmpi ne, %sign3A_1554, %sign3A_1561 : i32
        %rem3A_1563 = arith.remsi %add3A_1545, %jit3A_1546 : i32
        %ne3A_1564 = arith.constant 0 : i32
        %ne3A_1565 = arith.cmpi ne, %rem3A_1563, %ne3A_1564 : i32
        %and3A_1566 = arith.andi %ne3A_1562, %ne3A_1565 : i1
        %sub3A_1567 = arith.constant 1 : i32
        %sub3A_1568 = arith.subi %div3A_1547, %sub3A_1567 : i32
        %select_n3A_1569 = arith.select %and3A_1566, %sub3A_1568, %div3A_1547 : i32
        %jit3A_1570 = arith.constant 16 : i32
        %eq3A_1571 = arith.constant 0 : i32
        %eq3A_1572 = arith.cmpi eq, %jit3A_1570, %eq3A_1571 : i32
        %jit3A_1573 = arith.constant 1 : i32
        %select_n3A_1574 = arith.select %eq3A_1572, %jit3A_1573, %jit3A_1570 : i32
        %rem3A_1575 = arith.remsi %add3A_1545, %select_n3A_1574 : i32
        %ne3A_1576 = arith.constant 0 : i32
        %ne3A_1577 = arith.cmpi ne, %rem3A_1575, %ne3A_1576 : i32
        %lt3A_1578 = arith.constant 0 : i32
        %lt3A_1579 = arith.cmpi slt, %rem3A_1575, %lt3A_1578 : i32
        %lt3A_1580 = arith.constant 0 : i32
        %lt3A_1581 = arith.cmpi slt, %select_n3A_1574, %lt3A_1580 : i32
        %ne3A_1582 = arith.xori %lt3A_1579, %lt3A_1581 : i1
        %and3A_1583 = arith.andi %ne3A_1582, %ne3A_1577 : i1
        %add3A_1584 = arith.addi %rem3A_1575, %select_n3A_1574 : i32
        %select_n3A_1585 = arith.select %and3A_1583, %add3A_1584, %rem3A_1575 : i32
        %mul3A_1586 = arith.constant 1024 : i32
        %mul3A_1587 = arith.muli %select_n3A_1585, %mul3A_1586 : i32
        %dma_wait3A_1588 = tpu.memref_slice %arg4[%select_n3A_1569, %mul3A_1587] : memref<200x16384xi32, #tpu.memory_space<hbm>> -> memref<1x1024xi32, #tpu.memory_space<hbm>>
        %dma_wait3A_1589 = tpu.memref_slice %arg4[%select_n3A_1569, %mul3A_1587] : memref<200x16384xi32, #tpu.memory_space<hbm>> -> memref<1x1024xi32, #tpu.memory_space<hbm>>
        tpu.wait_dma2 semaphore(%arg28 : memref<!tpu.dma_semaphore, #tpu.memory_space<semaphore_mem>>) src(%arg8 : memref<1x1024xi32, #tpu.memory_space<vmem>>) dst(%dma_wait3A_1589 : memref<1x1024xi32, #tpu.memory_space<hbm>>)
      } else {
      }
      %add3A_898 = arith.constant 8 : i32
      %add3A_899 = arith.addi %add3A_892, %add3A_898 : i32
      %lt3A_900 = arith.constant 100 : i32
      %lt3A_901 = arith.cmpi slt, %add3A_899, %lt3A_900 : i32
      %convert_element_type3A_902 = arith.extui %lt3A_901 : i1 to i32
      %cond3A_903 = arith.constant 0 : i32
      %cond3A_904 = arith.cmpi ne, %convert_element_type3A_902, %cond3A_903 : i32
      scf.if %cond3A_904 {
        %add3A_1543 = arith.constant 8 : i32
        %add3A_1544 = arith.addi %add3A_892, %add3A_1543 : i32
        %add3A_1545 = arith.addi %mul3A_2, %add3A_1544 : i32
        %jit3A_1546 = arith.constant 16 : i32
        %div3A_1547 = arith.divsi %add3A_1545, %jit3A_1546 : i32
        %sign3A_1548 = arith.constant 0 : i32
        %sign3A_1549 = arith.cmpi sgt, %add3A_1545, %sign3A_1548 : i32
        %sign3A_1550 = arith.extui %sign3A_1549 : i1 to i32
        %sign3A_1551 = arith.constant 0 : i32
        %sign3A_1552 = arith.cmpi slt, %add3A_1545, %sign3A_1551 : i32
        %sign3A_1553 = arith.extui %sign3A_1552 : i1 to i32
        %sign3A_1554 = arith.subi %sign3A_1550, %sign3A_1553 : i32
        %sign3A_1555 = arith.constant 0 : i32
        %sign3A_1556 = arith.cmpi sgt, %jit3A_1546, %sign3A_1555 : i32
        %sign3A_1557 = arith.extui %sign3A_1556 : i1 to i32
        %sign3A_1558 = arith.constant 0 : i32
        %sign3A_1559 = arith.cmpi slt, %jit3A_1546, %sign3A_1558 : i32
        %sign3A_1560 = arith.extui %sign3A_1559 : i1 to i32
        %sign3A_1561 = arith.subi %sign3A_1557, %sign3A_1560 : i32
        %ne3A_1562 = arith.cmpi ne, %sign3A_1554, %sign3A_1561 : i32
        %rem3A_1563 = arith.remsi %add3A_1545, %jit3A_1546 : i32
        %ne3A_1564 = arith.constant 0 : i32
        %ne3A_1565 = arith.cmpi ne, %rem3A_1563, %ne3A_1564 : i32
        %and3A_1566 = arith.andi %ne3A_1562, %ne3A_1565 : i1
        %sub3A_1567 = arith.constant 1 : i32
        %sub3A_1568 = arith.subi %div3A_1547, %sub3A_1567 : i32
        %select_n3A_1569 = arith.select %and3A_1566, %sub3A_1568, %div3A_1547 : i32
        %jit3A_1570 = arith.constant 16 : i32
        %eq3A_1571 = arith.constant 0 : i32
        %eq3A_1572 = arith.cmpi eq, %jit3A_1570, %eq3A_1571 : i32
        %jit3A_1573 = arith.constant 1 : i32
        %select_n3A_1574 = arith.select %eq3A_1572, %jit3A_1573, %jit3A_1570 : i32
        %rem3A_1575 = arith.remsi %add3A_1545, %select_n3A_1574 : i32
        %ne3A_1576 = arith.constant 0 : i32
        %ne3A_1577 = arith.cmpi ne, %rem3A_1575, %ne3A_1576 : i32
        %lt3A_1578 = arith.constant 0 : i32
        %lt3A_1579 = arith.cmpi slt, %rem3A_1575, %lt3A_1578 : i32
        %lt3A_1580 = arith.constant 0 : i32
        %lt3A_1581 = arith.cmpi slt, %select_n3A_1574, %lt3A_1580 : i32
        %ne3A_1582 = arith.xori %lt3A_1579, %lt3A_1581 : i1
        %and3A_1583 = arith.andi %ne3A_1582, %ne3A_1577 : i1
        %add3A_1584 = arith.addi %rem3A_1575, %select_n3A_1574 : i32
        %select_n3A_1585 = arith.select %and3A_1583, %add3A_1584, %rem3A_1575 : i32
        %mul3A_1586 = arith.constant 1024 : i32
        %mul3A_1587 = arith.muli %select_n3A_1585, %mul3A_1586 : i32
        %dma_start3A_1588 = tpu.memref_slice %arg2[%select_n3A_1569, %mul3A_1587] : memref<200x16384xi32, #tpu.memory_space<hbm>> -> memref<1x1024xi32, #tpu.memory_space<hbm>>
        %dma_start3A_1589 = tpu.memref_slice %arg2[%select_n3A_1569, %mul3A_1587] : memref<200x16384xi32, #tpu.memory_space<hbm>> -> memref<1x1024xi32, #tpu.memory_space<hbm>>
        tpu.enqueue_dma source(%dma_start3A_1589 : memref<1x1024xi32, #tpu.memory_space<hbm>>) target(%arg8 : memref<1x1024xi32, #tpu.memory_space<vmem>>) target_semaphore(%arg18 : memref<!tpu.dma_semaphore, #tpu.memory_space<semaphore_mem>>)
      } else {
      }
      %add3A_905 = arith.addi %mul3A_2, %add3A_892 : i32
      %jit3A_906 = arith.constant 16 : i32
      %div3A_907 = arith.divsi %add3A_905, %jit3A_906 : i32
      %sign3A_908 = arith.constant 0 : i32
      %sign3A_909 = arith.cmpi sgt, %add3A_905, %sign3A_908 : i32
      %sign3A_910 = arith.extui %sign3A_909 : i1 to i32
      %sign3A_911 = arith.constant 0 : i32
      %sign3A_912 = arith.cmpi slt, %add3A_905, %sign3A_911 : i32
      %sign3A_913 = arith.extui %sign3A_912 : i1 to i32
      %sign3A_914 = arith.subi %sign3A_910, %sign3A_913 : i32
      %sign3A_915 = arith.constant 0 : i32
      %sign3A_916 = arith.cmpi sgt, %jit3A_906, %sign3A_915 : i32
      %sign3A_917 = arith.extui %sign3A_916 : i1 to i32
      %sign3A_918 = arith.constant 0 : i32
      %sign3A_919 = arith.cmpi slt, %jit3A_906, %sign3A_918 : i32
      %sign3A_920 = arith.extui %sign3A_919 : i1 to i32
      %sign3A_921 = arith.subi %sign3A_917, %sign3A_920 : i32
      %ne3A_922 = arith.cmpi ne, %sign3A_914, %sign3A_921 : i32
      %rem3A_923 = arith.remsi %add3A_905, %jit3A_906 : i32
      %ne3A_924 = arith.constant 0 : i32
      %ne3A_925 = arith.cmpi ne, %rem3A_923, %ne3A_924 : i32
      %and3A_926 = arith.andi %ne3A_922, %ne3A_925 : i1
      %sub3A_927 = arith.constant 1 : i32
      %sub3A_928 = arith.subi %div3A_907, %sub3A_927 : i32
      %select_n3A_929 = arith.select %and3A_926, %sub3A_928, %div3A_907 : i32
      %jit3A_930 = arith.constant 16 : i32
      %eq3A_931 = arith.constant 0 : i32
      %eq3A_932 = arith.cmpi eq, %jit3A_930, %eq3A_931 : i32
      %jit3A_933 = arith.constant 1 : i32
      %select_n3A_934 = arith.select %eq3A_932, %jit3A_933, %jit3A_930 : i32
      %rem3A_935 = arith.remsi %add3A_905, %select_n3A_934 : i32
      %ne3A_936 = arith.constant 0 : i32
      %ne3A_937 = arith.cmpi ne, %rem3A_935, %ne3A_936 : i32
      %lt3A_938 = arith.constant 0 : i32
      %lt3A_939 = arith.cmpi slt, %rem3A_935, %lt3A_938 : i32
      %lt3A_940 = arith.constant 0 : i32
      %lt3A_941 = arith.cmpi slt, %select_n3A_934, %lt3A_940 : i32
      %ne3A_942 = arith.xori %lt3A_939, %lt3A_941 : i1
      %and3A_943 = arith.andi %ne3A_942, %ne3A_937 : i1
      %add3A_944 = arith.addi %rem3A_935, %select_n3A_934 : i32
      %select_n3A_945 = arith.select %and3A_943, %add3A_944, %rem3A_935 : i32
      %mul3A_946 = arith.constant 1024 : i32
      %mul3A_947 = arith.muli %select_n3A_945, %mul3A_946 : i32
      %dma_wait3A_948 = tpu.memref_slice %arg2[%select_n3A_929, %mul3A_947] : memref<200x16384xi32, #tpu.memory_space<hbm>> -> memref<1x1024xi32, #tpu.memory_space<hbm>>
      %dma_wait3A_949 = tpu.memref_slice %arg2[%select_n3A_929, %mul3A_947] : memref<200x16384xi32, #tpu.memory_space<hbm>> -> memref<1x1024xi32, #tpu.memory_space<hbm>>
      tpu.wait_dma2 semaphore(%arg20 : memref<!tpu.dma_semaphore, #tpu.memory_space<semaphore_mem>>) src(%dma_wait3A_949 : memref<1x1024xi32, #tpu.memory_space<hbm>>) dst(%arg10 : memref<1x1024xi32, #tpu.memory_space<vmem>>)
      %parallel_loop3A_950 = arith.constant 0 : i32
      %parallel_loop3A_951 = arith.constant 64 : i32
      %parallel_loop3A_952 = arith.constant 1 : i32
      scf.for %parallel_loop3A_1543 = %parallel_loop3A_950 to %parallel_loop3A_951 step %parallel_loop3A_952  : i32 {
        %parallel_loop3A_1544 = arith.constant 16 : i32
        %parallel_loop3A_1545 = arith.muli %parallel_loop3A_1543, %parallel_loop3A_1544 : i32
        %parallel_loop3A_1546 = arith.constant 0 : i32
        %parallel_loop3A_1547 = arith.index_cast %parallel_loop3A_1546 : i32 to index
        %parallel_loop3A_1548 = arith.index_cast %parallel_loop3A_1545 : i32 to index
        %parallel_loop3A_1549 = tpu.vector_load %arg10[%parallel_loop3A_1547, %parallel_loop3A_1548] {strides = array<i32>} : memref<1x1024xi32, #tpu.memory_space<vmem>>, vector<16xi32>,
        %parallel_loop3A_1550 = tpu.vector_load_idx %arg5[%parallel_loop3A_1549] : memref<120000xi32, #tpu.memory_space<vmem>>[vector<16xi32>], vector<16xi32>,
        %parallel_loop3A_1551 = arith.constant 16 : i32
        %parallel_loop3A_1552 = arith.muli %parallel_loop3A_1543, %parallel_loop3A_1551 : i32
        %parallel_loop3A_1553 = arith.constant 0 : i32
        %parallel_loop3A_1554 = arith.index_cast %parallel_loop3A_1553 : i32 to index
        %parallel_loop3A_1555 = arith.index_cast %parallel_loop3A_1552 : i32 to index
        %parallel_loop3A_1556 = tpu.vector_load %arg10[%parallel_loop3A_1554, %parallel_loop3A_1555] {strides = array<i32>} : memref<1x1024xi32, #tpu.memory_space<vmem>>, vector<16xi32>,
        tpu.vector_store %arg10[%parallel_loop3A_1554, %parallel_loop3A_1555], %parallel_loop3A_1550 {strides = array<i32>} : memref<1x1024xi32, #tpu.memory_space<vmem>>, vector<16xi32>,
      } {sc.loop_unroll_factor = 8 : i64, sc.parallel_access}
      %add3A_953 = arith.addi %mul3A_2, %add3A_892 : i32
      %jit3A_954 = arith.constant 16 : i32
      %div3A_955 = arith.divsi %add3A_953, %jit3A_954 : i32
      %sign3A_956 = arith.constant 0 : i32
      %sign3A_957 = arith.cmpi sgt, %add3A_953, %sign3A_956 : i32
      %sign3A_958 = arith.extui %sign3A_957 : i1 to i32
      %sign3A_959 = arith.constant 0 : i32
      %sign3A_960 = arith.cmpi slt, %add3A_953, %sign3A_959 : i32
      %sign3A_961 = arith.extui %sign3A_960 : i1 to i32
      %sign3A_962 = arith.subi %sign3A_958, %sign3A_961 : i32
      %sign3A_963 = arith.constant 0 : i32
      %sign3A_964 = arith.cmpi sgt, %jit3A_954, %sign3A_963 : i32
      %sign3A_965 = arith.extui %sign3A_964 : i1 to i32
      %sign3A_966 = arith.constant 0 : i32
      %sign3A_967 = arith.cmpi slt, %jit3A_954, %sign3A_966 : i32
      %sign3A_968 = arith.extui %sign3A_967 : i1 to i32
      %sign3A_969 = arith.subi %sign3A_965, %sign3A_968 : i32
      %ne3A_970 = arith.cmpi ne, %sign3A_962, %sign3A_969 : i32
      %rem3A_971 = arith.remsi %add3A_953, %jit3A_954 : i32
      %ne3A_972 = arith.constant 0 : i32
      %ne3A_973 = arith.cmpi ne, %rem3A_971, %ne3A_972 : i32
      %and3A_974 = arith.andi %ne3A_970, %ne3A_973 : i1
      %sub3A_975 = arith.constant 1 : i32
      %sub3A_976 = arith.subi %div3A_955, %sub3A_975 : i32
      %select_n3A_977 = arith.select %and3A_974, %sub3A_976, %div3A_955 : i32
      %jit3A_978 = arith.constant 16 : i32
      %eq3A_979 = arith.constant 0 : i32
      %eq3A_980 = arith.cmpi eq, %jit3A_978, %eq3A_979 : i32
      %jit3A_981 = arith.constant 1 : i32
      %select_n3A_982 = arith.select %eq3A_980, %jit3A_981, %jit3A_978 : i32
      %rem3A_983 = arith.remsi %add3A_953, %select_n3A_982 : i32
      %ne3A_984 = arith.constant 0 : i32
      %ne3A_985 = arith.cmpi ne, %rem3A_983, %ne3A_984 : i32
      %lt3A_986 = arith.constant 0 : i32
      %lt3A_987 = arith.cmpi slt, %rem3A_983, %lt3A_986 : i32
      %lt3A_988 = arith.constant 0 : i32
      %lt3A_989 = arith.cmpi slt, %select_n3A_982, %lt3A_988 : i32
      %ne3A_990 = arith.xori %lt3A_987, %lt3A_989 : i1
      %and3A_991 = arith.andi %ne3A_990, %ne3A_985 : i1
      %add3A_992 = arith.addi %rem3A_983, %select_n3A_982 : i32
      %select_n3A_993 = arith.select %and3A_991, %add3A_992, %rem3A_983 : i32
      %mul3A_994 = arith.constant 1024 : i32
      %mul3A_995 = arith.muli %select_n3A_993, %mul3A_994 : i32
      %dma_start3A_996 = tpu.memref_slice %arg4[%select_n3A_977, %mul3A_995] : memref<200x16384xi32, #tpu.memory_space<hbm>> -> memref<1x1024xi32, #tpu.memory_space<hbm>>
      %dma_start3A_997 = tpu.memref_slice %arg4[%select_n3A_977, %mul3A_995] : memref<200x16384xi32, #tpu.memory_space<hbm>> -> memref<1x1024xi32, #tpu.memory_space<hbm>>
      tpu.enqueue_dma source(%arg10 : memref<1x1024xi32, #tpu.memory_space<vmem>>) target(%dma_start3A_997 : memref<1x1024xi32, #tpu.memory_space<hbm>>) target_semaphore(%arg30 : memref<!tpu.dma_semaphore, #tpu.memory_space<semaphore_mem>>)
      %mul3A_998 = arith.constant 10 : i32
      %mul3A_999 = arith.muli %scan3A_456, %mul3A_998 : i32
      %add3A_1000 = arith.constant 5 : i32
      %add3A_1001 = arith.addi %mul3A_999, %add3A_1000 : i32
      %ge3A_1002 = arith.constant 2 : i32
      %ge3A_1003 = arith.cmpi sge, %add3A_1001, %ge3A_1002 : i32
      %convert_element_type3A_1004 = arith.extui %ge3A_1003 : i1 to i32
      %cond3A_1005 = arith.constant 0 : i32
      %cond3A_1006 = arith.cmpi ne, %convert_element_type3A_1004, %cond3A_1005 : i32
      scf.if %cond3A_1006 {
        %sub3A_1543 = arith.constant 2 : i32
        %sub3A_1544 = arith.subi %add3A_1001, %sub3A_1543 : i32
        %add3A_1545 = arith.addi %mul3A_2, %sub3A_1544 : i32
        %jit3A_1546 = arith.constant 16 : i32
        %div3A_1547 = arith.divsi %add3A_1545, %jit3A_1546 : i32
        %sign3A_1548 = arith.constant 0 : i32
        %sign3A_1549 = arith.cmpi sgt, %add3A_1545, %sign3A_1548 : i32
        %sign3A_1550 = arith.extui %sign3A_1549 : i1 to i32
        %sign3A_1551 = arith.constant 0 : i32
        %sign3A_1552 = arith.cmpi slt, %add3A_1545, %sign3A_1551 : i32
        %sign3A_1553 = arith.extui %sign3A_1552 : i1 to i32
        %sign3A_1554 = arith.subi %sign3A_1550, %sign3A_1553 : i32
        %sign3A_1555 = arith.constant 0 : i32
        %sign3A_1556 = arith.cmpi sgt, %jit3A_1546, %sign3A_1555 : i32
        %sign3A_1557 = arith.extui %sign3A_1556 : i1 to i32
        %sign3A_1558 = arith.constant 0 : i32
        %sign3A_1559 = arith.cmpi slt, %jit3A_1546, %sign3A_1558 : i32
        %sign3A_1560 = arith.extui %sign3A_1559 : i1 to i32
        %sign3A_1561 = arith.subi %sign3A_1557, %sign3A_1560 : i32
        %ne3A_1562 = arith.cmpi ne, %sign3A_1554, %sign3A_1561 : i32
        %rem3A_1563 = arith.remsi %add3A_1545, %jit3A_1546 : i32
        %ne3A_1564 = arith.constant 0 : i32
        %ne3A_1565 = arith.cmpi ne, %rem3A_1563, %ne3A_1564 : i32
        %and3A_1566 = arith.andi %ne3A_1562, %ne3A_1565 : i1
        %sub3A_1567 = arith.constant 1 : i32
        %sub3A_1568 = arith.subi %div3A_1547, %sub3A_1567 : i32
        %select_n3A_1569 = arith.select %and3A_1566, %sub3A_1568, %div3A_1547 : i32
        %jit3A_1570 = arith.constant 16 : i32
        %eq3A_1571 = arith.constant 0 : i32
        %eq3A_1572 = arith.cmpi eq, %jit3A_1570, %eq3A_1571 : i32
        %jit3A_1573 = arith.constant 1 : i32
        %select_n3A_1574 = arith.select %eq3A_1572, %jit3A_1573, %jit3A_1570 : i32
        %rem3A_1575 = arith.remsi %add3A_1545, %select_n3A_1574 : i32
        %ne3A_1576 = arith.constant 0 : i32
        %ne3A_1577 = arith.cmpi ne, %rem3A_1575, %ne3A_1576 : i32
        %lt3A_1578 = arith.constant 0 : i32
        %lt3A_1579 = arith.cmpi slt, %rem3A_1575, %lt3A_1578 : i32
        %lt3A_1580 = arith.constant 0 : i32
        %lt3A_1581 = arith.cmpi slt, %select_n3A_1574, %lt3A_1580 : i32
        %ne3A_1582 = arith.xori %lt3A_1579, %lt3A_1581 : i1
        %and3A_1583 = arith.andi %ne3A_1582, %ne3A_1577 : i1
        %add3A_1584 = arith.addi %rem3A_1575, %select_n3A_1574 : i32
        %select_n3A_1585 = arith.select %and3A_1583, %add3A_1584, %rem3A_1575 : i32
        %mul3A_1586 = arith.constant 1024 : i32
        %mul3A_1587 = arith.muli %select_n3A_1585, %mul3A_1586 : i32
        %dma_wait3A_1588 = tpu.memref_slice %arg4[%select_n3A_1569, %mul3A_1587] : memref<200x16384xi32, #tpu.memory_space<hbm>> -> memref<1x1024xi32, #tpu.memory_space<hbm>>
        %dma_wait3A_1589 = tpu.memref_slice %arg4[%select_n3A_1569, %mul3A_1587] : memref<200x16384xi32, #tpu.memory_space<hbm>> -> memref<1x1024xi32, #tpu.memory_space<hbm>>
        tpu.wait_dma2 semaphore(%arg29 : memref<!tpu.dma_semaphore, #tpu.memory_space<semaphore_mem>>) src(%arg9 : memref<1x1024xi32, #tpu.memory_space<vmem>>) dst(%dma_wait3A_1589 : memref<1x1024xi32, #tpu.memory_space<hbm>>)
      } else {
      }
      %add3A_1007 = arith.constant 8 : i32
      %add3A_1008 = arith.addi %add3A_1001, %add3A_1007 : i32
      %lt3A_1009 = arith.constant 100 : i32
      %lt3A_1010 = arith.cmpi slt, %add3A_1008, %lt3A_1009 : i32
      %convert_element_type3A_1011 = arith.extui %lt3A_1010 : i1 to i32
      %cond3A_1012 = arith.constant 0 : i32
      %cond3A_1013 = arith.cmpi ne, %convert_element_type3A_1011, %cond3A_1012 : i32
      scf.if %cond3A_1013 {
        %add3A_1543 = arith.constant 8 : i32
        %add3A_1544 = arith.addi %add3A_1001, %add3A_1543 : i32
        %add3A_1545 = arith.addi %mul3A_2, %add3A_1544 : i32
        %jit3A_1546 = arith.constant 16 : i32
        %div3A_1547 = arith.divsi %add3A_1545, %jit3A_1546 : i32
        %sign3A_1548 = arith.constant 0 : i32
        %sign3A_1549 = arith.cmpi sgt, %add3A_1545, %sign3A_1548 : i32
        %sign3A_1550 = arith.extui %sign3A_1549 : i1 to i32
        %sign3A_1551 = arith.constant 0 : i32
        %sign3A_1552 = arith.cmpi slt, %add3A_1545, %sign3A_1551 : i32
        %sign3A_1553 = arith.extui %sign3A_1552 : i1 to i32
        %sign3A_1554 = arith.subi %sign3A_1550, %sign3A_1553 : i32
        %sign3A_1555 = arith.constant 0 : i32
        %sign3A_1556 = arith.cmpi sgt, %jit3A_1546, %sign3A_1555 : i32
        %sign3A_1557 = arith.extui %sign3A_1556 : i1 to i32
        %sign3A_1558 = arith.constant 0 : i32
        %sign3A_1559 = arith.cmpi slt, %jit3A_1546, %sign3A_1558 : i32
        %sign3A_1560 = arith.extui %sign3A_1559 : i1 to i32
        %sign3A_1561 = arith.subi %sign3A_1557, %sign3A_1560 : i32
        %ne3A_1562 = arith.cmpi ne, %sign3A_1554, %sign3A_1561 : i32
        %rem3A_1563 = arith.remsi %add3A_1545, %jit3A_1546 : i32
        %ne3A_1564 = arith.constant 0 : i32
        %ne3A_1565 = arith.cmpi ne, %rem3A_1563, %ne3A_1564 : i32
        %and3A_1566 = arith.andi %ne3A_1562, %ne3A_1565 : i1
        %sub3A_1567 = arith.constant 1 : i32
        %sub3A_1568 = arith.subi %div3A_1547, %sub3A_1567 : i32
        %select_n3A_1569 = arith.select %and3A_1566, %sub3A_1568, %div3A_1547 : i32
        %jit3A_1570 = arith.constant 16 : i32
        %eq3A_1571 = arith.constant 0 : i32
        %eq3A_1572 = arith.cmpi eq, %jit3A_1570, %eq3A_1571 : i32
        %jit3A_1573 = arith.constant 1 : i32
        %select_n3A_1574 = arith.select %eq3A_1572, %jit3A_1573, %jit3A_1570 : i32
        %rem3A_1575 = arith.remsi %add3A_1545, %select_n3A_1574 : i32
        %ne3A_1576 = arith.constant 0 : i32
        %ne3A_1577 = arith.cmpi ne, %rem3A_1575, %ne3A_1576 : i32
        %lt3A_1578 = arith.constant 0 : i32
        %lt3A_1579 = arith.cmpi slt, %rem3A_1575, %lt3A_1578 : i32
        %lt3A_1580 = arith.constant 0 : i32
        %lt3A_1581 = arith.cmpi slt, %select_n3A_1574, %lt3A_1580 : i32
        %ne3A_1582 = arith.xori %lt3A_1579, %lt3A_1581 : i1
        %and3A_1583 = arith.andi %ne3A_1582, %ne3A_1577 : i1
        %add3A_1584 = arith.addi %rem3A_1575, %select_n3A_1574 : i32
        %select_n3A_1585 = arith.select %and3A_1583, %add3A_1584, %rem3A_1575 : i32
        %mul3A_1586 = arith.constant 1024 : i32
        %mul3A_1587 = arith.muli %select_n3A_1585, %mul3A_1586 : i32
        %dma_start3A_1588 = tpu.memref_slice %arg2[%select_n3A_1569, %mul3A_1587] : memref<200x16384xi32, #tpu.memory_space<hbm>> -> memref<1x1024xi32, #tpu.memory_space<hbm>>
        %dma_start3A_1589 = tpu.memref_slice %arg2[%select_n3A_1569, %mul3A_1587] : memref<200x16384xi32, #tpu.memory_space<hbm>> -> memref<1x1024xi32, #tpu.memory_space<hbm>>
        tpu.enqueue_dma source(%dma_start3A_1589 : memref<1x1024xi32, #tpu.memory_space<hbm>>) target(%arg9 : memref<1x1024xi32, #tpu.memory_space<vmem>>) target_semaphore(%arg19 : memref<!tpu.dma_semaphore, #tpu.memory_space<semaphore_mem>>)
      } else {
      }
      %add3A_1014 = arith.addi %mul3A_2, %add3A_1001 : i32
      %jit3A_1015 = arith.constant 16 : i32
      %div3A_1016 = arith.divsi %add3A_1014, %jit3A_1015 : i32
      %sign3A_1017 = arith.constant 0 : i32
      %sign3A_1018 = arith.cmpi sgt, %add3A_1014, %sign3A_1017 : i32
      %sign3A_1019 = arith.extui %sign3A_1018 : i1 to i32
      %sign3A_1020 = arith.constant 0 : i32
      %sign3A_1021 = arith.cmpi slt, %add3A_1014, %sign3A_1020 : i32
      %sign3A_1022 = arith.extui %sign3A_1021 : i1 to i32
      %sign3A_1023 = arith.subi %sign3A_1019, %sign3A_1022 : i32
      %sign3A_1024 = arith.constant 0 : i32
      %sign3A_1025 = arith.cmpi sgt, %jit3A_1015, %sign3A_1024 : i32
      %sign3A_1026 = arith.extui %sign3A_1025 : i1 to i32
      %sign3A_1027 = arith.constant 0 : i32
      %sign3A_1028 = arith.cmpi slt, %jit3A_1015, %sign3A_1027 : i32
      %sign3A_1029 = arith.extui %sign3A_1028 : i1 to i32
      %sign3A_1030 = arith.subi %sign3A_1026, %sign3A_1029 : i32
      %ne3A_1031 = arith.cmpi ne, %sign3A_1023, %sign3A_1030 : i32
      %rem3A_1032 = arith.remsi %add3A_1014, %jit3A_1015 : i32
      %ne3A_1033 = arith.constant 0 : i32
      %ne3A_1034 = arith.cmpi ne, %rem3A_1032, %ne3A_1033 : i32
      %and3A_1035 = arith.andi %ne3A_1031, %ne3A_1034 : i1
      %sub3A_1036 = arith.constant 1 : i32
      %sub3A_1037 = arith.subi %div3A_1016, %sub3A_1036 : i32
      %select_n3A_1038 = arith.select %and3A_1035, %sub3A_1037, %div3A_1016 : i32
      %jit3A_1039 = arith.constant 16 : i32
      %eq3A_1040 = arith.constant 0 : i32
      %eq3A_1041 = arith.cmpi eq, %jit3A_1039, %eq3A_1040 : i32
      %jit3A_1042 = arith.constant 1 : i32
      %select_n3A_1043 = arith.select %eq3A_1041, %jit3A_1042, %jit3A_1039 : i32
      %rem3A_1044 = arith.remsi %add3A_1014, %select_n3A_1043 : i32
      %ne3A_1045 = arith.constant 0 : i32
      %ne3A_1046 = arith.cmpi ne, %rem3A_1044, %ne3A_1045 : i32
      %lt3A_1047 = arith.constant 0 : i32
      %lt3A_1048 = arith.cmpi slt, %rem3A_1044, %lt3A_1047 : i32
      %lt3A_1049 = arith.constant 0 : i32
      %lt3A_1050 = arith.cmpi slt, %select_n3A_1043, %lt3A_1049 : i32
      %ne3A_1051 = arith.xori %lt3A_1048, %lt3A_1050 : i1
      %and3A_1052 = arith.andi %ne3A_1051, %ne3A_1046 : i1
      %add3A_1053 = arith.addi %rem3A_1044, %select_n3A_1043 : i32
      %select_n3A_1054 = arith.select %and3A_1052, %add3A_1053, %rem3A_1044 : i32
      %mul3A_1055 = arith.constant 1024 : i32
      %mul3A_1056 = arith.muli %select_n3A_1054, %mul3A_1055 : i32
      %dma_wait3A_1057 = tpu.memref_slice %arg2[%select_n3A_1038, %mul3A_1056] : memref<200x16384xi32, #tpu.memory_space<hbm>> -> memref<1x1024xi32, #tpu.memory_space<hbm>>
      %dma_wait3A_1058 = tpu.memref_slice %arg2[%select_n3A_1038, %mul3A_1056] : memref<200x16384xi32, #tpu.memory_space<hbm>> -> memref<1x1024xi32, #tpu.memory_space<hbm>>
      tpu.wait_dma2 semaphore(%arg21 : memref<!tpu.dma_semaphore, #tpu.memory_space<semaphore_mem>>) src(%dma_wait3A_1058 : memref<1x1024xi32, #tpu.memory_space<hbm>>) dst(%arg11 : memref<1x1024xi32, #tpu.memory_space<vmem>>)
      %parallel_loop3A_1059 = arith.constant 0 : i32
      %parallel_loop3A_1060 = arith.constant 64 : i32
      %parallel_loop3A_1061 = arith.constant 1 : i32
      scf.for %parallel_loop3A_1543 = %parallel_loop3A_1059 to %parallel_loop3A_1060 step %parallel_loop3A_1061  : i32 {
        %parallel_loop3A_1544 = arith.constant 16 : i32
        %parallel_loop3A_1545 = arith.muli %parallel_loop3A_1543, %parallel_loop3A_1544 : i32
        %parallel_loop3A_1546 = arith.constant 0 : i32
        %parallel_loop3A_1547 = arith.index_cast %parallel_loop3A_1546 : i32 to index
        %parallel_loop3A_1548 = arith.index_cast %parallel_loop3A_1545 : i32 to index
        %parallel_loop3A_1549 = tpu.vector_load %arg11[%parallel_loop3A_1547, %parallel_loop3A_1548] {strides = array<i32>} : memref<1x1024xi32, #tpu.memory_space<vmem>>, vector<16xi32>,
        %parallel_loop3A_1550 = tpu.vector_load_idx %arg5[%parallel_loop3A_1549] : memref<120000xi32, #tpu.memory_space<vmem>>[vector<16xi32>], vector<16xi32>,
        %parallel_loop3A_1551 = arith.constant 16 : i32
        %parallel_loop3A_1552 = arith.muli %parallel_loop3A_1543, %parallel_loop3A_1551 : i32
        %parallel_loop3A_1553 = arith.constant 0 : i32
        %parallel_loop3A_1554 = arith.index_cast %parallel_loop3A_1553 : i32 to index
        %parallel_loop3A_1555 = arith.index_cast %parallel_loop3A_1552 : i32 to index
        %parallel_loop3A_1556 = tpu.vector_load %arg11[%parallel_loop3A_1554, %parallel_loop3A_1555] {strides = array<i32>} : memref<1x1024xi32, #tpu.memory_space<vmem>>, vector<16xi32>,
        tpu.vector_store %arg11[%parallel_loop3A_1554, %parallel_loop3A_1555], %parallel_loop3A_1550 {strides = array<i32>} : memref<1x1024xi32, #tpu.memory_space<vmem>>, vector<16xi32>,
      } {sc.loop_unroll_factor = 8 : i64, sc.parallel_access}
      %add3A_1062 = arith.addi %mul3A_2, %add3A_1001 : i32
      %jit3A_1063 = arith.constant 16 : i32
      %div3A_1064 = arith.divsi %add3A_1062, %jit3A_1063 : i32
      %sign3A_1065 = arith.constant 0 : i32
      %sign3A_1066 = arith.cmpi sgt, %add3A_1062, %sign3A_1065 : i32
      %sign3A_1067 = arith.extui %sign3A_1066 : i1 to i32
      %sign3A_1068 = arith.constant 0 : i32
      %sign3A_1069 = arith.cmpi slt, %add3A_1062, %sign3A_1068 : i32
      %sign3A_1070 = arith.extui %sign3A_1069 : i1 to i32
      %sign3A_1071 = arith.subi %sign3A_1067, %sign3A_1070 : i32
      %sign3A_1072 = arith.constant 0 : i32
      %sign3A_1073 = arith.cmpi sgt, %jit3A_1063, %sign3A_1072 : i32
      %sign3A_1074 = arith.extui %sign3A_1073 : i1 to i32
      %sign3A_1075 = arith.constant 0 : i32
      %sign3A_1076 = arith.cmpi slt, %jit3A_1063, %sign3A_1075 : i32
      %sign3A_1077 = arith.extui %sign3A_1076 : i1 to i32
      %sign3A_1078 = arith.subi %sign3A_1074, %sign3A_1077 : i32
      %ne3A_1079 = arith.cmpi ne, %sign3A_1071, %sign3A_1078 : i32
      %rem3A_1080 = arith.remsi %add3A_1062, %jit3A_1063 : i32
      %ne3A_1081 = arith.constant 0 : i32
      %ne3A_1082 = arith.cmpi ne, %rem3A_1080, %ne3A_1081 : i32
      %and3A_1083 = arith.andi %ne3A_1079, %ne3A_1082 : i1
      %sub3A_1084 = arith.constant 1 : i32
      %sub3A_1085 = arith.subi %div3A_1064, %sub3A_1084 : i32
      %select_n3A_1086 = arith.select %and3A_1083, %sub3A_1085, %div3A_1064 : i32
      %jit3A_1087 = arith.constant 16 : i32
      %eq3A_1088 = arith.constant 0 : i32
      %eq3A_1089 = arith.cmpi eq, %jit3A_1087, %eq3A_1088 : i32
      %jit3A_1090 = arith.constant 1 : i32
      %select_n3A_1091 = arith.select %eq3A_1089, %jit3A_1090, %jit3A_1087 : i32
      %rem3A_1092 = arith.remsi %add3A_1062, %select_n3A_1091 : i32
      %ne3A_1093 = arith.constant 0 : i32
      %ne3A_1094 = arith.cmpi ne, %rem3A_1092, %ne3A_1093 : i32
      %lt3A_1095 = arith.constant 0 : i32
      %lt3A_1096 = arith.cmpi slt, %rem3A_1092, %lt3A_1095 : i32
      %lt3A_1097 = arith.constant 0 : i32
      %lt3A_1098 = arith.cmpi slt, %select_n3A_1091, %lt3A_1097 : i32
      %ne3A_1099 = arith.xori %lt3A_1096, %lt3A_1098 : i1
      %and3A_1100 = arith.andi %ne3A_1099, %ne3A_1094 : i1
      %add3A_1101 = arith.addi %rem3A_1092, %select_n3A_1091 : i32
      %select_n3A_1102 = arith.select %and3A_1100, %add3A_1101, %rem3A_1092 : i32
      %mul3A_1103 = arith.constant 1024 : i32
      %mul3A_1104 = arith.muli %select_n3A_1102, %mul3A_1103 : i32
      %dma_start3A_1105 = tpu.memref_slice %arg4[%select_n3A_1086, %mul3A_1104] : memref<200x16384xi32, #tpu.memory_space<hbm>> -> memref<1x1024xi32, #tpu.memory_space<hbm>>
      %dma_start3A_1106 = tpu.memref_slice %arg4[%select_n3A_1086, %mul3A_1104] : memref<200x16384xi32, #tpu.memory_space<hbm>> -> memref<1x1024xi32, #tpu.memory_space<hbm>>
      tpu.enqueue_dma source(%arg11 : memref<1x1024xi32, #tpu.memory_space<vmem>>) target(%dma_start3A_1106 : memref<1x1024xi32, #tpu.memory_space<hbm>>) target_semaphore(%arg31 : memref<!tpu.dma_semaphore, #tpu.memory_space<semaphore_mem>>)
      %mul3A_1107 = arith.constant 10 : i32
      %mul3A_1108 = arith.muli %scan3A_456, %mul3A_1107 : i32
      %add3A_1109 = arith.constant 6 : i32
      %add3A_1110 = arith.addi %mul3A_1108, %add3A_1109 : i32
      %ge3A_1111 = arith.constant 2 : i32
      %ge3A_1112 = arith.cmpi sge, %add3A_1110, %ge3A_1111 : i32
      %convert_element_type3A_1113 = arith.extui %ge3A_1112 : i1 to i32
      %cond3A_1114 = arith.constant 0 : i32
      %cond3A_1115 = arith.cmpi ne, %convert_element_type3A_1113, %cond3A_1114 : i32
      scf.if %cond3A_1115 {
        %sub3A_1543 = arith.constant 2 : i32
        %sub3A_1544 = arith.subi %add3A_1110, %sub3A_1543 : i32
        %add3A_1545 = arith.addi %mul3A_2, %sub3A_1544 : i32
        %jit3A_1546 = arith.constant 16 : i32
        %div3A_1547 = arith.divsi %add3A_1545, %jit3A_1546 : i32
        %sign3A_1548 = arith.constant 0 : i32
        %sign3A_1549 = arith.cmpi sgt, %add3A_1545, %sign3A_1548 : i32
        %sign3A_1550 = arith.extui %sign3A_1549 : i1 to i32
        %sign3A_1551 = arith.constant 0 : i32
        %sign3A_1552 = arith.cmpi slt, %add3A_1545, %sign3A_1551 : i32
        %sign3A_1553 = arith.extui %sign3A_1552 : i1 to i32
        %sign3A_1554 = arith.subi %sign3A_1550, %sign3A_1553 : i32
        %sign3A_1555 = arith.constant 0 : i32
        %sign3A_1556 = arith.cmpi sgt, %jit3A_1546, %sign3A_1555 : i32
        %sign3A_1557 = arith.extui %sign3A_1556 : i1 to i32
        %sign3A_1558 = arith.constant 0 : i32
        %sign3A_1559 = arith.cmpi slt, %jit3A_1546, %sign3A_1558 : i32
        %sign3A_1560 = arith.extui %sign3A_1559 : i1 to i32
        %sign3A_1561 = arith.subi %sign3A_1557, %sign3A_1560 : i32
        %ne3A_1562 = arith.cmpi ne, %sign3A_1554, %sign3A_1561 : i32
        %rem3A_1563 = arith.remsi %add3A_1545, %jit3A_1546 : i32
        %ne3A_1564 = arith.constant 0 : i32
        %ne3A_1565 = arith.cmpi ne, %rem3A_1563, %ne3A_1564 : i32
        %and3A_1566 = arith.andi %ne3A_1562, %ne3A_1565 : i1
        %sub3A_1567 = arith.constant 1 : i32
        %sub3A_1568 = arith.subi %div3A_1547, %sub3A_1567 : i32
        %select_n3A_1569 = arith.select %and3A_1566, %sub3A_1568, %div3A_1547 : i32
        %jit3A_1570 = arith.constant 16 : i32
        %eq3A_1571 = arith.constant 0 : i32
        %eq3A_1572 = arith.cmpi eq, %jit3A_1570, %eq3A_1571 : i32
        %jit3A_1573 = arith.constant 1 : i32
        %select_n3A_1574 = arith.select %eq3A_1572, %jit3A_1573, %jit3A_1570 : i32
        %rem3A_1575 = arith.remsi %add3A_1545, %select_n3A_1574 : i32
        %ne3A_1576 = arith.constant 0 : i32
        %ne3A_1577 = arith.cmpi ne, %rem3A_1575, %ne3A_1576 : i32
        %lt3A_1578 = arith.constant 0 : i32
        %lt3A_1579 = arith.cmpi slt, %rem3A_1575, %lt3A_1578 : i32
        %lt3A_1580 = arith.constant 0 : i32
        %lt3A_1581 = arith.cmpi slt, %select_n3A_1574, %lt3A_1580 : i32
        %ne3A_1582 = arith.xori %lt3A_1579, %lt3A_1581 : i1
        %and3A_1583 = arith.andi %ne3A_1582, %ne3A_1577 : i1
        %add3A_1584 = arith.addi %rem3A_1575, %select_n3A_1574 : i32
        %select_n3A_1585 = arith.select %and3A_1583, %add3A_1584, %rem3A_1575 : i32
        %mul3A_1586 = arith.constant 1024 : i32
        %mul3A_1587 = arith.muli %select_n3A_1585, %mul3A_1586 : i32
        %dma_wait3A_1588 = tpu.memref_slice %arg4[%select_n3A_1569, %mul3A_1587] : memref<200x16384xi32, #tpu.memory_space<hbm>> -> memref<1x1024xi32, #tpu.memory_space<hbm>>
        %dma_wait3A_1589 = tpu.memref_slice %arg4[%select_n3A_1569, %mul3A_1587] : memref<200x16384xi32, #tpu.memory_space<hbm>> -> memref<1x1024xi32, #tpu.memory_space<hbm>>
        tpu.wait_dma2 semaphore(%arg30 : memref<!tpu.dma_semaphore, #tpu.memory_space<semaphore_mem>>) src(%arg10 : memref<1x1024xi32, #tpu.memory_space<vmem>>) dst(%dma_wait3A_1589 : memref<1x1024xi32, #tpu.memory_space<hbm>>)
      } else {
      }
      %add3A_1116 = arith.constant 8 : i32
      %add3A_1117 = arith.addi %add3A_1110, %add3A_1116 : i32
      %lt3A_1118 = arith.constant 100 : i32
      %lt3A_1119 = arith.cmpi slt, %add3A_1117, %lt3A_1118 : i32
      %convert_element_type3A_1120 = arith.extui %lt3A_1119 : i1 to i32
      %cond3A_1121 = arith.constant 0 : i32
      %cond3A_1122 = arith.cmpi ne, %convert_element_type3A_1120, %cond3A_1121 : i32
      scf.if %cond3A_1122 {
        %add3A_1543 = arith.constant 8 : i32
        %add3A_1544 = arith.addi %add3A_1110, %add3A_1543 : i32
        %add3A_1545 = arith.addi %mul3A_2, %add3A_1544 : i32
        %jit3A_1546 = arith.constant 16 : i32
        %div3A_1547 = arith.divsi %add3A_1545, %jit3A_1546 : i32
        %sign3A_1548 = arith.constant 0 : i32
        %sign3A_1549 = arith.cmpi sgt, %add3A_1545, %sign3A_1548 : i32
        %sign3A_1550 = arith.extui %sign3A_1549 : i1 to i32
        %sign3A_1551 = arith.constant 0 : i32
        %sign3A_1552 = arith.cmpi slt, %add3A_1545, %sign3A_1551 : i32
        %sign3A_1553 = arith.extui %sign3A_1552 : i1 to i32
        %sign3A_1554 = arith.subi %sign3A_1550, %sign3A_1553 : i32
        %sign3A_1555 = arith.constant 0 : i32
        %sign3A_1556 = arith.cmpi sgt, %jit3A_1546, %sign3A_1555 : i32
        %sign3A_1557 = arith.extui %sign3A_1556 : i1 to i32
        %sign3A_1558 = arith.constant 0 : i32
        %sign3A_1559 = arith.cmpi slt, %jit3A_1546, %sign3A_1558 : i32
        %sign3A_1560 = arith.extui %sign3A_1559 : i1 to i32
        %sign3A_1561 = arith.subi %sign3A_1557, %sign3A_1560 : i32
        %ne3A_1562 = arith.cmpi ne, %sign3A_1554, %sign3A_1561 : i32
        %rem3A_1563 = arith.remsi %add3A_1545, %jit3A_1546 : i32
        %ne3A_1564 = arith.constant 0 : i32
        %ne3A_1565 = arith.cmpi ne, %rem3A_1563, %ne3A_1564 : i32
        %and3A_1566 = arith.andi %ne3A_1562, %ne3A_1565 : i1
        %sub3A_1567 = arith.constant 1 : i32
        %sub3A_1568 = arith.subi %div3A_1547, %sub3A_1567 : i32
        %select_n3A_1569 = arith.select %and3A_1566, %sub3A_1568, %div3A_1547 : i32
        %jit3A_1570 = arith.constant 16 : i32
        %eq3A_1571 = arith.constant 0 : i32
        %eq3A_1572 = arith.cmpi eq, %jit3A_1570, %eq3A_1571 : i32
        %jit3A_1573 = arith.constant 1 : i32
        %select_n3A_1574 = arith.select %eq3A_1572, %jit3A_1573, %jit3A_1570 : i32
        %rem3A_1575 = arith.remsi %add3A_1545, %select_n3A_1574 : i32
        %ne3A_1576 = arith.constant 0 : i32
        %ne3A_1577 = arith.cmpi ne, %rem3A_1575, %ne3A_1576 : i32
        %lt3A_1578 = arith.constant 0 : i32
        %lt3A_1579 = arith.cmpi slt, %rem3A_1575, %lt3A_1578 : i32
        %lt3A_1580 = arith.constant 0 : i32
        %lt3A_1581 = arith.cmpi slt, %select_n3A_1574, %lt3A_1580 : i32
        %ne3A_1582 = arith.xori %lt3A_1579, %lt3A_1581 : i1
        %and3A_1583 = arith.andi %ne3A_1582, %ne3A_1577 : i1
        %add3A_1584 = arith.addi %rem3A_1575, %select_n3A_1574 : i32
        %select_n3A_1585 = arith.select %and3A_1583, %add3A_1584, %rem3A_1575 : i32
        %mul3A_1586 = arith.constant 1024 : i32
        %mul3A_1587 = arith.muli %select_n3A_1585, %mul3A_1586 : i32
        %dma_start3A_1588 = tpu.memref_slice %arg2[%select_n3A_1569, %mul3A_1587] : memref<200x16384xi32, #tpu.memory_space<hbm>> -> memref<1x1024xi32, #tpu.memory_space<hbm>>
        %dma_start3A_1589 = tpu.memref_slice %arg2[%select_n3A_1569, %mul3A_1587] : memref<200x16384xi32, #tpu.memory_space<hbm>> -> memref<1x1024xi32, #tpu.memory_space<hbm>>
        tpu.enqueue_dma source(%dma_start3A_1589 : memref<1x1024xi32, #tpu.memory_space<hbm>>) target(%arg10 : memref<1x1024xi32, #tpu.memory_space<vmem>>) target_semaphore(%arg20 : memref<!tpu.dma_semaphore, #tpu.memory_space<semaphore_mem>>)
      } else {
      }
      %add3A_1123 = arith.addi %mul3A_2, %add3A_1110 : i32
      %jit3A_1124 = arith.constant 16 : i32
      %div3A_1125 = arith.divsi %add3A_1123, %jit3A_1124 : i32
      %sign3A_1126 = arith.constant 0 : i32
      %sign3A_1127 = arith.cmpi sgt, %add3A_1123, %sign3A_1126 : i32
      %sign3A_1128 = arith.extui %sign3A_1127 : i1 to i32
      %sign3A_1129 = arith.constant 0 : i32
      %sign3A_1130 = arith.cmpi slt, %add3A_1123, %sign3A_1129 : i32
      %sign3A_1131 = arith.extui %sign3A_1130 : i1 to i32
      %sign3A_1132 = arith.subi %sign3A_1128, %sign3A_1131 : i32
      %sign3A_1133 = arith.constant 0 : i32
      %sign3A_1134 = arith.cmpi sgt, %jit3A_1124, %sign3A_1133 : i32
      %sign3A_1135 = arith.extui %sign3A_1134 : i1 to i32
      %sign3A_1136 = arith.constant 0 : i32
      %sign3A_1137 = arith.cmpi slt, %jit3A_1124, %sign3A_1136 : i32
      %sign3A_1138 = arith.extui %sign3A_1137 : i1 to i32
      %sign3A_1139 = arith.subi %sign3A_1135, %sign3A_1138 : i32
      %ne3A_1140 = arith.cmpi ne, %sign3A_1132, %sign3A_1139 : i32
      %rem3A_1141 = arith.remsi %add3A_1123, %jit3A_1124 : i32
      %ne3A_1142 = arith.constant 0 : i32
      %ne3A_1143 = arith.cmpi ne, %rem3A_1141, %ne3A_1142 : i32
      %and3A_1144 = arith.andi %ne3A_1140, %ne3A_1143 : i1
      %sub3A_1145 = arith.constant 1 : i32
      %sub3A_1146 = arith.subi %div3A_1125, %sub3A_1145 : i32
      %select_n3A_1147 = arith.select %and3A_1144, %sub3A_1146, %div3A_1125 : i32
      %jit3A_1148 = arith.constant 16 : i32
      %eq3A_1149 = arith.constant 0 : i32
      %eq3A_1150 = arith.cmpi eq, %jit3A_1148, %eq3A_1149 : i32
      %jit3A_1151 = arith.constant 1 : i32
      %select_n3A_1152 = arith.select %eq3A_1150, %jit3A_1151, %jit3A_1148 : i32
      %rem3A_1153 = arith.remsi %add3A_1123, %select_n3A_1152 : i32
      %ne3A_1154 = arith.constant 0 : i32
      %ne3A_1155 = arith.cmpi ne, %rem3A_1153, %ne3A_1154 : i32
      %lt3A_1156 = arith.constant 0 : i32
      %lt3A_1157 = arith.cmpi slt, %rem3A_1153, %lt3A_1156 : i32
      %lt3A_1158 = arith.constant 0 : i32
      %lt3A_1159 = arith.cmpi slt, %select_n3A_1152, %lt3A_1158 : i32
      %ne3A_1160 = arith.xori %lt3A_1157, %lt3A_1159 : i1
      %and3A_1161 = arith.andi %ne3A_1160, %ne3A_1155 : i1
      %add3A_1162 = arith.addi %rem3A_1153, %select_n3A_1152 : i32
      %select_n3A_1163 = arith.select %and3A_1161, %add3A_1162, %rem3A_1153 : i32
      %mul3A_1164 = arith.constant 1024 : i32
      %mul3A_1165 = arith.muli %select_n3A_1163, %mul3A_1164 : i32
      %dma_wait3A_1166 = tpu.memref_slice %arg2[%select_n3A_1147, %mul3A_1165] : memref<200x16384xi32, #tpu.memory_space<hbm>> -> memref<1x1024xi32, #tpu.memory_space<hbm>>
      %dma_wait3A_1167 = tpu.memref_slice %arg2[%select_n3A_1147, %mul3A_1165] : memref<200x16384xi32, #tpu.memory_space<hbm>> -> memref<1x1024xi32, #tpu.memory_space<hbm>>
      tpu.wait_dma2 semaphore(%arg22 : memref<!tpu.dma_semaphore, #tpu.memory_space<semaphore_mem>>) src(%dma_wait3A_1167 : memref<1x1024xi32, #tpu.memory_space<hbm>>) dst(%arg12 : memref<1x1024xi32, #tpu.memory_space<vmem>>)
      %parallel_loop3A_1168 = arith.constant 0 : i32
      %parallel_loop3A_1169 = arith.constant 64 : i32
      %parallel_loop3A_1170 = arith.constant 1 : i32
      scf.for %parallel_loop3A_1543 = %parallel_loop3A_1168 to %parallel_loop3A_1169 step %parallel_loop3A_1170  : i32 {
        %parallel_loop3A_1544 = arith.constant 16 : i32
        %parallel_loop3A_1545 = arith.muli %parallel_loop3A_1543, %parallel_loop3A_1544 : i32
        %parallel_loop3A_1546 = arith.constant 0 : i32
        %parallel_loop3A_1547 = arith.index_cast %parallel_loop3A_1546 : i32 to index
        %parallel_loop3A_1548 = arith.index_cast %parallel_loop3A_1545 : i32 to index
        %parallel_loop3A_1549 = tpu.vector_load %arg12[%parallel_loop3A_1547, %parallel_loop3A_1548] {strides = array<i32>} : memref<1x1024xi32, #tpu.memory_space<vmem>>, vector<16xi32>,
        %parallel_loop3A_1550 = tpu.vector_load_idx %arg5[%parallel_loop3A_1549] : memref<120000xi32, #tpu.memory_space<vmem>>[vector<16xi32>], vector<16xi32>,
        %parallel_loop3A_1551 = arith.constant 16 : i32
        %parallel_loop3A_1552 = arith.muli %parallel_loop3A_1543, %parallel_loop3A_1551 : i32
        %parallel_loop3A_1553 = arith.constant 0 : i32
        %parallel_loop3A_1554 = arith.index_cast %parallel_loop3A_1553 : i32 to index
        %parallel_loop3A_1555 = arith.index_cast %parallel_loop3A_1552 : i32 to index
        %parallel_loop3A_1556 = tpu.vector_load %arg12[%parallel_loop3A_1554, %parallel_loop3A_1555] {strides = array<i32>} : memref<1x1024xi32, #tpu.memory_space<vmem>>, vector<16xi32>,
        tpu.vector_store %arg12[%parallel_loop3A_1554, %parallel_loop3A_1555], %parallel_loop3A_1550 {strides = array<i32>} : memref<1x1024xi32, #tpu.memory_space<vmem>>, vector<16xi32>,
      } {sc.loop_unroll_factor = 8 : i64, sc.parallel_access}
      %add3A_1171 = arith.addi %mul3A_2, %add3A_1110 : i32
      %jit3A_1172 = arith.constant 16 : i32
      %div3A_1173 = arith.divsi %add3A_1171, %jit3A_1172 : i32
      %sign3A_1174 = arith.constant 0 : i32
      %sign3A_1175 = arith.cmpi sgt, %add3A_1171, %sign3A_1174 : i32
      %sign3A_1176 = arith.extui %sign3A_1175 : i1 to i32
      %sign3A_1177 = arith.constant 0 : i32
      %sign3A_1178 = arith.cmpi slt, %add3A_1171, %sign3A_1177 : i32
      %sign3A_1179 = arith.extui %sign3A_1178 : i1 to i32
      %sign3A_1180 = arith.subi %sign3A_1176, %sign3A_1179 : i32
      %sign3A_1181 = arith.constant 0 : i32
      %sign3A_1182 = arith.cmpi sgt, %jit3A_1172, %sign3A_1181 : i32
      %sign3A_1183 = arith.extui %sign3A_1182 : i1 to i32
      %sign3A_1184 = arith.constant 0 : i32
      %sign3A_1185 = arith.cmpi slt, %jit3A_1172, %sign3A_1184 : i32
      %sign3A_1186 = arith.extui %sign3A_1185 : i1 to i32
      %sign3A_1187 = arith.subi %sign3A_1183, %sign3A_1186 : i32
      %ne3A_1188 = arith.cmpi ne, %sign3A_1180, %sign3A_1187 : i32
      %rem3A_1189 = arith.remsi %add3A_1171, %jit3A_1172 : i32
      %ne3A_1190 = arith.constant 0 : i32
      %ne3A_1191 = arith.cmpi ne, %rem3A_1189, %ne3A_1190 : i32
      %and3A_1192 = arith.andi %ne3A_1188, %ne3A_1191 : i1
      %sub3A_1193 = arith.constant 1 : i32
      %sub3A_1194 = arith.subi %div3A_1173, %sub3A_1193 : i32
      %select_n3A_1195 = arith.select %and3A_1192, %sub3A_1194, %div3A_1173 : i32
      %jit3A_1196 = arith.constant 16 : i32
      %eq3A_1197 = arith.constant 0 : i32
      %eq3A_1198 = arith.cmpi eq, %jit3A_1196, %eq3A_1197 : i32
      %jit3A_1199 = arith.constant 1 : i32
      %select_n3A_1200 = arith.select %eq3A_1198, %jit3A_1199, %jit3A_1196 : i32
      %rem3A_1201 = arith.remsi %add3A_1171, %select_n3A_1200 : i32
      %ne3A_1202 = arith.constant 0 : i32
      %ne3A_1203 = arith.cmpi ne, %rem3A_1201, %ne3A_1202 : i32
      %lt3A_1204 = arith.constant 0 : i32
      %lt3A_1205 = arith.cmpi slt, %rem3A_1201, %lt3A_1204 : i32
      %lt3A_1206 = arith.constant 0 : i32
      %lt3A_1207 = arith.cmpi slt, %select_n3A_1200, %lt3A_1206 : i32
      %ne3A_1208 = arith.xori %lt3A_1205, %lt3A_1207 : i1
      %and3A_1209 = arith.andi %ne3A_1208, %ne3A_1203 : i1
      %add3A_1210 = arith.addi %rem3A_1201, %select_n3A_1200 : i32
      %select_n3A_1211 = arith.select %and3A_1209, %add3A_1210, %rem3A_1201 : i32
      %mul3A_1212 = arith.constant 1024 : i32
      %mul3A_1213 = arith.muli %select_n3A_1211, %mul3A_1212 : i32
      %dma_start3A_1214 = tpu.memref_slice %arg4[%select_n3A_1195, %mul3A_1213] : memref<200x16384xi32, #tpu.memory_space<hbm>> -> memref<1x1024xi32, #tpu.memory_space<hbm>>
      %dma_start3A_1215 = tpu.memref_slice %arg4[%select_n3A_1195, %mul3A_1213] : memref<200x16384xi32, #tpu.memory_space<hbm>> -> memref<1x1024xi32, #tpu.memory_space<hbm>>
      tpu.enqueue_dma source(%arg12 : memref<1x1024xi32, #tpu.memory_space<vmem>>) target(%dma_start3A_1215 : memref<1x1024xi32, #tpu.memory_space<hbm>>) target_semaphore(%arg32 : memref<!tpu.dma_semaphore, #tpu.memory_space<semaphore_mem>>)
      %mul3A_1216 = arith.constant 10 : i32
      %mul3A_1217 = arith.muli %scan3A_456, %mul3A_1216 : i32
      %add3A_1218 = arith.constant 7 : i32
      %add3A_1219 = arith.addi %mul3A_1217, %add3A_1218 : i32
      %ge3A_1220 = arith.constant 2 : i32
      %ge3A_1221 = arith.cmpi sge, %add3A_1219, %ge3A_1220 : i32
      %convert_element_type3A_1222 = arith.extui %ge3A_1221 : i1 to i32
      %cond3A_1223 = arith.constant 0 : i32
      %cond3A_1224 = arith.cmpi ne, %convert_element_type3A_1222, %cond3A_1223 : i32
      scf.if %cond3A_1224 {
        %sub3A_1543 = arith.constant 2 : i32
        %sub3A_1544 = arith.subi %add3A_1219, %sub3A_1543 : i32
        %add3A_1545 = arith.addi %mul3A_2, %sub3A_1544 : i32
        %jit3A_1546 = arith.constant 16 : i32
        %div3A_1547 = arith.divsi %add3A_1545, %jit3A_1546 : i32
        %sign3A_1548 = arith.constant 0 : i32
        %sign3A_1549 = arith.cmpi sgt, %add3A_1545, %sign3A_1548 : i32
        %sign3A_1550 = arith.extui %sign3A_1549 : i1 to i32
        %sign3A_1551 = arith.constant 0 : i32
        %sign3A_1552 = arith.cmpi slt, %add3A_1545, %sign3A_1551 : i32
        %sign3A_1553 = arith.extui %sign3A_1552 : i1 to i32
        %sign3A_1554 = arith.subi %sign3A_1550, %sign3A_1553 : i32
        %sign3A_1555 = arith.constant 0 : i32
        %sign3A_1556 = arith.cmpi sgt, %jit3A_1546, %sign3A_1555 : i32
        %sign3A_1557 = arith.extui %sign3A_1556 : i1 to i32
        %sign3A_1558 = arith.constant 0 : i32
        %sign3A_1559 = arith.cmpi slt, %jit3A_1546, %sign3A_1558 : i32
        %sign3A_1560 = arith.extui %sign3A_1559 : i1 to i32
        %sign3A_1561 = arith.subi %sign3A_1557, %sign3A_1560 : i32
        %ne3A_1562 = arith.cmpi ne, %sign3A_1554, %sign3A_1561 : i32
        %rem3A_1563 = arith.remsi %add3A_1545, %jit3A_1546 : i32
        %ne3A_1564 = arith.constant 0 : i32
        %ne3A_1565 = arith.cmpi ne, %rem3A_1563, %ne3A_1564 : i32
        %and3A_1566 = arith.andi %ne3A_1562, %ne3A_1565 : i1
        %sub3A_1567 = arith.constant 1 : i32
        %sub3A_1568 = arith.subi %div3A_1547, %sub3A_1567 : i32
        %select_n3A_1569 = arith.select %and3A_1566, %sub3A_1568, %div3A_1547 : i32
        %jit3A_1570 = arith.constant 16 : i32
        %eq3A_1571 = arith.constant 0 : i32
        %eq3A_1572 = arith.cmpi eq, %jit3A_1570, %eq3A_1571 : i32
        %jit3A_1573 = arith.constant 1 : i32
        %select_n3A_1574 = arith.select %eq3A_1572, %jit3A_1573, %jit3A_1570 : i32
        %rem3A_1575 = arith.remsi %add3A_1545, %select_n3A_1574 : i32
        %ne3A_1576 = arith.constant 0 : i32
        %ne3A_1577 = arith.cmpi ne, %rem3A_1575, %ne3A_1576 : i32
        %lt3A_1578 = arith.constant 0 : i32
        %lt3A_1579 = arith.cmpi slt, %rem3A_1575, %lt3A_1578 : i32
        %lt3A_1580 = arith.constant 0 : i32
        %lt3A_1581 = arith.cmpi slt, %select_n3A_1574, %lt3A_1580 : i32
        %ne3A_1582 = arith.xori %lt3A_1579, %lt3A_1581 : i1
        %and3A_1583 = arith.andi %ne3A_1582, %ne3A_1577 : i1
        %add3A_1584 = arith.addi %rem3A_1575, %select_n3A_1574 : i32
        %select_n3A_1585 = arith.select %and3A_1583, %add3A_1584, %rem3A_1575 : i32
        %mul3A_1586 = arith.constant 1024 : i32
        %mul3A_1587 = arith.muli %select_n3A_1585, %mul3A_1586 : i32
        %dma_wait3A_1588 = tpu.memref_slice %arg4[%select_n3A_1569, %mul3A_1587] : memref<200x16384xi32, #tpu.memory_space<hbm>> -> memref<1x1024xi32, #tpu.memory_space<hbm>>
        %dma_wait3A_1589 = tpu.memref_slice %arg4[%select_n3A_1569, %mul3A_1587] : memref<200x16384xi32, #tpu.memory_space<hbm>> -> memref<1x1024xi32, #tpu.memory_space<hbm>>
        tpu.wait_dma2 semaphore(%arg31 : memref<!tpu.dma_semaphore, #tpu.memory_space<semaphore_mem>>) src(%arg11 : memref<1x1024xi32, #tpu.memory_space<vmem>>) dst(%dma_wait3A_1589 : memref<1x1024xi32, #tpu.memory_space<hbm>>)
      } else {
      }
      %add3A_1225 = arith.constant 8 : i32
      %add3A_1226 = arith.addi %add3A_1219, %add3A_1225 : i32
      %lt3A_1227 = arith.constant 100 : i32
      %lt3A_1228 = arith.cmpi slt, %add3A_1226, %lt3A_1227 : i32
      %convert_element_type3A_1229 = arith.extui %lt3A_1228 : i1 to i32
      %cond3A_1230 = arith.constant 0 : i32
      %cond3A_1231 = arith.cmpi ne, %convert_element_type3A_1229, %cond3A_1230 : i32
      scf.if %cond3A_1231 {
        %add3A_1543 = arith.constant 8 : i32
        %add3A_1544 = arith.addi %add3A_1219, %add3A_1543 : i32
        %add3A_1545 = arith.addi %mul3A_2, %add3A_1544 : i32
        %jit3A_1546 = arith.constant 16 : i32
        %div3A_1547 = arith.divsi %add3A_1545, %jit3A_1546 : i32
        %sign3A_1548 = arith.constant 0 : i32
        %sign3A_1549 = arith.cmpi sgt, %add3A_1545, %sign3A_1548 : i32
        %sign3A_1550 = arith.extui %sign3A_1549 : i1 to i32
        %sign3A_1551 = arith.constant 0 : i32
        %sign3A_1552 = arith.cmpi slt, %add3A_1545, %sign3A_1551 : i32
        %sign3A_1553 = arith.extui %sign3A_1552 : i1 to i32
        %sign3A_1554 = arith.subi %sign3A_1550, %sign3A_1553 : i32
        %sign3A_1555 = arith.constant 0 : i32
        %sign3A_1556 = arith.cmpi sgt, %jit3A_1546, %sign3A_1555 : i32
        %sign3A_1557 = arith.extui %sign3A_1556 : i1 to i32
        %sign3A_1558 = arith.constant 0 : i32
        %sign3A_1559 = arith.cmpi slt, %jit3A_1546, %sign3A_1558 : i32
        %sign3A_1560 = arith.extui %sign3A_1559 : i1 to i32
        %sign3A_1561 = arith.subi %sign3A_1557, %sign3A_1560 : i32
        %ne3A_1562 = arith.cmpi ne, %sign3A_1554, %sign3A_1561 : i32
        %rem3A_1563 = arith.remsi %add3A_1545, %jit3A_1546 : i32
        %ne3A_1564 = arith.constant 0 : i32
        %ne3A_1565 = arith.cmpi ne, %rem3A_1563, %ne3A_1564 : i32
        %and3A_1566 = arith.andi %ne3A_1562, %ne3A_1565 : i1
        %sub3A_1567 = arith.constant 1 : i32
        %sub3A_1568 = arith.subi %div3A_1547, %sub3A_1567 : i32
        %select_n3A_1569 = arith.select %and3A_1566, %sub3A_1568, %div3A_1547 : i32
        %jit3A_1570 = arith.constant 16 : i32
        %eq3A_1571 = arith.constant 0 : i32
        %eq3A_1572 = arith.cmpi eq, %jit3A_1570, %eq3A_1571 : i32
        %jit3A_1573 = arith.constant 1 : i32
        %select_n3A_1574 = arith.select %eq3A_1572, %jit3A_1573, %jit3A_1570 : i32
        %rem3A_1575 = arith.remsi %add3A_1545, %select_n3A_1574 : i32
        %ne3A_1576 = arith.constant 0 : i32
        %ne3A_1577 = arith.cmpi ne, %rem3A_1575, %ne3A_1576 : i32
        %lt3A_1578 = arith.constant 0 : i32
        %lt3A_1579 = arith.cmpi slt, %rem3A_1575, %lt3A_1578 : i32
        %lt3A_1580 = arith.constant 0 : i32
        %lt3A_1581 = arith.cmpi slt, %select_n3A_1574, %lt3A_1580 : i32
        %ne3A_1582 = arith.xori %lt3A_1579, %lt3A_1581 : i1
        %and3A_1583 = arith.andi %ne3A_1582, %ne3A_1577 : i1
        %add3A_1584 = arith.addi %rem3A_1575, %select_n3A_1574 : i32
        %select_n3A_1585 = arith.select %and3A_1583, %add3A_1584, %rem3A_1575 : i32
        %mul3A_1586 = arith.constant 1024 : i32
        %mul3A_1587 = arith.muli %select_n3A_1585, %mul3A_1586 : i32
        %dma_start3A_1588 = tpu.memref_slice %arg2[%select_n3A_1569, %mul3A_1587] : memref<200x16384xi32, #tpu.memory_space<hbm>> -> memref<1x1024xi32, #tpu.memory_space<hbm>>
        %dma_start3A_1589 = tpu.memref_slice %arg2[%select_n3A_1569, %mul3A_1587] : memref<200x16384xi32, #tpu.memory_space<hbm>> -> memref<1x1024xi32, #tpu.memory_space<hbm>>
        tpu.enqueue_dma source(%dma_start3A_1589 : memref<1x1024xi32, #tpu.memory_space<hbm>>) target(%arg11 : memref<1x1024xi32, #tpu.memory_space<vmem>>) target_semaphore(%arg21 : memref<!tpu.dma_semaphore, #tpu.memory_space<semaphore_mem>>)
      } else {
      }
      %add3A_1232 = arith.addi %mul3A_2, %add3A_1219 : i32
      %jit3A_1233 = arith.constant 16 : i32
      %div3A_1234 = arith.divsi %add3A_1232, %jit3A_1233 : i32
      %sign3A_1235 = arith.constant 0 : i32
      %sign3A_1236 = arith.cmpi sgt, %add3A_1232, %sign3A_1235 : i32
      %sign3A_1237 = arith.extui %sign3A_1236 : i1 to i32
      %sign3A_1238 = arith.constant 0 : i32
      %sign3A_1239 = arith.cmpi slt, %add3A_1232, %sign3A_1238 : i32
      %sign3A_1240 = arith.extui %sign3A_1239 : i1 to i32
      %sign3A_1241 = arith.subi %sign3A_1237, %sign3A_1240 : i32
      %sign3A_1242 = arith.constant 0 : i32
      %sign3A_1243 = arith.cmpi sgt, %jit3A_1233, %sign3A_1242 : i32
      %sign3A_1244 = arith.extui %sign3A_1243 : i1 to i32
      %sign3A_1245 = arith.constant 0 : i32
      %sign3A_1246 = arith.cmpi slt, %jit3A_1233, %sign3A_1245 : i32
      %sign3A_1247 = arith.extui %sign3A_1246 : i1 to i32
      %sign3A_1248 = arith.subi %sign3A_1244, %sign3A_1247 : i32
      %ne3A_1249 = arith.cmpi ne, %sign3A_1241, %sign3A_1248 : i32
      %rem3A_1250 = arith.remsi %add3A_1232, %jit3A_1233 : i32
      %ne3A_1251 = arith.constant 0 : i32
      %ne3A_1252 = arith.cmpi ne, %rem3A_1250, %ne3A_1251 : i32
      %and3A_1253 = arith.andi %ne3A_1249, %ne3A_1252 : i1
      %sub3A_1254 = arith.constant 1 : i32
      %sub3A_1255 = arith.subi %div3A_1234, %sub3A_1254 : i32
      %select_n3A_1256 = arith.select %and3A_1253, %sub3A_1255, %div3A_1234 : i32
      %jit3A_1257 = arith.constant 16 : i32
      %eq3A_1258 = arith.constant 0 : i32
      %eq3A_1259 = arith.cmpi eq, %jit3A_1257, %eq3A_1258 : i32
      %jit3A_1260 = arith.constant 1 : i32
      %select_n3A_1261 = arith.select %eq3A_1259, %jit3A_1260, %jit3A_1257 : i32
      %rem3A_1262 = arith.remsi %add3A_1232, %select_n3A_1261 : i32
      %ne3A_1263 = arith.constant 0 : i32
      %ne3A_1264 = arith.cmpi ne, %rem3A_1262, %ne3A_1263 : i32
      %lt3A_1265 = arith.constant 0 : i32
      %lt3A_1266 = arith.cmpi slt, %rem3A_1262, %lt3A_1265 : i32
      %lt3A_1267 = arith.constant 0 : i32
      %lt3A_1268 = arith.cmpi slt, %select_n3A_1261, %lt3A_1267 : i32
      %ne3A_1269 = arith.xori %lt3A_1266, %lt3A_1268 : i1
      %and3A_1270 = arith.andi %ne3A_1269, %ne3A_1264 : i1
      %add3A_1271 = arith.addi %rem3A_1262, %select_n3A_1261 : i32
      %select_n3A_1272 = arith.select %and3A_1270, %add3A_1271, %rem3A_1262 : i32
      %mul3A_1273 = arith.constant 1024 : i32
      %mul3A_1274 = arith.muli %select_n3A_1272, %mul3A_1273 : i32
      %dma_wait3A_1275 = tpu.memref_slice %arg2[%select_n3A_1256, %mul3A_1274] : memref<200x16384xi32, #tpu.memory_space<hbm>> -> memref<1x1024xi32, #tpu.memory_space<hbm>>
      %dma_wait3A_1276 = tpu.memref_slice %arg2[%select_n3A_1256, %mul3A_1274] : memref<200x16384xi32, #tpu.memory_space<hbm>> -> memref<1x1024xi32, #tpu.memory_space<hbm>>
      tpu.wait_dma2 semaphore(%arg23 : memref<!tpu.dma_semaphore, #tpu.memory_space<semaphore_mem>>) src(%dma_wait3A_1276 : memref<1x1024xi32, #tpu.memory_space<hbm>>) dst(%arg13 : memref<1x1024xi32, #tpu.memory_space<vmem>>)
      %parallel_loop3A_1277 = arith.constant 0 : i32
      %parallel_loop3A_1278 = arith.constant 64 : i32
      %parallel_loop3A_1279 = arith.constant 1 : i32
      scf.for %parallel_loop3A_1543 = %parallel_loop3A_1277 to %parallel_loop3A_1278 step %parallel_loop3A_1279  : i32 {
        %parallel_loop3A_1544 = arith.constant 16 : i32
        %parallel_loop3A_1545 = arith.muli %parallel_loop3A_1543, %parallel_loop3A_1544 : i32
        %parallel_loop3A_1546 = arith.constant 0 : i32
        %parallel_loop3A_1547 = arith.index_cast %parallel_loop3A_1546 : i32 to index
        %parallel_loop3A_1548 = arith.index_cast %parallel_loop3A_1545 : i32 to index
        %parallel_loop3A_1549 = tpu.vector_load %arg13[%parallel_loop3A_1547, %parallel_loop3A_1548] {strides = array<i32>} : memref<1x1024xi32, #tpu.memory_space<vmem>>, vector<16xi32>,
        %parallel_loop3A_1550 = tpu.vector_load_idx %arg5[%parallel_loop3A_1549] : memref<120000xi32, #tpu.memory_space<vmem>>[vector<16xi32>], vector<16xi32>,
        %parallel_loop3A_1551 = arith.constant 16 : i32
        %parallel_loop3A_1552 = arith.muli %parallel_loop3A_1543, %parallel_loop3A_1551 : i32
        %parallel_loop3A_1553 = arith.constant 0 : i32
        %parallel_loop3A_1554 = arith.index_cast %parallel_loop3A_1553 : i32 to index
        %parallel_loop3A_1555 = arith.index_cast %parallel_loop3A_1552 : i32 to index
        %parallel_loop3A_1556 = tpu.vector_load %arg13[%parallel_loop3A_1554, %parallel_loop3A_1555] {strides = array<i32>} : memref<1x1024xi32, #tpu.memory_space<vmem>>, vector<16xi32>,
        tpu.vector_store %arg13[%parallel_loop3A_1554, %parallel_loop3A_1555], %parallel_loop3A_1550 {strides = array<i32>} : memref<1x1024xi32, #tpu.memory_space<vmem>>, vector<16xi32>,
      } {sc.loop_unroll_factor = 8 : i64, sc.parallel_access}
      %add3A_1280 = arith.addi %mul3A_2, %add3A_1219 : i32
      %jit3A_1281 = arith.constant 16 : i32
      %div3A_1282 = arith.divsi %add3A_1280, %jit3A_1281 : i32
      %sign3A_1283 = arith.constant 0 : i32
      %sign3A_1284 = arith.cmpi sgt, %add3A_1280, %sign3A_1283 : i32
      %sign3A_1285 = arith.extui %sign3A_1284 : i1 to i32
      %sign3A_1286 = arith.constant 0 : i32
      %sign3A_1287 = arith.cmpi slt, %add3A_1280, %sign3A_1286 : i32
      %sign3A_1288 = arith.extui %sign3A_1287 : i1 to i32
      %sign3A_1289 = arith.subi %sign3A_1285, %sign3A_1288 : i32
      %sign3A_1290 = arith.constant 0 : i32
      %sign3A_1291 = arith.cmpi sgt, %jit3A_1281, %sign3A_1290 : i32
      %sign3A_1292 = arith.extui %sign3A_1291 : i1 to i32
      %sign3A_1293 = arith.constant 0 : i32
      %sign3A_1294 = arith.cmpi slt, %jit3A_1281, %sign3A_1293 : i32
      %sign3A_1295 = arith.extui %sign3A_1294 : i1 to i32
      %sign3A_1296 = arith.subi %sign3A_1292, %sign3A_1295 : i32
      %ne3A_1297 = arith.cmpi ne, %sign3A_1289, %sign3A_1296 : i32
      %rem3A_1298 = arith.remsi %add3A_1280, %jit3A_1281 : i32
      %ne3A_1299 = arith.constant 0 : i32
      %ne3A_1300 = arith.cmpi ne, %rem3A_1298, %ne3A_1299 : i32
      %and3A_1301 = arith.andi %ne3A_1297, %ne3A_1300 : i1
      %sub3A_1302 = arith.constant 1 : i32
      %sub3A_1303 = arith.subi %div3A_1282, %sub3A_1302 : i32
      %select_n3A_1304 = arith.select %and3A_1301, %sub3A_1303, %div3A_1282 : i32
      %jit3A_1305 = arith.constant 16 : i32
      %eq3A_1306 = arith.constant 0 : i32
      %eq3A_1307 = arith.cmpi eq, %jit3A_1305, %eq3A_1306 : i32
      %jit3A_1308 = arith.constant 1 : i32
      %select_n3A_1309 = arith.select %eq3A_1307, %jit3A_1308, %jit3A_1305 : i32
      %rem3A_1310 = arith.remsi %add3A_1280, %select_n3A_1309 : i32
      %ne3A_1311 = arith.constant 0 : i32
      %ne3A_1312 = arith.cmpi ne, %rem3A_1310, %ne3A_1311 : i32
      %lt3A_1313 = arith.constant 0 : i32
      %lt3A_1314 = arith.cmpi slt, %rem3A_1310, %lt3A_1313 : i32
      %lt3A_1315 = arith.constant 0 : i32
      %lt3A_1316 = arith.cmpi slt, %select_n3A_1309, %lt3A_1315 : i32
      %ne3A_1317 = arith.xori %lt3A_1314, %lt3A_1316 : i1
      %and3A_1318 = arith.andi %ne3A_1317, %ne3A_1312 : i1
      %add3A_1319 = arith.addi %rem3A_1310, %select_n3A_1309 : i32
      %select_n3A_1320 = arith.select %and3A_1318, %add3A_1319, %rem3A_1310 : i32
      %mul3A_1321 = arith.constant 1024 : i32
      %mul3A_1322 = arith.muli %select_n3A_1320, %mul3A_1321 : i32
      %dma_start3A_1323 = tpu.memref_slice %arg4[%select_n3A_1304, %mul3A_1322] : memref<200x16384xi32, #tpu.memory_space<hbm>> -> memref<1x1024xi32, #tpu.memory_space<hbm>>
      %dma_start3A_1324 = tpu.memref_slice %arg4[%select_n3A_1304, %mul3A_1322] : memref<200x16384xi32, #tpu.memory_space<hbm>> -> memref<1x1024xi32, #tpu.memory_space<hbm>>
      tpu.enqueue_dma source(%arg13 : memref<1x1024xi32, #tpu.memory_space<vmem>>) target(%dma_start3A_1324 : memref<1x1024xi32, #tpu.memory_space<hbm>>) target_semaphore(%arg33 : memref<!tpu.dma_semaphore, #tpu.memory_space<semaphore_mem>>)
      %mul3A_1325 = arith.constant 10 : i32
      %mul3A_1326 = arith.muli %scan3A_456, %mul3A_1325 : i32
      %add3A_1327 = arith.constant 8 : i32
      %add3A_1328 = arith.addi %mul3A_1326, %add3A_1327 : i32
      %ge3A_1329 = arith.constant 2 : i32
      %ge3A_1330 = arith.cmpi sge, %add3A_1328, %ge3A_1329 : i32
      %convert_element_type3A_1331 = arith.extui %ge3A_1330 : i1 to i32
      %cond3A_1332 = arith.constant 0 : i32
      %cond3A_1333 = arith.cmpi ne, %convert_element_type3A_1331, %cond3A_1332 : i32
      scf.if %cond3A_1333 {
        %sub3A_1543 = arith.constant 2 : i32
        %sub3A_1544 = arith.subi %add3A_1328, %sub3A_1543 : i32
        %add3A_1545 = arith.addi %mul3A_2, %sub3A_1544 : i32
        %jit3A_1546 = arith.constant 16 : i32
        %div3A_1547 = arith.divsi %add3A_1545, %jit3A_1546 : i32
        %sign3A_1548 = arith.constant 0 : i32
        %sign3A_1549 = arith.cmpi sgt, %add3A_1545, %sign3A_1548 : i32
        %sign3A_1550 = arith.extui %sign3A_1549 : i1 to i32
        %sign3A_1551 = arith.constant 0 : i32
        %sign3A_1552 = arith.cmpi slt, %add3A_1545, %sign3A_1551 : i32
        %sign3A_1553 = arith.extui %sign3A_1552 : i1 to i32
        %sign3A_1554 = arith.subi %sign3A_1550, %sign3A_1553 : i32
        %sign3A_1555 = arith.constant 0 : i32
        %sign3A_1556 = arith.cmpi sgt, %jit3A_1546, %sign3A_1555 : i32
        %sign3A_1557 = arith.extui %sign3A_1556 : i1 to i32
        %sign3A_1558 = arith.constant 0 : i32
        %sign3A_1559 = arith.cmpi slt, %jit3A_1546, %sign3A_1558 : i32
        %sign3A_1560 = arith.extui %sign3A_1559 : i1 to i32
        %sign3A_1561 = arith.subi %sign3A_1557, %sign3A_1560 : i32
        %ne3A_1562 = arith.cmpi ne, %sign3A_1554, %sign3A_1561 : i32
        %rem3A_1563 = arith.remsi %add3A_1545, %jit3A_1546 : i32
        %ne3A_1564 = arith.constant 0 : i32
        %ne3A_1565 = arith.cmpi ne, %rem3A_1563, %ne3A_1564 : i32
        %and3A_1566 = arith.andi %ne3A_1562, %ne3A_1565 : i1
        %sub3A_1567 = arith.constant 1 : i32
        %sub3A_1568 = arith.subi %div3A_1547, %sub3A_1567 : i32
        %select_n3A_1569 = arith.select %and3A_1566, %sub3A_1568, %div3A_1547 : i32
        %jit3A_1570 = arith.constant 16 : i32
        %eq3A_1571 = arith.constant 0 : i32
        %eq3A_1572 = arith.cmpi eq, %jit3A_1570, %eq3A_1571 : i32
        %jit3A_1573 = arith.constant 1 : i32
        %select_n3A_1574 = arith.select %eq3A_1572, %jit3A_1573, %jit3A_1570 : i32
        %rem3A_1575 = arith.remsi %add3A_1545, %select_n3A_1574 : i32
        %ne3A_1576 = arith.constant 0 : i32
        %ne3A_1577 = arith.cmpi ne, %rem3A_1575, %ne3A_1576 : i32
        %lt3A_1578 = arith.constant 0 : i32
        %lt3A_1579 = arith.cmpi slt, %rem3A_1575, %lt3A_1578 : i32
        %lt3A_1580 = arith.constant 0 : i32
        %lt3A_1581 = arith.cmpi slt, %select_n3A_1574, %lt3A_1580 : i32
        %ne3A_1582 = arith.xori %lt3A_1579, %lt3A_1581 : i1
        %and3A_1583 = arith.andi %ne3A_1582, %ne3A_1577 : i1
        %add3A_1584 = arith.addi %rem3A_1575, %select_n3A_1574 : i32
        %select_n3A_1585 = arith.select %and3A_1583, %add3A_1584, %rem3A_1575 : i32
        %mul3A_1586 = arith.constant 1024 : i32
        %mul3A_1587 = arith.muli %select_n3A_1585, %mul3A_1586 : i32
        %dma_wait3A_1588 = tpu.memref_slice %arg4[%select_n3A_1569, %mul3A_1587] : memref<200x16384xi32, #tpu.memory_space<hbm>> -> memref<1x1024xi32, #tpu.memory_space<hbm>>
        %dma_wait3A_1589 = tpu.memref_slice %arg4[%select_n3A_1569, %mul3A_1587] : memref<200x16384xi32, #tpu.memory_space<hbm>> -> memref<1x1024xi32, #tpu.memory_space<hbm>>
        tpu.wait_dma2 semaphore(%arg32 : memref<!tpu.dma_semaphore, #tpu.memory_space<semaphore_mem>>) src(%arg12 : memref<1x1024xi32, #tpu.memory_space<vmem>>) dst(%dma_wait3A_1589 : memref<1x1024xi32, #tpu.memory_space<hbm>>)
      } else {
      }
      %add3A_1334 = arith.constant 8 : i32
      %add3A_1335 = arith.addi %add3A_1328, %add3A_1334 : i32
      %lt3A_1336 = arith.constant 100 : i32
      %lt3A_1337 = arith.cmpi slt, %add3A_1335, %lt3A_1336 : i32
      %convert_element_type3A_1338 = arith.extui %lt3A_1337 : i1 to i32
      %cond3A_1339 = arith.constant 0 : i32
      %cond3A_1340 = arith.cmpi ne, %convert_element_type3A_1338, %cond3A_1339 : i32
      scf.if %cond3A_1340 {
        %add3A_1543 = arith.constant 8 : i32
        %add3A_1544 = arith.addi %add3A_1328, %add3A_1543 : i32
        %add3A_1545 = arith.addi %mul3A_2, %add3A_1544 : i32
        %jit3A_1546 = arith.constant 16 : i32
        %div3A_1547 = arith.divsi %add3A_1545, %jit3A_1546 : i32
        %sign3A_1548 = arith.constant 0 : i32
        %sign3A_1549 = arith.cmpi sgt, %add3A_1545, %sign3A_1548 : i32
        %sign3A_1550 = arith.extui %sign3A_1549 : i1 to i32
        %sign3A_1551 = arith.constant 0 : i32
        %sign3A_1552 = arith.cmpi slt, %add3A_1545, %sign3A_1551 : i32
        %sign3A_1553 = arith.extui %sign3A_1552 : i1 to i32
        %sign3A_1554 = arith.subi %sign3A_1550, %sign3A_1553 : i32
        %sign3A_1555 = arith.constant 0 : i32
        %sign3A_1556 = arith.cmpi sgt, %jit3A_1546, %sign3A_1555 : i32
        %sign3A_1557 = arith.extui %sign3A_1556 : i1 to i32
        %sign3A_1558 = arith.constant 0 : i32
        %sign3A_1559 = arith.cmpi slt, %jit3A_1546, %sign3A_1558 : i32
        %sign3A_1560 = arith.extui %sign3A_1559 : i1 to i32
        %sign3A_1561 = arith.subi %sign3A_1557, %sign3A_1560 : i32
        %ne3A_1562 = arith.cmpi ne, %sign3A_1554, %sign3A_1561 : i32
        %rem3A_1563 = arith.remsi %add3A_1545, %jit3A_1546 : i32
        %ne3A_1564 = arith.constant 0 : i32
        %ne3A_1565 = arith.cmpi ne, %rem3A_1563, %ne3A_1564 : i32
        %and3A_1566 = arith.andi %ne3A_1562, %ne3A_1565 : i1
        %sub3A_1567 = arith.constant 1 : i32
        %sub3A_1568 = arith.subi %div3A_1547, %sub3A_1567 : i32
        %select_n3A_1569 = arith.select %and3A_1566, %sub3A_1568, %div3A_1547 : i32
        %jit3A_1570 = arith.constant 16 : i32
        %eq3A_1571 = arith.constant 0 : i32
        %eq3A_1572 = arith.cmpi eq, %jit3A_1570, %eq3A_1571 : i32
        %jit3A_1573 = arith.constant 1 : i32
        %select_n3A_1574 = arith.select %eq3A_1572, %jit3A_1573, %jit3A_1570 : i32
        %rem3A_1575 = arith.remsi %add3A_1545, %select_n3A_1574 : i32
        %ne3A_1576 = arith.constant 0 : i32
        %ne3A_1577 = arith.cmpi ne, %rem3A_1575, %ne3A_1576 : i32
        %lt3A_1578 = arith.constant 0 : i32
        %lt3A_1579 = arith.cmpi slt, %rem3A_1575, %lt3A_1578 : i32
        %lt3A_1580 = arith.constant 0 : i32
        %lt3A_1581 = arith.cmpi slt, %select_n3A_1574, %lt3A_1580 : i32
        %ne3A_1582 = arith.xori %lt3A_1579, %lt3A_1581 : i1
        %and3A_1583 = arith.andi %ne3A_1582, %ne3A_1577 : i1
        %add3A_1584 = arith.addi %rem3A_1575, %select_n3A_1574 : i32
        %select_n3A_1585 = arith.select %and3A_1583, %add3A_1584, %rem3A_1575 : i32
        %mul3A_1586 = arith.constant 1024 : i32
        %mul3A_1587 = arith.muli %select_n3A_1585, %mul3A_1586 : i32
        %dma_start3A_1588 = tpu.memref_slice %arg2[%select_n3A_1569, %mul3A_1587] : memref<200x16384xi32, #tpu.memory_space<hbm>> -> memref<1x1024xi32, #tpu.memory_space<hbm>>
        %dma_start3A_1589 = tpu.memref_slice %arg2[%select_n3A_1569, %mul3A_1587] : memref<200x16384xi32, #tpu.memory_space<hbm>> -> memref<1x1024xi32, #tpu.memory_space<hbm>>
        tpu.enqueue_dma source(%dma_start3A_1589 : memref<1x1024xi32, #tpu.memory_space<hbm>>) target(%arg12 : memref<1x1024xi32, #tpu.memory_space<vmem>>) target_semaphore(%arg22 : memref<!tpu.dma_semaphore, #tpu.memory_space<semaphore_mem>>)
      } else {
      }
      %add3A_1341 = arith.addi %mul3A_2, %add3A_1328 : i32
      %jit3A_1342 = arith.constant 16 : i32
      %div3A_1343 = arith.divsi %add3A_1341, %jit3A_1342 : i32
      %sign3A_1344 = arith.constant 0 : i32
      %sign3A_1345 = arith.cmpi sgt, %add3A_1341, %sign3A_1344 : i32
      %sign3A_1346 = arith.extui %sign3A_1345 : i1 to i32
      %sign3A_1347 = arith.constant 0 : i32
      %sign3A_1348 = arith.cmpi slt, %add3A_1341, %sign3A_1347 : i32
      %sign3A_1349 = arith.extui %sign3A_1348 : i1 to i32
      %sign3A_1350 = arith.subi %sign3A_1346, %sign3A_1349 : i32
      %sign3A_1351 = arith.constant 0 : i32
      %sign3A_1352 = arith.cmpi sgt, %jit3A_1342, %sign3A_1351 : i32
      %sign3A_1353 = arith.extui %sign3A_1352 : i1 to i32
      %sign3A_1354 = arith.constant 0 : i32
      %sign3A_1355 = arith.cmpi slt, %jit3A_1342, %sign3A_1354 : i32
      %sign3A_1356 = arith.extui %sign3A_1355 : i1 to i32
      %sign3A_1357 = arith.subi %sign3A_1353, %sign3A_1356 : i32
      %ne3A_1358 = arith.cmpi ne, %sign3A_1350, %sign3A_1357 : i32
      %rem3A_1359 = arith.remsi %add3A_1341, %jit3A_1342 : i32
      %ne3A_1360 = arith.constant 0 : i32
      %ne3A_1361 = arith.cmpi ne, %rem3A_1359, %ne3A_1360 : i32
      %and3A_1362 = arith.andi %ne3A_1358, %ne3A_1361 : i1
      %sub3A_1363 = arith.constant 1 : i32
      %sub3A_1364 = arith.subi %div3A_1343, %sub3A_1363 : i32
      %select_n3A_1365 = arith.select %and3A_1362, %sub3A_1364, %div3A_1343 : i32
      %jit3A_1366 = arith.constant 16 : i32
      %eq3A_1367 = arith.constant 0 : i32
      %eq3A_1368 = arith.cmpi eq, %jit3A_1366, %eq3A_1367 : i32
      %jit3A_1369 = arith.constant 1 : i32
      %select_n3A_1370 = arith.select %eq3A_1368, %jit3A_1369, %jit3A_1366 : i32
      %rem3A_1371 = arith.remsi %add3A_1341, %select_n3A_1370 : i32
      %ne3A_1372 = arith.constant 0 : i32
      %ne3A_1373 = arith.cmpi ne, %rem3A_1371, %ne3A_1372 : i32
      %lt3A_1374 = arith.constant 0 : i32
      %lt3A_1375 = arith.cmpi slt, %rem3A_1371, %lt3A_1374 : i32
      %lt3A_1376 = arith.constant 0 : i32
      %lt3A_1377 = arith.cmpi slt, %select_n3A_1370, %lt3A_1376 : i32
      %ne3A_1378 = arith.xori %lt3A_1375, %lt3A_1377 : i1
      %and3A_1379 = arith.andi %ne3A_1378, %ne3A_1373 : i1
      %add3A_1380 = arith.addi %rem3A_1371, %select_n3A_1370 : i32
      %select_n3A_1381 = arith.select %and3A_1379, %add3A_1380, %rem3A_1371 : i32
      %mul3A_1382 = arith.constant 1024 : i32
      %mul3A_1383 = arith.muli %select_n3A_1381, %mul3A_1382 : i32
      %dma_wait3A_1384 = tpu.memref_slice %arg2[%select_n3A_1365, %mul3A_1383] : memref<200x16384xi32, #tpu.memory_space<hbm>> -> memref<1x1024xi32, #tpu.memory_space<hbm>>
      %dma_wait3A_1385 = tpu.memref_slice %arg2[%select_n3A_1365, %mul3A_1383] : memref<200x16384xi32, #tpu.memory_space<hbm>> -> memref<1x1024xi32, #tpu.memory_space<hbm>>
      tpu.wait_dma2 semaphore(%arg24 : memref<!tpu.dma_semaphore, #tpu.memory_space<semaphore_mem>>) src(%dma_wait3A_1385 : memref<1x1024xi32, #tpu.memory_space<hbm>>) dst(%arg14 : memref<1x1024xi32, #tpu.memory_space<vmem>>)
      %parallel_loop3A_1386 = arith.constant 0 : i32
      %parallel_loop3A_1387 = arith.constant 64 : i32
      %parallel_loop3A_1388 = arith.constant 1 : i32
      scf.for %parallel_loop3A_1543 = %parallel_loop3A_1386 to %parallel_loop3A_1387 step %parallel_loop3A_1388  : i32 {
        %parallel_loop3A_1544 = arith.constant 16 : i32
        %parallel_loop3A_1545 = arith.muli %parallel_loop3A_1543, %parallel_loop3A_1544 : i32
        %parallel_loop3A_1546 = arith.constant 0 : i32
        %parallel_loop3A_1547 = arith.index_cast %parallel_loop3A_1546 : i32 to index
        %parallel_loop3A_1548 = arith.index_cast %parallel_loop3A_1545 : i32 to index
        %parallel_loop3A_1549 = tpu.vector_load %arg14[%parallel_loop3A_1547, %parallel_loop3A_1548] {strides = array<i32>} : memref<1x1024xi32, #tpu.memory_space<vmem>>, vector<16xi32>,
        %parallel_loop3A_1550 = tpu.vector_load_idx %arg5[%parallel_loop3A_1549] : memref<120000xi32, #tpu.memory_space<vmem>>[vector<16xi32>], vector<16xi32>,
        %parallel_loop3A_1551 = arith.constant 16 : i32
        %parallel_loop3A_1552 = arith.muli %parallel_loop3A_1543, %parallel_loop3A_1551 : i32
        %parallel_loop3A_1553 = arith.constant 0 : i32
        %parallel_loop3A_1554 = arith.index_cast %parallel_loop3A_1553 : i32 to index
        %parallel_loop3A_1555 = arith.index_cast %parallel_loop3A_1552 : i32 to index
        %parallel_loop3A_1556 = tpu.vector_load %arg14[%parallel_loop3A_1554, %parallel_loop3A_1555] {strides = array<i32>} : memref<1x1024xi32, #tpu.memory_space<vmem>>, vector<16xi32>,
        tpu.vector_store %arg14[%parallel_loop3A_1554, %parallel_loop3A_1555], %parallel_loop3A_1550 {strides = array<i32>} : memref<1x1024xi32, #tpu.memory_space<vmem>>, vector<16xi32>,
      } {sc.loop_unroll_factor = 8 : i64, sc.parallel_access}
      %add3A_1389 = arith.addi %mul3A_2, %add3A_1328 : i32
      %jit3A_1390 = arith.constant 16 : i32
      %div3A_1391 = arith.divsi %add3A_1389, %jit3A_1390 : i32
      %sign3A_1392 = arith.constant 0 : i32
      %sign3A_1393 = arith.cmpi sgt, %add3A_1389, %sign3A_1392 : i32
      %sign3A_1394 = arith.extui %sign3A_1393 : i1 to i32
      %sign3A_1395 = arith.constant 0 : i32
      %sign3A_1396 = arith.cmpi slt, %add3A_1389, %sign3A_1395 : i32
      %sign3A_1397 = arith.extui %sign3A_1396 : i1 to i32
      %sign3A_1398 = arith.subi %sign3A_1394, %sign3A_1397 : i32
      %sign3A_1399 = arith.constant 0 : i32
      %sign3A_1400 = arith.cmpi sgt, %jit3A_1390, %sign3A_1399 : i32
      %sign3A_1401 = arith.extui %sign3A_1400 : i1 to i32
      %sign3A_1402 = arith.constant 0 : i32
      %sign3A_1403 = arith.cmpi slt, %jit3A_1390, %sign3A_1402 : i32
      %sign3A_1404 = arith.extui %sign3A_1403 : i1 to i32
      %sign3A_1405 = arith.subi %sign3A_1401, %sign3A_1404 : i32
      %ne3A_1406 = arith.cmpi ne, %sign3A_1398, %sign3A_1405 : i32
      %rem3A_1407 = arith.remsi %add3A_1389, %jit3A_1390 : i32
      %ne3A_1408 = arith.constant 0 : i32
      %ne3A_1409 = arith.cmpi ne, %rem3A_1407, %ne3A_1408 : i32
      %and3A_1410 = arith.andi %ne3A_1406, %ne3A_1409 : i1
      %sub3A_1411 = arith.constant 1 : i32
      %sub3A_1412 = arith.subi %div3A_1391, %sub3A_1411 : i32
      %select_n3A_1413 = arith.select %and3A_1410, %sub3A_1412, %div3A_1391 : i32
      %jit3A_1414 = arith.constant 16 : i32
      %eq3A_1415 = arith.constant 0 : i32
      %eq3A_1416 = arith.cmpi eq, %jit3A_1414, %eq3A_1415 : i32
      %jit3A_1417 = arith.constant 1 : i32
      %select_n3A_1418 = arith.select %eq3A_1416, %jit3A_1417, %jit3A_1414 : i32
      %rem3A_1419 = arith.remsi %add3A_1389, %select_n3A_1418 : i32
      %ne3A_1420 = arith.constant 0 : i32
      %ne3A_1421 = arith.cmpi ne, %rem3A_1419, %ne3A_1420 : i32
      %lt3A_1422 = arith.constant 0 : i32
      %lt3A_1423 = arith.cmpi slt, %rem3A_1419, %lt3A_1422 : i32
      %lt3A_1424 = arith.constant 0 : i32
      %lt3A_1425 = arith.cmpi slt, %select_n3A_1418, %lt3A_1424 : i32
      %ne3A_1426 = arith.xori %lt3A_1423, %lt3A_1425 : i1
      %and3A_1427 = arith.andi %ne3A_1426, %ne3A_1421 : i1
      %add3A_1428 = arith.addi %rem3A_1419, %select_n3A_1418 : i32
      %select_n3A_1429 = arith.select %and3A_1427, %add3A_1428, %rem3A_1419 : i32
      %mul3A_1430 = arith.constant 1024 : i32
      %mul3A_1431 = arith.muli %select_n3A_1429, %mul3A_1430 : i32
      %dma_start3A_1432 = tpu.memref_slice %arg4[%select_n3A_1413, %mul3A_1431] : memref<200x16384xi32, #tpu.memory_space<hbm>> -> memref<1x1024xi32, #tpu.memory_space<hbm>>
      %dma_start3A_1433 = tpu.memref_slice %arg4[%select_n3A_1413, %mul3A_1431] : memref<200x16384xi32, #tpu.memory_space<hbm>> -> memref<1x1024xi32, #tpu.memory_space<hbm>>
      tpu.enqueue_dma source(%arg14 : memref<1x1024xi32, #tpu.memory_space<vmem>>) target(%dma_start3A_1433 : memref<1x1024xi32, #tpu.memory_space<hbm>>) target_semaphore(%arg34 : memref<!tpu.dma_semaphore, #tpu.memory_space<semaphore_mem>>)
      %mul3A_1434 = arith.constant 10 : i32
      %mul3A_1435 = arith.muli %scan3A_456, %mul3A_1434 : i32
      %add3A_1436 = arith.constant 9 : i32
      %add3A_1437 = arith.addi %mul3A_1435, %add3A_1436 : i32
      %ge3A_1438 = arith.constant 2 : i32
      %ge3A_1439 = arith.cmpi sge, %add3A_1437, %ge3A_1438 : i32
      %convert_element_type3A_1440 = arith.extui %ge3A_1439 : i1 to i32
      %cond3A_1441 = arith.constant 0 : i32
      %cond3A_1442 = arith.cmpi ne, %convert_element_type3A_1440, %cond3A_1441 : i32
      scf.if %cond3A_1442 {
        %sub3A_1543 = arith.constant 2 : i32
        %sub3A_1544 = arith.subi %add3A_1437, %sub3A_1543 : i32
        %add3A_1545 = arith.addi %mul3A_2, %sub3A_1544 : i32
        %jit3A_1546 = arith.constant 16 : i32
        %div3A_1547 = arith.divsi %add3A_1545, %jit3A_1546 : i32
        %sign3A_1548 = arith.constant 0 : i32
        %sign3A_1549 = arith.cmpi sgt, %add3A_1545, %sign3A_1548 : i32
        %sign3A_1550 = arith.extui %sign3A_1549 : i1 to i32
        %sign3A_1551 = arith.constant 0 : i32
        %sign3A_1552 = arith.cmpi slt, %add3A_1545, %sign3A_1551 : i32
        %sign3A_1553 = arith.extui %sign3A_1552 : i1 to i32
        %sign3A_1554 = arith.subi %sign3A_1550, %sign3A_1553 : i32
        %sign3A_1555 = arith.constant 0 : i32
        %sign3A_1556 = arith.cmpi sgt, %jit3A_1546, %sign3A_1555 : i32
        %sign3A_1557 = arith.extui %sign3A_1556 : i1 to i32
        %sign3A_1558 = arith.constant 0 : i32
        %sign3A_1559 = arith.cmpi slt, %jit3A_1546, %sign3A_1558 : i32
        %sign3A_1560 = arith.extui %sign3A_1559 : i1 to i32
        %sign3A_1561 = arith.subi %sign3A_1557, %sign3A_1560 : i32
        %ne3A_1562 = arith.cmpi ne, %sign3A_1554, %sign3A_1561 : i32
        %rem3A_1563 = arith.remsi %add3A_1545, %jit3A_1546 : i32
        %ne3A_1564 = arith.constant 0 : i32
        %ne3A_1565 = arith.cmpi ne, %rem3A_1563, %ne3A_1564 : i32
        %and3A_1566 = arith.andi %ne3A_1562, %ne3A_1565 : i1
        %sub3A_1567 = arith.constant 1 : i32
        %sub3A_1568 = arith.subi %div3A_1547, %sub3A_1567 : i32
        %select_n3A_1569 = arith.select %and3A_1566, %sub3A_1568, %div3A_1547 : i32
        %jit3A_1570 = arith.constant 16 : i32
        %eq3A_1571 = arith.constant 0 : i32
        %eq3A_1572 = arith.cmpi eq, %jit3A_1570, %eq3A_1571 : i32
        %jit3A_1573 = arith.constant 1 : i32
        %select_n3A_1574 = arith.select %eq3A_1572, %jit3A_1573, %jit3A_1570 : i32
        %rem3A_1575 = arith.remsi %add3A_1545, %select_n3A_1574 : i32
        %ne3A_1576 = arith.constant 0 : i32
        %ne3A_1577 = arith.cmpi ne, %rem3A_1575, %ne3A_1576 : i32
        %lt3A_1578 = arith.constant 0 : i32
        %lt3A_1579 = arith.cmpi slt, %rem3A_1575, %lt3A_1578 : i32
        %lt3A_1580 = arith.constant 0 : i32
        %lt3A_1581 = arith.cmpi slt, %select_n3A_1574, %lt3A_1580 : i32
        %ne3A_1582 = arith.xori %lt3A_1579, %lt3A_1581 : i1
        %and3A_1583 = arith.andi %ne3A_1582, %ne3A_1577 : i1
        %add3A_1584 = arith.addi %rem3A_1575, %select_n3A_1574 : i32
        %select_n3A_1585 = arith.select %and3A_1583, %add3A_1584, %rem3A_1575 : i32
        %mul3A_1586 = arith.constant 1024 : i32
        %mul3A_1587 = arith.muli %select_n3A_1585, %mul3A_1586 : i32
        %dma_wait3A_1588 = tpu.memref_slice %arg4[%select_n3A_1569, %mul3A_1587] : memref<200x16384xi32, #tpu.memory_space<hbm>> -> memref<1x1024xi32, #tpu.memory_space<hbm>>
        %dma_wait3A_1589 = tpu.memref_slice %arg4[%select_n3A_1569, %mul3A_1587] : memref<200x16384xi32, #tpu.memory_space<hbm>> -> memref<1x1024xi32, #tpu.memory_space<hbm>>
        tpu.wait_dma2 semaphore(%arg33 : memref<!tpu.dma_semaphore, #tpu.memory_space<semaphore_mem>>) src(%arg13 : memref<1x1024xi32, #tpu.memory_space<vmem>>) dst(%dma_wait3A_1589 : memref<1x1024xi32, #tpu.memory_space<hbm>>)
      } else {
      }
      %add3A_1443 = arith.constant 8 : i32
      %add3A_1444 = arith.addi %add3A_1437, %add3A_1443 : i32
      %lt3A_1445 = arith.constant 100 : i32
      %lt3A_1446 = arith.cmpi slt, %add3A_1444, %lt3A_1445 : i32
      %convert_element_type3A_1447 = arith.extui %lt3A_1446 : i1 to i32
      %cond3A_1448 = arith.constant 0 : i32
      %cond3A_1449 = arith.cmpi ne, %convert_element_type3A_1447, %cond3A_1448 : i32
      scf.if %cond3A_1449 {
        %add3A_1543 = arith.constant 8 : i32
        %add3A_1544 = arith.addi %add3A_1437, %add3A_1543 : i32
        %add3A_1545 = arith.addi %mul3A_2, %add3A_1544 : i32
        %jit3A_1546 = arith.constant 16 : i32
        %div3A_1547 = arith.divsi %add3A_1545, %jit3A_1546 : i32
        %sign3A_1548 = arith.constant 0 : i32
        %sign3A_1549 = arith.cmpi sgt, %add3A_1545, %sign3A_1548 : i32
        %sign3A_1550 = arith.extui %sign3A_1549 : i1 to i32
        %sign3A_1551 = arith.constant 0 : i32
        %sign3A_1552 = arith.cmpi slt, %add3A_1545, %sign3A_1551 : i32
        %sign3A_1553 = arith.extui %sign3A_1552 : i1 to i32
        %sign3A_1554 = arith.subi %sign3A_1550, %sign3A_1553 : i32
        %sign3A_1555 = arith.constant 0 : i32
        %sign3A_1556 = arith.cmpi sgt, %jit3A_1546, %sign3A_1555 : i32
        %sign3A_1557 = arith.extui %sign3A_1556 : i1 to i32
        %sign3A_1558 = arith.constant 0 : i32
        %sign3A_1559 = arith.cmpi slt, %jit3A_1546, %sign3A_1558 : i32
        %sign3A_1560 = arith.extui %sign3A_1559 : i1 to i32
        %sign3A_1561 = arith.subi %sign3A_1557, %sign3A_1560 : i32
        %ne3A_1562 = arith.cmpi ne, %sign3A_1554, %sign3A_1561 : i32
        %rem3A_1563 = arith.remsi %add3A_1545, %jit3A_1546 : i32
        %ne3A_1564 = arith.constant 0 : i32
        %ne3A_1565 = arith.cmpi ne, %rem3A_1563, %ne3A_1564 : i32
        %and3A_1566 = arith.andi %ne3A_1562, %ne3A_1565 : i1
        %sub3A_1567 = arith.constant 1 : i32
        %sub3A_1568 = arith.subi %div3A_1547, %sub3A_1567 : i32
        %select_n3A_1569 = arith.select %and3A_1566, %sub3A_1568, %div3A_1547 : i32
        %jit3A_1570 = arith.constant 16 : i32
        %eq3A_1571 = arith.constant 0 : i32
        %eq3A_1572 = arith.cmpi eq, %jit3A_1570, %eq3A_1571 : i32
        %jit3A_1573 = arith.constant 1 : i32
        %select_n3A_1574 = arith.select %eq3A_1572, %jit3A_1573, %jit3A_1570 : i32
        %rem3A_1575 = arith.remsi %add3A_1545, %select_n3A_1574 : i32
        %ne3A_1576 = arith.constant 0 : i32
        %ne3A_1577 = arith.cmpi ne, %rem3A_1575, %ne3A_1576 : i32
        %lt3A_1578 = arith.constant 0 : i32
        %lt3A_1579 = arith.cmpi slt, %rem3A_1575, %lt3A_1578 : i32
        %lt3A_1580 = arith.constant 0 : i32
        %lt3A_1581 = arith.cmpi slt, %select_n3A_1574, %lt3A_1580 : i32
        %ne3A_1582 = arith.xori %lt3A_1579, %lt3A_1581 : i1
        %and3A_1583 = arith.andi %ne3A_1582, %ne3A_1577 : i1
        %add3A_1584 = arith.addi %rem3A_1575, %select_n3A_1574 : i32
        %select_n3A_1585 = arith.select %and3A_1583, %add3A_1584, %rem3A_1575 : i32
        %mul3A_1586 = arith.constant 1024 : i32
        %mul3A_1587 = arith.muli %select_n3A_1585, %mul3A_1586 : i32
        %dma_start3A_1588 = tpu.memref_slice %arg2[%select_n3A_1569, %mul3A_1587] : memref<200x16384xi32, #tpu.memory_space<hbm>> -> memref<1x1024xi32, #tpu.memory_space<hbm>>
        %dma_start3A_1589 = tpu.memref_slice %arg2[%select_n3A_1569, %mul3A_1587] : memref<200x16384xi32, #tpu.memory_space<hbm>> -> memref<1x1024xi32, #tpu.memory_space<hbm>>
        tpu.enqueue_dma source(%dma_start3A_1589 : memref<1x1024xi32, #tpu.memory_space<hbm>>) target(%arg13 : memref<1x1024xi32, #tpu.memory_space<vmem>>) target_semaphore(%arg23 : memref<!tpu.dma_semaphore, #tpu.memory_space<semaphore_mem>>)
      } else {
      }
      %add3A_1450 = arith.addi %mul3A_2, %add3A_1437 : i32
      %jit3A_1451 = arith.constant 16 : i32
      %div3A_1452 = arith.divsi %add3A_1450, %jit3A_1451 : i32
      %sign3A_1453 = arith.constant 0 : i32
      %sign3A_1454 = arith.cmpi sgt, %add3A_1450, %sign3A_1453 : i32
      %sign3A_1455 = arith.extui %sign3A_1454 : i1 to i32
      %sign3A_1456 = arith.constant 0 : i32
      %sign3A_1457 = arith.cmpi slt, %add3A_1450, %sign3A_1456 : i32
      %sign3A_1458 = arith.extui %sign3A_1457 : i1 to i32
      %sign3A_1459 = arith.subi %sign3A_1455, %sign3A_1458 : i32
      %sign3A_1460 = arith.constant 0 : i32
      %sign3A_1461 = arith.cmpi sgt, %jit3A_1451, %sign3A_1460 : i32
      %sign3A_1462 = arith.extui %sign3A_1461 : i1 to i32
      %sign3A_1463 = arith.constant 0 : i32
      %sign3A_1464 = arith.cmpi slt, %jit3A_1451, %sign3A_1463 : i32
      %sign3A_1465 = arith.extui %sign3A_1464 : i1 to i32
      %sign3A_1466 = arith.subi %sign3A_1462, %sign3A_1465 : i32
      %ne3A_1467 = arith.cmpi ne, %sign3A_1459, %sign3A_1466 : i32
      %rem3A_1468 = arith.remsi %add3A_1450, %jit3A_1451 : i32
      %ne3A_1469 = arith.constant 0 : i32
      %ne3A_1470 = arith.cmpi ne, %rem3A_1468, %ne3A_1469 : i32
      %and3A_1471 = arith.andi %ne3A_1467, %ne3A_1470 : i1
      %sub3A_1472 = arith.constant 1 : i32
      %sub3A_1473 = arith.subi %div3A_1452, %sub3A_1472 : i32
      %select_n3A_1474 = arith.select %and3A_1471, %sub3A_1473, %div3A_1452 : i32
      %jit3A_1475 = arith.constant 16 : i32
      %eq3A_1476 = arith.constant 0 : i32
      %eq3A_1477 = arith.cmpi eq, %jit3A_1475, %eq3A_1476 : i32
      %jit3A_1478 = arith.constant 1 : i32
      %select_n3A_1479 = arith.select %eq3A_1477, %jit3A_1478, %jit3A_1475 : i32
      %rem3A_1480 = arith.remsi %add3A_1450, %select_n3A_1479 : i32
      %ne3A_1481 = arith.constant 0 : i32
      %ne3A_1482 = arith.cmpi ne, %rem3A_1480, %ne3A_1481 : i32
      %lt3A_1483 = arith.constant 0 : i32
      %lt3A_1484 = arith.cmpi slt, %rem3A_1480, %lt3A_1483 : i32
      %lt3A_1485 = arith.constant 0 : i32
      %lt3A_1486 = arith.cmpi slt, %select_n3A_1479, %lt3A_1485 : i32
      %ne3A_1487 = arith.xori %lt3A_1484, %lt3A_1486 : i1
      %and3A_1488 = arith.andi %ne3A_1487, %ne3A_1482 : i1
      %add3A_1489 = arith.addi %rem3A_1480, %select_n3A_1479 : i32
      %select_n3A_1490 = arith.select %and3A_1488, %add3A_1489, %rem3A_1480 : i32
      %mul3A_1491 = arith.constant 1024 : i32
      %mul3A_1492 = arith.muli %select_n3A_1490, %mul3A_1491 : i32
      %dma_wait3A_1493 = tpu.memref_slice %arg2[%select_n3A_1474, %mul3A_1492] : memref<200x16384xi32, #tpu.memory_space<hbm>> -> memref<1x1024xi32, #tpu.memory_space<hbm>>
      %dma_wait3A_1494 = tpu.memref_slice %arg2[%select_n3A_1474, %mul3A_1492] : memref<200x16384xi32, #tpu.memory_space<hbm>> -> memref<1x1024xi32, #tpu.memory_space<hbm>>
      tpu.wait_dma2 semaphore(%arg25 : memref<!tpu.dma_semaphore, #tpu.memory_space<semaphore_mem>>) src(%dma_wait3A_1494 : memref<1x1024xi32, #tpu.memory_space<hbm>>) dst(%arg15 : memref<1x1024xi32, #tpu.memory_space<vmem>>)
      %parallel_loop3A_1495 = arith.constant 0 : i32
      %parallel_loop3A_1496 = arith.constant 64 : i32
      %parallel_loop3A_1497 = arith.constant 1 : i32
      scf.for %parallel_loop3A_1543 = %parallel_loop3A_1495 to %parallel_loop3A_1496 step %parallel_loop3A_1497  : i32 {
        %parallel_loop3A_1544 = arith.constant 16 : i32
        %parallel_loop3A_1545 = arith.muli %parallel_loop3A_1543, %parallel_loop3A_1544 : i32
        %parallel_loop3A_1546 = arith.constant 0 : i32
        %parallel_loop3A_1547 = arith.index_cast %parallel_loop3A_1546 : i32 to index
        %parallel_loop3A_1548 = arith.index_cast %parallel_loop3A_1545 : i32 to index
        %parallel_loop3A_1549 = tpu.vector_load %arg15[%parallel_loop3A_1547, %parallel_loop3A_1548] {strides = array<i32>} : memref<1x1024xi32, #tpu.memory_space<vmem>>, vector<16xi32>,
        %parallel_loop3A_1550 = tpu.vector_load_idx %arg5[%parallel_loop3A_1549] : memref<120000xi32, #tpu.memory_space<vmem>>[vector<16xi32>], vector<16xi32>,
        %parallel_loop3A_1551 = arith.constant 16 : i32
        %parallel_loop3A_1552 = arith.muli %parallel_loop3A_1543, %parallel_loop3A_1551 : i32
        %parallel_loop3A_1553 = arith.constant 0 : i32
        %parallel_loop3A_1554 = arith.index_cast %parallel_loop3A_1553 : i32 to index
        %parallel_loop3A_1555 = arith.index_cast %parallel_loop3A_1552 : i32 to index
        %parallel_loop3A_1556 = tpu.vector_load %arg15[%parallel_loop3A_1554, %parallel_loop3A_1555] {strides = array<i32>} : memref<1x1024xi32, #tpu.memory_space<vmem>>, vector<16xi32>,
        tpu.vector_store %arg15[%parallel_loop3A_1554, %parallel_loop3A_1555], %parallel_loop3A_1550 {strides = array<i32>} : memref<1x1024xi32, #tpu.memory_space<vmem>>, vector<16xi32>,
      } {sc.loop_unroll_factor = 8 : i64, sc.parallel_access}
      %add3A_1498 = arith.addi %mul3A_2, %add3A_1437 : i32
      %jit3A_1499 = arith.constant 16 : i32
      %div3A_1500 = arith.divsi %add3A_1498, %jit3A_1499 : i32
      %sign3A_1501 = arith.constant 0 : i32
      %sign3A_1502 = arith.cmpi sgt, %add3A_1498, %sign3A_1501 : i32
      %sign3A_1503 = arith.extui %sign3A_1502 : i1 to i32
      %sign3A_1504 = arith.constant 0 : i32
      %sign3A_1505 = arith.cmpi slt, %add3A_1498, %sign3A_1504 : i32
      %sign3A_1506 = arith.extui %sign3A_1505 : i1 to i32
      %sign3A_1507 = arith.subi %sign3A_1503, %sign3A_1506 : i32
      %sign3A_1508 = arith.constant 0 : i32
      %sign3A_1509 = arith.cmpi sgt, %jit3A_1499, %sign3A_1508 : i32
      %sign3A_1510 = arith.extui %sign3A_1509 : i1 to i32
      %sign3A_1511 = arith.constant 0 : i32
      %sign3A_1512 = arith.cmpi slt, %jit3A_1499, %sign3A_1511 : i32
      %sign3A_1513 = arith.extui %sign3A_1512 : i1 to i32
      %sign3A_1514 = arith.subi %sign3A_1510, %sign3A_1513 : i32
      %ne3A_1515 = arith.cmpi ne, %sign3A_1507, %sign3A_1514 : i32
      %rem3A_1516 = arith.remsi %add3A_1498, %jit3A_1499 : i32
      %ne3A_1517 = arith.constant 0 : i32
      %ne3A_1518 = arith.cmpi ne, %rem3A_1516, %ne3A_1517 : i32
      %and3A_1519 = arith.andi %ne3A_1515, %ne3A_1518 : i1
      %sub3A_1520 = arith.constant 1 : i32
      %sub3A_1521 = arith.subi %div3A_1500, %sub3A_1520 : i32
      %select_n3A_1522 = arith.select %and3A_1519, %sub3A_1521, %div3A_1500 : i32
      %jit3A_1523 = arith.constant 16 : i32
      %eq3A_1524 = arith.constant 0 : i32
      %eq3A_1525 = arith.cmpi eq, %jit3A_1523, %eq3A_1524 : i32
      %jit3A_1526 = arith.constant 1 : i32
      %select_n3A_1527 = arith.select %eq3A_1525, %jit3A_1526, %jit3A_1523 : i32
      %rem3A_1528 = arith.remsi %add3A_1498, %select_n3A_1527 : i32
      %ne3A_1529 = arith.constant 0 : i32
      %ne3A_1530 = arith.cmpi ne, %rem3A_1528, %ne3A_1529 : i32
      %lt3A_1531 = arith.constant 0 : i32
      %lt3A_1532 = arith.cmpi slt, %rem3A_1528, %lt3A_1531 : i32
      %lt3A_1533 = arith.constant 0 : i32
      %lt3A_1534 = arith.cmpi slt, %select_n3A_1527, %lt3A_1533 : i32
      %ne3A_1535 = arith.xori %lt3A_1532, %lt3A_1534 : i1
      %and3A_1536 = arith.andi %ne3A_1535, %ne3A_1530 : i1
      %add3A_1537 = arith.addi %rem3A_1528, %select_n3A_1527 : i32
      %select_n3A_1538 = arith.select %and3A_1536, %add3A_1537, %rem3A_1528 : i32
      %mul3A_1539 = arith.constant 1024 : i32
      %mul3A_1540 = arith.muli %select_n3A_1538, %mul3A_1539 : i32
      %dma_start3A_1541 = tpu.memref_slice %arg4[%select_n3A_1522, %mul3A_1540] : memref<200x16384xi32, #tpu.memory_space<hbm>> -> memref<1x1024xi32, #tpu.memory_space<hbm>>
      %dma_start3A_1542 = tpu.memref_slice %arg4[%select_n3A_1522, %mul3A_1540] : memref<200x16384xi32, #tpu.memory_space<hbm>> -> memref<1x1024xi32, #tpu.memory_space<hbm>>
      tpu.enqueue_dma source(%arg15 : memref<1x1024xi32, #tpu.memory_space<vmem>>) target(%dma_start3A_1542 : memref<1x1024xi32, #tpu.memory_space<hbm>>) target_semaphore(%arg35 : memref<!tpu.dma_semaphore, #tpu.memory_space<semaphore_mem>>)
    }
    %scan3A_364 = arith.constant 10 : i32
    %add3A_365 = arith.constant 98 : i32
    %add3A_366 = arith.addi %mul3A_2, %add3A_365 : i32
    %jit3A_367 = arith.constant 16 : i32
    %div3A_368 = arith.divsi %add3A_366, %jit3A_367 : i32
    %sign3A_369 = arith.constant 0 : i32
    %sign3A_370 = arith.cmpi sgt, %add3A_366, %sign3A_369 : i32
    %sign3A_371 = arith.extui %sign3A_370 : i1 to i32
    %sign3A_372 = arith.constant 0 : i32
    %sign3A_373 = arith.cmpi slt, %add3A_366, %sign3A_372 : i32
    %sign3A_374 = arith.extui %sign3A_373 : i1 to i32
    %sign3A_375 = arith.subi %sign3A_371, %sign3A_374 : i32
    %sign3A_376 = arith.constant 0 : i32
    %sign3A_377 = arith.cmpi sgt, %jit3A_367, %sign3A_376 : i32
    %sign3A_378 = arith.extui %sign3A_377 : i1 to i32
    %sign3A_379 = arith.constant 0 : i32
    %sign3A_380 = arith.cmpi slt, %jit3A_367, %sign3A_379 : i32
    %sign3A_381 = arith.extui %sign3A_380 : i1 to i32
    %sign3A_382 = arith.subi %sign3A_378, %sign3A_381 : i32
    %ne3A_383 = arith.cmpi ne, %sign3A_375, %sign3A_382 : i32
    %rem3A_384 = arith.remsi %add3A_366, %jit3A_367 : i32
    %ne3A_385 = arith.constant 0 : i32
    %ne3A_386 = arith.cmpi ne, %rem3A_384, %ne3A_385 : i32
    %and3A_387 = arith.andi %ne3A_383, %ne3A_386 : i1
    %sub3A_388 = arith.constant 1 : i32
    %sub3A_389 = arith.subi %div3A_368, %sub3A_388 : i32
    %select_n3A_390 = arith.select %and3A_387, %sub3A_389, %div3A_368 : i32
    %jit3A_391 = arith.constant 16 : i32
    %eq3A_392 = arith.constant 0 : i32
    %eq3A_393 = arith.cmpi eq, %jit3A_391, %eq3A_392 : i32
    %jit3A_394 = arith.constant 1 : i32
    %select_n3A_395 = arith.select %eq3A_393, %jit3A_394, %jit3A_391 : i32
    %rem3A_396 = arith.remsi %add3A_366, %select_n3A_395 : i32
    %ne3A_397 = arith.constant 0 : i32
    %ne3A_398 = arith.cmpi ne, %rem3A_396, %ne3A_397 : i32
    %lt3A_399 = arith.constant 0 : i32
    %lt3A_400 = arith.cmpi slt, %rem3A_396, %lt3A_399 : i32
    %lt3A_401 = arith.constant 0 : i32
    %lt3A_402 = arith.cmpi slt, %select_n3A_395, %lt3A_401 : i32
    %ne3A_403 = arith.xori %lt3A_400, %lt3A_402 : i1
    %and3A_404 = arith.andi %ne3A_403, %ne3A_398 : i1
    %add3A_405 = arith.addi %rem3A_396, %select_n3A_395 : i32
    %select_n3A_406 = arith.select %and3A_404, %add3A_405, %rem3A_396 : i32
    %mul3A_407 = arith.constant 1024 : i32
    %mul3A_408 = arith.muli %select_n3A_406, %mul3A_407 : i32
    %dma_wait3A = tpu.memref_slice %arg4[%select_n3A_390, %mul3A_408] : memref<200x16384xi32, #tpu.memory_space<hbm>> -> memref<1x1024xi32, #tpu.memory_space<hbm>>
    %dma_wait3A_409 = tpu.memref_slice %arg4[%select_n3A_390, %mul3A_408] : memref<200x16384xi32, #tpu.memory_space<hbm>> -> memref<1x1024xi32, #tpu.memory_space<hbm>>
    tpu.wait_dma2 semaphore(%arg34 : memref<!tpu.dma_semaphore, #tpu.memory_space<semaphore_mem>>) src(%arg14 : memref<1x1024xi32, #tpu.memory_space<vmem>>) dst(%dma_wait3A_409 : memref<1x1024xi32, #tpu.memory_space<hbm>>)
    %add3A_410 = arith.constant 99 : i32
    %add3A_411 = arith.addi %mul3A_2, %add3A_410 : i32
    %jit3A_412 = arith.constant 16 : i32
    %div3A_413 = arith.divsi %add3A_411, %jit3A_412 : i32
    %sign3A_414 = arith.constant 0 : i32
    %sign3A_415 = arith.cmpi sgt, %add3A_411, %sign3A_414 : i32
    %sign3A_416 = arith.extui %sign3A_415 : i1 to i32
    %sign3A_417 = arith.constant 0 : i32
    %sign3A_418 = arith.cmpi slt, %add3A_411, %sign3A_417 : i32
    %sign3A_419 = arith.extui %sign3A_418 : i1 to i32
    %sign3A_420 = arith.subi %sign3A_416, %sign3A_419 : i32
    %sign3A_421 = arith.constant 0 : i32
    %sign3A_422 = arith.cmpi sgt, %jit3A_412, %sign3A_421 : i32
    %sign3A_423 = arith.extui %sign3A_422 : i1 to i32
    %sign3A_424 = arith.constant 0 : i32
    %sign3A_425 = arith.cmpi slt, %jit3A_412, %sign3A_424 : i32
    %sign3A_426 = arith.extui %sign3A_425 : i1 to i32
    %sign3A_427 = arith.subi %sign3A_423, %sign3A_426 : i32
    %ne3A_428 = arith.cmpi ne, %sign3A_420, %sign3A_427 : i32
    %rem3A_429 = arith.remsi %add3A_411, %jit3A_412 : i32
    %ne3A_430 = arith.constant 0 : i32
    %ne3A_431 = arith.cmpi ne, %rem3A_429, %ne3A_430 : i32
    %and3A_432 = arith.andi %ne3A_428, %ne3A_431 : i1
    %sub3A_433 = arith.constant 1 : i32
    %sub3A_434 = arith.subi %div3A_413, %sub3A_433 : i32
    %select_n3A_435 = arith.select %and3A_432, %sub3A_434, %div3A_413 : i32
    %jit3A_436 = arith.constant 16 : i32
    %eq3A_437 = arith.constant 0 : i32
    %eq3A_438 = arith.cmpi eq, %jit3A_436, %eq3A_437 : i32
    %jit3A_439 = arith.constant 1 : i32
    %select_n3A_440 = arith.select %eq3A_438, %jit3A_439, %jit3A_436 : i32
    %rem3A_441 = arith.remsi %add3A_411, %select_n3A_440 : i32
    %ne3A_442 = arith.constant 0 : i32
    %ne3A_443 = arith.cmpi ne, %rem3A_441, %ne3A_442 : i32
    %lt3A_444 = arith.constant 0 : i32
    %lt3A_445 = arith.cmpi slt, %rem3A_441, %lt3A_444 : i32
    %lt3A_446 = arith.constant 0 : i32
    %lt3A_447 = arith.cmpi slt, %select_n3A_440, %lt3A_446 : i32
    %ne3A_448 = arith.xori %lt3A_445, %lt3A_447 : i1
    %and3A_449 = arith.andi %ne3A_448, %ne3A_443 : i1
    %add3A_450 = arith.addi %rem3A_441, %select_n3A_440 : i32
    %select_n3A_451 = arith.select %and3A_449, %add3A_450, %rem3A_441 : i32
    %mul3A_452 = arith.constant 1024 : i32
    %mul3A_453 = arith.muli %select_n3A_451, %mul3A_452 : i32
    %dma_wait3A_454 = tpu.memref_slice %arg4[%select_n3A_435, %mul3A_453] : memref<200x16384xi32, #tpu.memory_space<hbm>> -> memref<1x1024xi32, #tpu.memory_space<hbm>>
    %dma_wait3A_455 = tpu.memref_slice %arg4[%select_n3A_435, %mul3A_453] : memref<200x16384xi32, #tpu.memory_space<hbm>> -> memref<1x1024xi32, #tpu.memory_space<hbm>>
    tpu.wait_dma2 semaphore(%arg35 : memref<!tpu.dma_semaphore, #tpu.memory_space<semaphore_mem>>) src(%arg15 : memref<1x1024xi32, #tpu.memory_space<vmem>>) dst(%dma_wait3A_455 : memref<1x1024xi32, #tpu.memory_space<hbm>>)
    return
  }
}

</mosaic_0001>

<sc_bundles>
// kernel: kernel.3.cloned.1.call-start
scs
__scs_entry_jumppad:
0x0: {  	(pc) =	sbr.rel $0x88, $3  }
0x1: {  	(tag) =	ssettag $0x0;
	lr =	simm.s32 $0x1  }
0x2: {  	[smem:$0x3F9F] =	sst lr;
	_ =	strace $0xD0000000  }
0x3: {  	_ = 	snop  }
0x4: {  	_ = 	snop  }
0x5: {  	_ = 	snop  }
0x6: {  	_ = 	snop  }
0x7: {  	_ = 	snop  }
__scs_overlays_trampoline_lowered:
0x8: {  	[smem:$0x3FAE] =	sst s0  }
0x9: {  	[smem:$0x3FAF] =	sst s1  }
0xa: {  	[smem:$0x3FB0] =	sst s2  }
0xb: {  	[smem:$0x3FB1] =	sst s3  }
0xc: {  	[smem:$0x3FB2] =	sst s4  }
0xd: {  	[smem:$0x3FB3] =	sst s5  }
0xe: {  	[smem:$0x3FB4] =	sst s6  }
0xf: {  	[smem:$0x3FB5] =	sst s7  }
0x10: {  	[smem:$0x3FB6] =	sst s8  }
0x11: {  	[smem:$0x3FB7] =	sst s9;
	s0 =	simm.s32 @!p0 $0x0  }
0x12: {  	s1 =	sld [smem:$0x3F9D];
	s0 =	simm.s32 @p0 $0x1  }
0x13: {  	[smem:$0x3FB8] =	sst s0;
	s0 =	simm.s32 @!p1 $0x0  }
0x14: {  	s2 =	sld [smem:$0x3F9C];
	s0 =	simm.s32 @p1 $0x1  }
0x15: {  	[smem:$0x3FB9] =	sst s0;
	s0 =	simm.s32 @!p2 $0x0  }
0x16: {  	s3 =	sld [smem:$0x3FDB];
	s0 =	simm.s32 @p2 $0x1  }
0x17: {  	s4 =	simm.s32 $0x1BF5;
	[smem:$0x3FBB] =	sst s0  }
0x18: {  	s0 =	sld [smem:$0x3F9E];
	_ =	swait.ge [sflag:s4], $0x0  }
0x19: {  	s7 =	sld [smem:$0x3F9F]  }
0x1a: {  	s8 =	sadd.s32 $0xFFFFE003, lr  }
0x1b: {  	s9 =	sadd.s32 $0xFFFFFEF7, lr;
	s5 =	simm.s32 $0xFFFFFFFF;
	p2 =	slt.u32 s8, $0xFFFFF086  }
0x1c: {  	p1 =	slt.u32 s9, $0xF7A;
	s5 =	simm.s32 @!p2 $0x0  }
0x1d: {  	s5 =	simm.s32 @p1 $0x1;
	p0 =	seq.s32 s7, s2  }
0x1e: {  	s7 =	smul.u32 @!p0 $0xF7A, s2;
	p2 =	seq.s32 @!p0 s5, $0x0  }
0x1f: {  	s9 =	smul.u32 $0xF7A, s1;
	s8 =	simm.s32 @!p0 $0x1BF5;
	p2 =	por !p2, p0  }
0x20: {  	[sflag:s8] =	ssyncset.s32 @!p0 $0xFFFFF086;
	s6 =	sadd.s32 @!p0 s3, s7;
	s7 =	simm.s32 @!p0 $0x108  }
0x21: {  	s3 =	sadd.s32 s3, s9;
	s6 =	sadd.s32 @!p0 $0x88, s6;
	s7 =	simm.s32 @p2 $0x1082  }
0x22: {  	[simem:s7], [sflag:s8] =	dma.local @!p0 [hbm:s6], $0xF7A  }
0x23: {  	s9 =	sor.u32 $0xD0000000, s2;
	s6 =	simm.s32 $0x108;
	_ =	swait.ge @!p0 [sflag:s8], $0x0  }
0x24: {  	s3 =	sadd.s32 $0x88, s3;
	s6 =	simm.s32 @!p1 $0x1082;
	[sflag:s4] =	ssyncset.s32 $0xFFFFF086  }
0x25: {  	[simem:s6], [sflag:s4] =	dma.local [hbm:s3], $0xF7A  }
0x26: {  	[smem:$0x3F9F] =	sst s1;
	(tag) =	ssettag s2;
	_ =	strace s9  }
0x27: {  	s1 =	sld [smem:$0x3FAF]  }
0x28: {  	s2 =	sld [smem:$0x3FB0]  }
0x29: {  	s4 =	sld [smem:$0x3FB2]  }
0x2a: {  	p0 =	seq.s32 s5, $0x0;
	s5 =	sld [smem:$0x3FB3]  }
0x2b: {  	s6 =	sld [smem:$0x3FB4]  }
0x2c: {  	s7 =	sld [smem:$0x3FB5]  }
0x2d: {  	s3 =	simm.s32 $0x108;
	s8 =	sld [smem:$0x3FB6]  }
0x2e: {  	s3 =	simm.s32 @!p0 $0x1082;
	s9 =	sld [smem:$0x3FB7]  }
0x2f: {  	lr =	sadd.s32 s0, s3;
	s0 =	sld [smem:$0x3FAE]  }
0x30: {  	s3 =	sld [smem:$0x3FB1]  }
0x31: {  	[smem:$0x3FBA] =	sst s10  }
0x32: {  	s10 =	sld [smem:$0x3FB8];
	_ =	sdelay $0x3  }
0x33: {  	p0 =	seq.s32 s10, $0x1;
	s10 =	sld [smem:$0x3FBA];
	_ =	sdelay $0x3  }
0x34: {  	[smem:$0x3FBA] =	sst s10  }
0x35: {  	s10 =	sld [smem:$0x3FB9];
	_ =	sdelay $0x3  }
0x36: {  	p1 =	seq.s32 s10, $0x1;
	s10 =	sld [smem:$0x3FBA];
	_ =	sdelay $0x3  }
0x37: {  	[smem:$0x3FBA] =	sst s10  }
0x38: {  	s10 =	sld [smem:$0x3FBB]  }
0x39: {  	_ = 	snop;
	(pc) =	sbr.ind lr, $3  }
0x3a: {  	_ = 	snop  }
0x3b: {  	_ = 	snop  }
0x3c: {  	p2 =	seq.s32 s10, $0x1;
	s10 =	sld [smem:$0x3FBA]  }
0x3d: {  	_ =	shalt  }
0x3e: {  	_ =	shalt  }
0x3f: {  	_ =	shalt  }
0x40: {  	_ =	shalt  }
0x41: {  	_ =	shalt  }
0x42: {  	_ =	shalt  }
0x43: {  	_ =	shalt  }
0x44: {  	_ =	shalt  }
0x45: {  	_ =	shalt  }
0x46: {  	_ =	shalt  }
0x47: {  	_ =	shalt  }
0x48: {  	_ =	shalt  }
0x49: {  	_ =	shalt  }
0x4a: {  	_ =	shalt  }
0x4b: {  	_ =	shalt  }
0x4c: {  	_ =	shalt  }
0x4d: {  	_ =	shalt  }
0x4e: {  	_ =	shalt  }
0x4f: {  	_ =	shalt  }
0x50: {  	_ =	shalt  }
0x51: {  	_ =	shalt  }
0x52: {  	_ =	shalt  }
0x53: {  	_ =	shalt  }
0x54: {  	_ =	shalt  }
0x55: {  	_ =	shalt  }
0x56: {  	_ =	shalt  }
0x57: {  	_ =	shalt  }
0x58: {  	_ =	shalt  }
0x59: {  	_ =	shalt  }
0x5a: {  	_ =	shalt  }
0x5b: {  	_ =	shalt  }
0x5c: {  	_ =	shalt  }
0x5d: {  	_ =	shalt  }
0x5e: {  	_ =	shalt  }
0x5f: {  	_ =	shalt  }
0x60: {  	_ =	shalt  }
0x61: {  	_ =	shalt  }
0x62: {  	_ =	shalt  }
0x63: {  	_ =	shalt  }
0x64: {  	_ =	shalt  }
0x65: {  	_ =	shalt  }
0x66: {  	_ =	shalt  }
0x67: {  	_ =	shalt  }
0x68: {  	_ =	shalt  }
0x69: {  	_ =	shalt  }
0x6a: {  	_ =	shalt  }
0x6b: {  	_ =	shalt  }
0x6c: {  	_ =	shalt  }
0x6d: {  	_ =	shalt  }
0x6e: {  	_ =	shalt  }
0x6f: {  	_ =	shalt  }
0x70: {  	_ =	shalt  }
0x71: {  	_ =	shalt  }
0x72: {  	_ =	shalt  }
0x73: {  	_ =	shalt  }
0x74: {  	_ =	shalt  }
0x75: {  	_ =	shalt  }
0x76: {  	_ =	shalt  }
0x77: {  	_ =	shalt  }
0x78: {  	_ =	shalt  }
0x79: {  	_ =	shalt  }
0x7a: {  	_ =	shalt  }
0x7b: {  	_ =	shalt  }
0x7c: {  	_ =	shalt  }
0x7d: {  	_ =	shalt  }
0x7e: {  	_ =	shalt  }
0x7f: {  	_ =	shalt  }
0x80: {  	_ =	shalt  }
0x81: {  	_ =	shalt  }
0x82: {  	_ =	shalt  }
0x83: {  	_ =	shalt  }
0x84: {  	_ =	shalt  }
0x85: {  	_ =	shalt  }
0x86: {  	_ =	shalt  }
0x87: {  	_ =	shalt  }
.Lfunc_end0:
.L_simem_size_0:
called_computation_lowered:
.L_overlay_start_0:
0x88: {  	s2 =	sld [smem:$0x3FD9]  }
0x89: {  	s3 =	sld [smem:$0x3FFE];
	_ =	sdelay $0x1  }
0x8a: {  	s1 =	srdreg.scid  }
0x8b: {  	s0 =	sand.u32 $0x1, s1  }
0x8c: {  	s18 =	sshll.u32 s0, $0xA;
	s2 =	sadd.s32 s3, s2  }
0x8d: {  	s2 =	sadd.s32 s2, s18  }
0x8e: {  	[smem:$0x3FC6] =	sst s2  }
0x8f: {  	_ = 	snop  }
0x90: {  	s2 =	sld [smem:$0x3FC9]  }
0x91: {  	s19 =	sld [smem:$0x3FC8]  }
0x92: {  	s4 =	sld [smem:$0x3FD0];
	(tm) =	ssettm $0x1  }
0x93: {  	s5 =	sld [smem:$0x3FFB];
	_ =	sdelay $0x3  }
0x94: {  	_ =	strace s5  }
0x95: {  	s5 =	sld [smem:$0x3FFC];
	_ =	sdelay $0x3  }
0x96: {  	_ =	strace s5  }
0x97: {  	s5 =	sld [smem:$0x3FFD];
	_ =	sdelay $0x3  }
0x98: {  	_ =	strace s5  }
0x99: {  	_ =	strace $0x8FFFFFFF  }
0x9a: {  	s20 =	sld [smem:$0x3FDB];
	_ =	sdelay $0x1  }
0x9b: {  	s6 =	simm.s32 $_scs_section_size  }
0x9c: {  	s7 =	simm.s32 $_size__tile_overlayer_lowered;
	s8 =	simm.s32 $_tile_overlayer_lowered  }
0x9d: {  	s23 =	simm.s32 $0x1BFF;
	s22 =	sshll.u32 s8, $0x1;
	s5 =	sadd.s32 s6, s20  }
0x9e: {  	s9 =	simm.s32 $0x0;
	s21 =	sshll.u32 s7, $0x1;
	s7 =	sadd.s32 s22, s5  }
0x9f: {  	[timem:s9], [sflag:s23] =	dma.local [hbm:s7], s21  }
0xa0: {  	_ =	swait.ge [sflag:s23], s21  }
0xa1: {  	s6 =	ssub.s32 $0x0, s21;
	[sflag:s23] =	ssyncset.done $0x0  }
0xa2: {  	[sflag:s23] =	ssyncadd.s32 s6;
	_ =	sdelay $0x1  }
0xa3: {  	s24 =	simm.s32 $0x1B8B  }
0xa4: {  	_ =	swait.ge [sflag:s24], $0x1  }
0xa5: {  	[sflag:s24] =	ssyncset.done $0x0  }
0xa6: {  	s25 =	simm.s32 $0x1B8E;
	[sflag:s24] =	ssyncadd.s32 $0xFFFFFFFF  }
0xa7: {  	s26 =	simm.s32 $execute0_lowered;
	[smem:$0x3FD2] =	sst s25  }
0xa8: {  	s6 =	sshll.u32 s26, $0x1;
	_ =	strace $0x80000046;
	[dreg:$0x1] =	wrdreg $0xFFFFFFFF  }
0xa9: {  	s28 =	simm.s32 $_size_execute0_lowered;
	s5 =	sadd.s32 s5, s6;
	[dreg:$0x0] =	wrdreg $0x0  }
0xaa: {  	s6 =	sshll.u32 s28, $0x1;
	[dreg:$0x2] =	wrdreg s5  }
0xab: {  	[dreg:$0x3] =	wrdreg s6  }
0xac: {  	[dreg:$0x4] =	wrdreg $0xC0  }
0xad: {  	_ =	task [dreg:s9], $0x5FFFF  }
0xae: {  	[dreg:$0x1] =	wrdreg $0xFFFFFFFF  }
0xaf: {  	[dreg:$0x0] =	wrdreg $0x60  }
0xb0: {  	[dreg:$0x2] =	wrdreg s2  }
0xb1: {  	[dreg:$0x3] =	wrdreg s19  }
0xb2: {  	[dreg:$0x4] =	wrdreg s4  }
0xb3: {  	[dreg:$0x5] =	wrdreg $0x9  }
0xb4: {  	_ =	task.clear_ibuf [dreg:s9], $0x6FFFF;
	_ =	strace $0x90000046  }
0xb5: {  	s29 =	simm.s32 $0x9;
	_ =	strace $0x80000048  }
0xb6: {  	_ =	swait.ge [sflag:s29], $0x1  }
0xb7: {  	[sflag:s29] =	ssyncadd.s32 $0xFFFFFFFF  }
0xb8: {  	_ =	strace $0x90000048  }
0xb9: {  	_ =	sfence  }
0xba: {  	s30 =	sld [smem:$0x0];
	_ =	sdelay $0x2  }
0xbb: {  	s31 =	sshll.u32 s1, $0xD;
	s1 =	sshrl.u32 s1, $0x2  }
0xbc: {  	s3 =	sand.u32 $0x4000, s31;
	s1 =	sadd.s32 s1, s30  }
0xbd: {  	s0 =	sor.u32 s3, s0;
	s1 =	sshll.u32 s1, $0x11  }
0xbe: {  	s0 =	sor.u32 s1, s0  }
0xbf: {  	s0 =	sadd.s32 $0x8F2B, s0  }
0xc0: {  	[sflag:s0] =	ssyncadd.remote.s32 $0x1  }
0xc1: {  	_ =	sfence.sel $0xFFFF  }
0xc2: {  	[dreg:$0x0] =	wrdreg $0xFFFFFFFF;
	(pc) =	sbr.abs _section_cstart, $3  }
0xc3: {  	[dreg:$0x1] =	wrdreg $0xFFFFFFFF  }
0xc4: {  	_ =	task.clear_ibuf [dreg:s9], $0x2FFFF;
	_ =	strace $0x9FFFFFFF  }
0xc5: {  	(tm) =	ssettm $0x7FFFFFFF  }
tec
execute0_lowered:
.L_overlay_start_1:
0x0: {  	(tag) =	ssettag $0x1  }
0x1: {  	s0 =	srdreg.scid;
	s1 =	stileid.u32  }
0x2: {  	s4 =	rddreg [dreg:$0x2];
	s0 =	sand.u32 $0x1, s0;
	s2 =	sshll.u32 s1, $0x1  }
0x3: {  	s6 =	simm.s32 $0x0;
	s1 =	rddreg [dreg:$0x0];
	s2 =	sor.u32 s0, s2  }
0x4: {  	[smem:$0x7FF] =	sst s6;
	s0 =	ssub.s32 $0x2, s0;
	s3 =	smul.u32 $0x3200, s2  }
0x5: {  	s5 =	smul.u32 $0x64, s2;
	s2 =	sshll.u32 s2, $0xC;
	s20 =	sshrl.u32 s0, $0x1  }
0x6: {  	_ =	strace $0x80000047;
	s2 =	sand.u32 $0x3000, s2;
	s0 =	ssub.s32 s0, s20  }
0x7: {  	s3 =	sand.u32 $0x7C000, s3;
	s19 =	sand.u32 $0x70, s5;
	s8 =	sadd.s32 $0x4, s5  }
0x8: {  	s9 =	sadd.s32 $0x5, s5;
	s31 =	sadd.s32 $0x6, s5;
	s14 =	sadd.s32 $0x7, s5  }
0x9: {  	s20 =	sadd.s32 $0x9, s5;
	s0 =	smax.u32 s0, $0x1;
	s2 =	sor.u32 s2, s3  }
0xa: {  	s22 =	sshll.u32 s8, $0x7;
	s23 =	sshll.u32 s8, $0xA;
	[dreg:$0x6] =	wrdreg s8  }
0xb: {  	s24 =	sand.u32 $0x70, s8;
	s25 =	sshll.u32 s9, $0x7;
	[dreg:$0x9] =	wrdreg s9  }
0xc: {  	s26 =	sshll.u32 s9, $0xA;
	s30 =	sand.u32 $0x70, s9;
	[dreg:$0xb] =	wrdreg s31  }
0xd: {  	s8 =	sshll.u32 s31, $0x7;
	s10 =	sshll.u32 s31, $0xA;
	[dreg:$0xd] =	wrdreg s14  }
0xe: {  	s13 =	sand.u32 $0x70, s31;
	s15 =	sshll.u32 s14, $0x7;
	[dreg:$0x11] =	wrdreg s20  }
0xf: {  	s16 =	sshll.u32 s14, $0xA;
	s9 =	sand.u32 $0x70, s14;
	[dreg:$0x16] =	wrdreg s0  }
0x10: {  	s31 =	sadd.s32 $0x11, s5;
	s0 =	simm.s32 $0x80;
	s14 =	simm.s32 $0x6  }
0x11: {  	s20 =	simm.s32 $0x10;
	s2 =	sor.u32 s19, s2;
	s3 =	sand.u32 $0x3000, s23  }
0x12: {  	s28 =	sand.u32 $0xFC000, s25;
	s29 =	sand.u32 $0x3400, s26;
	s11 =	sand.u32 $0xFC000, s8  }
0x13: {  	s12 =	sand.u32 $0x3800, s10;
	s19 =	sadd.s32 $0x8, s5;
	[dreg:$0x1c] =	wrdreg s31  }
0x14: {  	s8 =	sand.u32 $0x3C00, s16;
	s23 =	sadd.s32 $0xB, s5;
	[dreg:$0x10] =	wrdreg s19  }
0x15: {  	s18 =	sadd.s32 s1, s9;
	s25 =	sadd.s32 $0xC, s5;
	[dreg:$0x14] =	wrdreg s23  }
0x16: {  	s26 =	sadd.s32 $0xD, s5;
	s9 =	simm.s32 $0x5;
	[dreg:$0x17] =	wrdreg s25  }
0x17: {  	s16 =	simm.s32 $0xF;
	s7 =	sadd.s32 s1, s2;
	[dreg:$0x18] =	wrdreg s26  }
0x18: {  	s25 =	simm.s32 $0xD;
	s2 =	sadd.s32 $0x400, s7;
	[dreg:$0x4] =	wrdreg s7  }
0x19: {  	s19 =	simm.s32 $0x7;
	s21 =	sadd.s32 $0x800, s7;
	[dreg:$0x5] =	wrdreg s2  }
0x1a: {  	s23 =	simm.s32 $0x9;
	s7 =	sadd.s32 $0xC00, s7;
	[dreg:$0x7] =	wrdreg s21  }
0x1b: {  	s26 =	simm.s32 $0xA;
	[dreg:$0x8] =	wrdreg s7;
	s2 =	sand.u32 $0xFC000, s22  }
0x1c: {  	s7 =	sand.u32 $0xFC000, s15;
	s21 =	sadd.s32 $0xA, s5;
	s22 =	sor.u32 $0x2, s5  }
0x1d: {  	s15 =	simm.s32 $0x3;
	s2 =	sor.u32 s3, s2;
	[dreg:$0x12] =	wrdreg s21  }
0x1e: {  	s3 =	sadd.s32 s1, s24;
	s17 =	sor.u32 s8, s7;
	[dreg:$0x13] =	wrdreg s22  }
0x1f: {  	s24 =	sor.u32 $0x3, s5;
	s21 =	simm.s32 $0x8;
	s22 =	simm.s32 $0x11  }
0x20: {  	s8 =	simm.s32 $0x0;
	s2 =	sadd.s32 s2, s3;
	[dreg:$0x15] =	wrdreg s24  }
0x21: {  	s3 =	sadd.s32 s1, s30;
	s30 =	sadd.s32 $0x10, s5;
	[dreg:$0xa] =	wrdreg s2  }
0x22: {  	s2 =	sor.u32 s29, s28;
	s28 =	sadd.s32 $0xE, s5;
	[dreg:$0x1b] =	wrdreg s30  }
0x23: {  	s24 =	simm.s32 $0x12;
	s29 =	sadd.s32 $0xF, s5;
	[dreg:$0x19] =	wrdreg s28  }
0x24: {  	s2 =	sadd.s32 s2, s3;
	s3 =	sadd.s32 s1, s13;
	[dreg:$0x1a] =	wrdreg s29  }
0x25: {  	s13 =	simm.s32 $0xB;
	[dreg:$0xc] =	wrdreg s2;
	s2 =	sor.u32 s12, s11  }
0x26: {  	s11 =	simm.s32 $0x2;
	s12 =	simm.s32 $0xE;
	s2 =	sadd.s32 s2, s3  }
0x27: {  	s3 =	simm.s32 $0x400;
	[dreg:$0xe] =	wrdreg s2;
	s2 =	sadd.s32 s17, s18  }
0x28: {  	s17 =	simm.s32 $0xC;
	s18 =	simm.s32 $0x4;
	[dreg:$0xf] =	wrdreg s2  }
.LBB2_1:
0x29: {  	[dreg:$0x1d] =	wrdreg s8  }
0x2a: {  	s2 =	rddreg [dreg:$0x4];
	s7 =	simm.s32 $0x1D500  }
0x2b: {  	[tilespmem:s7], [sflag:$0x1] =	stream.strided.gather [hbm4b:s2+s0], $0x400, s3, s0, $0x38;
	[tilespmem:$0x1FD00] =	vst v63  }
0x2c: {  	s10 =	rddreg [dreg:$0x5];
	s29 =	simm.s32 $0x1D900  }
0x2d: {  	[tilespmem:s29], [sflag:$0x2] =	stream.strided.gather [hbm4b:s10+s0], $0x400, s3, s0, $0x38;
	[tilespmem:$0x1FD00] =	vst v63  }
0x2e: {  	s30 =	rddreg [dreg:$0x7];
	s31 =	simm.s32 $0x1DD00  }
0x2f: {  	[tilespmem:s31], [sflag:$0x3] =	stream.strided.gather [hbm4b:s30+s0], $0x400, s3, s0, $0x38;
	[tilespmem:$0x1FD00] =	vst v63  }
0x30: {  	s8 =	simm.s32 $0x1E100;
	s7 =	rddreg [dreg:$0x8]  }
0x31: {  	[tilespmem:s8], [sflag:$0x4] =	stream.strided.gather [hbm4b:s7+s0], $0x400, s3, s0, $0x38;
	[tilespmem:$0x1FD00] =	vst v63  }
0x32: {  	s10 =	rddreg [dreg:$0xa];
	s29 =	simm.s32 $0x1E500  }
0x33: {  	[tilespmem:s29], [sflag:$0x5] =	stream.strided.gather [hbm4b:s10+s0], $0x400, s3, s0, $0x38;
	[tilespmem:$0x1FD00] =	vst v63  }
0x34: {  	s30 =	rddreg [dreg:$0xc];
	s31 =	simm.s32 $0x1E900  }
0x35: {  	[tilespmem:s31], [sflag:$0x6] =	stream.strided.gather [hbm4b:s30+s0], $0x400, s3, s0, $0x38;
	[tilespmem:$0x1FD00] =	vst v63  }
0x36: {  	s7 =	rddreg [dreg:$0xe];
	s8 =	simm.s32 $0x1ED00  }
0x37: {  	[tilespmem:s8], [sflag:$0x7] =	stream.strided.gather [hbm4b:s7+s0], $0x400, s3, s0, $0x38;
	[tilespmem:$0x1FD00] =	vst v63  }
0x38: {  	s10 =	rddreg [dreg:$0xf];
	s29 =	simm.s32 $0x1F100  }
0x39: {  	[tilespmem:s29], [sflag:$0x8] =	stream.strided.gather [hbm4b:s10+s0], $0x400, s3, s0, $0x38;
	[tilespmem:$0x1FD00] =	vst v63  }
0x3a: {  	s30 =	rddreg [dreg:$0x1];
	s31 =	simm.s32 $0x15  }
0x3b: {  	[tilespmem:s6], [sflag:$0x15] =	stream.linear.gather [hbm4b:s30+s6], $0x1D500, $0x38;
	[tilespmem:$0x1FD00] =	vst v63  }
0x3c: {  	_ =	swait.ge [sflag:s31], $0x1D500  }
0x3d: {  	[sflag:s31] =	ssyncset.done $0x0  }
0x3e: {  	s28 =	simm.s32 $0x0;
	[sflag:s31] =	ssyncadd.s32 $0xFFFE2B00  }
.LBB2_2:
0x3f: {  	s29 =	smul.u32 $0xA, s28  }
0x40: {  	s2 =	rddreg [dreg:$0x10]  }
0x41: {  	p0 =	seq.s32 s28, $0x0;
	s2 =	sadd.s32 s29, s2  }
0x42: {  	s7 =	simm.s32 @!p0 $0x13;
	s8 =	sshll.u32 s2, $0xA  }
0x43: {  	s10 =	sshll.u32 s2, $0x7;
	s2 =	sand.u32 $0x70, s2;
	s8 =	sand.u32 $0x3800, s8  }
0x44: {  	_ =	swait.ge @!p0 [sflag:s7], $0x400;
	s10 =	sand.u32 $0xFFFC000, s10;
	s2 =	sor.u32 s2, s8  }
0x45: {  	s31 =	simm.s32 $0x1;
	[sflag:s7] =	ssyncset.done @!p0 $0x0;
	s30 =	sor.u32 s10, s2  }
0x46: {  	[sflag:s7] =	ssyncadd.s32 @!p0 $0xFFFFFC00;
	s10 =	simm.s32 $0x1F500;
	s2 =	sadd.s32 s1, s30  }
0x47: {  	[tilespmem:s10], [sflag:$0x9] =	stream.strided.gather [hbm4b:s2+s0], $0x400, s3, s0, $0x38;
	[tilespmem:$0x1FD00] =	vst v63  }
0x48: {  	_ =	swait.ge [sflag:s31], $0x400  }
0x49: {  	[sflag:s31] =	ssyncset.done $0x0  }
0x4a: {  	s2 =	simm.s32 $0x1D540;
	[sflag:s31] =	ssyncadd.s32 $0xFFFFFC00  }
0x4b: {  	v0 =	vld [tilespmem:s2+$0x30]  }
0x4c: {  	v1 =	vld [tilespmem:s2+$0xFFFFFFD0]  }
0x4d: {  	v2 =	vld [tilespmem:s2+$0xFFFFFFE0]  }
0x4e: {  	v3 =	vld [tilespmem:s2+$0xFFFFFFF0]  }
0x4f: {  	v6 =	vld [tilespmem:s2+$0x0]  }
0x50: {  	v7 =	vld [tilespmem:s2+$0x10]  }
0x51: {  	v8 =	vld [tilespmem:s2+$0x20]  }
0x52: {  	v9 =	vld [tilespmem:s2+$0xFFFFFFC0]  }
0x53: {  	v10 =	vld.idx.msk [tilespmem:v0+s6+$0x0], $0xffff  }
0x54: {  	v11 =	vld.idx.msk [tilespmem:v1+s6+$0x0], $0xffff  }
0x55: {  	v5 =	vld.idx.msk [tilespmem:v2+s6+$0x0], $0xffff  }
0x56: {  	v4 =	vld.idx.msk [tilespmem:v3+s6+$0x0], $0xffff  }
0x57: {  	v3 =	vld.idx.msk [tilespmem:v6+s6+$0x0], $0xffff  }
0x58: {  	v2 =	vld.idx.msk [tilespmem:v7+s6+$0x0], $0xffff  }
0x59: {  	v0 =	vld.idx.msk [tilespmem:v8+s6+$0x0], $0xffff;
	[tilespmem:s2+$0x30] =	vst v10  }
0x5a: {  	s7 =	simm.s32 $0x0;
	s10 =	simm.s32 $0x1D5C0;
	v1 =	vld.idx.msk [tilespmem:v9+s6+$0x0], $0xffff;
	[tilespmem:s2+$0xFFFFFFD0] =	vst v11  }
.LBB2_3:
0x5b: {  	v6 =	vld [tilespmem:s10+$0x30];
	s7 =	sadd.s32 $0x8, s7;
	[tilespmem:s2+$0xFFFFFFE0] =	vst v5  }
0x5c: {  	v5 =	vld [tilespmem:s10+$0xFFFFFFD0];
	p1 =	slt.u32 s7, $0x38;
	[tilespmem:s2+$0xFFFFFFF0] =	vst v4  }
0x5d: {  	v4 =	vld [tilespmem:s10+$0xFFFFFFE0];
	[tilespmem:s2+$0x0] =	vst v3  }
0x5e: {  	v3 =	vld [tilespmem:s10+$0xFFFFFFF0];
	[tilespmem:s2+$0x10] =	vst v2  }
0x5f: {  	v2 =	vld [tilespmem:s10+$0x0];
	[tilespmem:s2+$0x20] =	vst v0  }
0x60: {  	v0 =	vld [tilespmem:s10+$0x10];
	[tilespmem:s2+$0xFFFFFFC0] =	vst v1;
	s2 =	smov.u32 s10  }
0x61: {  	v1 =	vld [tilespmem:s10+$0x20]  }
0x62: {  	v7 =	vld [tilespmem:s10+$0xFFFFFFC0]  }
0x63: {  	v6 =	vld.idx.msk [tilespmem:v6+s6+$0x0], $0xffff  }
0x64: {  	v8 =	vld.idx.msk [tilespmem:v5+s6+$0x0], $0xffff  }
0x65: {  	v5 =	vld.idx.msk [tilespmem:v4+s6+$0x0], $0xffff  }
.Ltmp0:
0x66: {  	v4 =	vld.idx.msk [tilespmem:v3+s6+$0x0], $0xffff;
	(pc) =	sbr.rel @p1 .LBB2_3-.Ltmp0, $4  }
0x67: {  	v3 =	vld.idx.msk [tilespmem:v2+s6+$0x0], $0xffff  }
0x68: {  	v2 =	vld.idx.msk [tilespmem:v0+s6+$0x0], $0xffff  }
0x69: {  	v0 =	vld.idx.msk [tilespmem:v1+s6+$0x0], $0xffff;
	[tilespmem:s10+$0x30] =	vst v6  }
0x6a: {  	s10 =	sadd.s32 $0x80, s10;
	v1 =	vld.idx.msk [tilespmem:v7+s6+$0x0], $0xffff;
	[tilespmem:s2+$0xFFFFFFD0] =	vst v8  }
0x6b: {  	[tilespmem:s2+$0xFFFFFFE0] =	vst v5  }
0x6c: {  	[tilespmem:s2+$0xFFFFFFF0] =	vst v4;
	s7 =	sadd.s32 s5, s29  }
0x6d: {  	[tilespmem:s2+$0x0] =	vst v3;
	s8 =	sshll.u32 s7, $0xA;
	s10 =	sshll.u32 s7, $0x7  }
0x6e: {  	s7 =	sand.u32 $0x70, s7;
	[tilespmem:s2+$0x10] =	vst v2;
	s8 =	sand.u32 $0x3800, s8;
	s10 =	sand.u32 $0xFFFC000, s10  }
0x6f: {  	s7 =	sadd.s32 s4, s7;
	[tilespmem:s2+$0x20] =	vst v0;
	s8 =	sor.u32 s8, s10  }
0x70: {  	s10 =	simm.s32 $0x1D500;
	[tilespmem:s2+$0xFFFFFFC0] =	vst v1;
	s8 =	sadd.s32 s8, s7  }
0x71: {  	[hbm4b:s8+s0] =	stream.strided.scatter [tilespmem:s10], [sflag:$0xB], $0x400, s3, s0, $0x38;
	[tilespmem:$0x1FD00] =	vst v63  }
0x72: {  	s8 =	rddreg [dreg:$0x11]  }
0x73: {  	s2 =	sadd.s32 s29, s8  }
0x74: {  	s7 =	simm.s32 @!p0 $0x14;
	s8 =	sshll.u32 s2, $0xA  }
0x75: {  	s10 =	sshll.u32 s2, $0x7;
	s2 =	sand.u32 $0x70, s2;
	s8 =	sand.u32 $0x3C00, s8  }
0x76: {  	_ =	swait.ge @!p0 [sflag:s7], $0x400;
	s10 =	sand.u32 $0xFFFC000, s10;
	s2 =	sor.u32 s2, s8  }
0x77: {  	[sflag:s7] =	ssyncset.done @!p0 $0x0;
	s31 =	sor.u32 s10, s2  }
0x78: {  	[sflag:s7] =	ssyncadd.s32 @!p0 $0xFFFFFC00;
	s10 =	simm.s32 $0x1F900;
	s2 =	sadd.s32 s1, s31  }
0x79: {  	[tilespmem:s10], [sflag:$0xA] =	stream.strided.gather [hbm4b:s2+s0], $0x400, s3, s0, $0x38;
	[tilespmem:$0x1FD00] =	vst v63  }
0x7a: {  	_ =	swait.ge [sflag:s11], $0x400  }
0x7b: {  	[sflag:s11] =	ssyncset.done $0x0  }
0x7c: {  	s2 =	simm.s32 $0x1D940;
	[sflag:s11] =	ssyncadd.s32 $0xFFFFFC00  }
0x7d: {  	v0 =	vld [tilespmem:s2+$0x30]  }
0x7e: {  	v1 =	vld [tilespmem:s2+$0xFFFFFFD0]  }
0x7f: {  	v2 =	vld [tilespmem:s2+$0xFFFFFFE0]  }
0x80: {  	v3 =	vld [tilespmem:s2+$0xFFFFFFF0]  }
0x81: {  	v6 =	vld [tilespmem:s2+$0x0]  }
0x82: {  	v7 =	vld [tilespmem:s2+$0x10]  }
0x83: {  	v8 =	vld [tilespmem:s2+$0x20]  }
0x84: {  	v9 =	vld [tilespmem:s2+$0xFFFFFFC0]  }
0x85: {  	v10 =	vld.idx.msk [tilespmem:v0+s6+$0x0], $0xffff  }
0x86: {  	v11 =	vld.idx.msk [tilespmem:v1+s6+$0x0], $0xffff  }
0x87: {  	v5 =	vld.idx.msk [tilespmem:v2+s6+$0x0], $0xffff  }
0x88: {  	v4 =	vld.idx.msk [tilespmem:v3+s6+$0x0], $0xffff  }
0x89: {  	v3 =	vld.idx.msk [tilespmem:v6+s6+$0x0], $0xffff  }
0x8a: {  	v2 =	vld.idx.msk [tilespmem:v7+s6+$0x0], $0xffff  }
0x8b: {  	v0 =	vld.idx.msk [tilespmem:v8+s6+$0x0], $0xffff;
	[tilespmem:s2+$0x30] =	vst v10  }
0x8c: {  	s7 =	sor.u32 $0x1, s29;
	s8 =	simm.s32 $0x1D9C0;
	s10 =	simm.s32 $0x0;
	v1 =	vld.idx.msk [tilespmem:v9+s6+$0x0], $0xffff;
	[tilespmem:s2+$0xFFFFFFD0] =	vst v11  }
.LBB2_5:
0x8d: {  	v6 =	vld [tilespmem:s8+$0x30];
	s10 =	sadd.s32 $0x8, s10;
	[tilespmem:s2+$0xFFFFFFE0] =	vst v5  }
0x8e: {  	v5 =	vld [tilespmem:s8+$0xFFFFFFD0];
	p0 =	slt.u32 s10, $0x38;
	[tilespmem:s2+$0xFFFFFFF0] =	vst v4  }
0x8f: {  	v4 =	vld [tilespmem:s8+$0xFFFFFFE0];
	[tilespmem:s2+$0x0] =	vst v3  }
0x90: {  	v3 =	vld [tilespmem:s8+$0xFFFFFFF0];
	[tilespmem:s2+$0x10] =	vst v2  }
0x91: {  	v2 =	vld [tilespmem:s8+$0x0];
	[tilespmem:s2+$0x20] =	vst v0  }
0x92: {  	v0 =	vld [tilespmem:s8+$0x10];
	[tilespmem:s2+$0xFFFFFFC0] =	vst v1;
	s2 =	smov.u32 s8  }
0x93: {  	v1 =	vld [tilespmem:s8+$0x20]  }
0x94: {  	v7 =	vld [tilespmem:s8+$0xFFFFFFC0]  }
0x95: {  	v6 =	vld.idx.msk [tilespmem:v6+s6+$0x0], $0xffff  }
0x96: {  	v8 =	vld.idx.msk [tilespmem:v5+s6+$0x0], $0xffff  }
0x97: {  	v5 =	vld.idx.msk [tilespmem:v4+s6+$0x0], $0xffff  }
.Ltmp1:
0x98: {  	v4 =	vld.idx.msk [tilespmem:v3+s6+$0x0], $0xffff;
	(pc) =	sbr.rel @p0 .LBB2_5-.Ltmp1, $4  }
0x99: {  	v3 =	vld.idx.msk [tilespmem:v2+s6+$0x0], $0xffff  }
0x9a: {  	v2 =	vld.idx.msk [tilespmem:v0+s6+$0x0], $0xffff  }
0x9b: {  	v0 =	vld.idx.msk [tilespmem:v1+s6+$0x0], $0xffff;
	[tilespmem:s8+$0x30] =	vst v6  }
0x9c: {  	s8 =	sadd.s32 $0x80, s8;
	v1 =	vld.idx.msk [tilespmem:v7+s6+$0x0], $0xffff;
	[tilespmem:s2+$0xFFFFFFD0] =	vst v8  }
0x9d: {  	[tilespmem:s2+$0xFFFFFFE0] =	vst v5  }
0x9e: {  	[tilespmem:s2+$0xFFFFFFF0] =	vst v4;
	s7 =	sadd.s32 s5, s7  }
0x9f: {  	[tilespmem:s2+$0x0] =	vst v3;
	s8 =	sshll.u32 s7, $0xA;
	s10 =	sshll.u32 s7, $0x7  }
0xa0: {  	s7 =	sand.u32 $0x70, s7;
	[tilespmem:s2+$0x10] =	vst v2;
	s8 =	sand.u32 $0x3C00, s8;
	s10 =	sand.u32 $0xFFFC000, s10  }
0xa1: {  	s7 =	sadd.s32 s4, s7;
	[tilespmem:s2+$0x20] =	vst v0;
	s8 =	sor.u32 s8, s10  }
0xa2: {  	s10 =	simm.s32 $0x1D900;
	[tilespmem:s2+$0xFFFFFFC0] =	vst v1;
	s8 =	sadd.s32 s8, s7  }
0xa3: {  	[hbm4b:s8+s0] =	stream.strided.scatter [tilespmem:s10], [sflag:$0xC], $0x400, s3, s0, $0x38;
	[tilespmem:$0x1FD00] =	vst v63  }
0xa4: {  	p0 =	seq.s32 s28, $0x9;
	s2 =	rddreg [dreg:$0x12]  }
0xa5: {  	s10 =	simm.s32 @!p0 $0x1D500;
	s2 =	sadd.s32 @!p0 s29, s2;
	_ =	swait.ge [sflag:s13], $0x400  }
0xa6: {  	s7 =	sshll.u32 @!p0 s2, $0x7;
	s8 =	sshll.u32 @!p0 s2, $0xA;
	s2 =	sand.u32 @!p0 $0x70, s2  }
0xa7: {  	[sflag:s13] =	ssyncset.done $0x0;
	s7 =	sand.u32 @!p0 $0xFFFC000, s7;
	s8 =	sand.u32 @!p0 $0x3800, s8  }
0xa8: {  	s2 =	sadd.s32 @!p0 s1, s2;
	[sflag:s13] =	ssyncadd.s32 $0xFFFFFC00;
	s7 =	sor.u32 @!p0 s8, s7  }
0xa9: {  	s8 =	simm.s32 @!p0 $0x400;
	s2 =	sadd.s32 @!p0 s7, s2;
	s7 =	simm.s32 @!p0 $0x80  }
0xaa: {  	[tilespmem:s10], [sflag:$0x1] =	stream.strided.gather @!p0 [hbm4b:s2+s7], $0x400, s8, s7, $0x38;
	[tilespmem:$0x1FD00] =	vst v63  }
0xab: {  	_ =	swait.ge [sflag:s15], $0x400  }
0xac: {  	[sflag:s15] =	ssyncset.done $0x0  }
0xad: {  	s2 =	simm.s32 $0x1DD40;
	[sflag:s15] =	ssyncadd.s32 $0xFFFFFC00  }
0xae: {  	v0 =	vld [tilespmem:s2+$0x30]  }
0xaf: {  	v1 =	vld [tilespmem:s2+$0xFFFFFFD0]  }
0xb0: {  	v2 =	vld [tilespmem:s2+$0xFFFFFFE0]  }
0xb1: {  	v3 =	vld [tilespmem:s2+$0xFFFFFFF0]  }
0xb2: {  	v6 =	vld [tilespmem:s2+$0x0]  }
0xb3: {  	v7 =	vld [tilespmem:s2+$0x10]  }
0xb4: {  	v8 =	vld [tilespmem:s2+$0x20]  }
0xb5: {  	v9 =	vld [tilespmem:s2+$0xFFFFFFC0]  }
0xb6: {  	v10 =	vld.idx.msk [tilespmem:v0+s6+$0x0], $0xffff  }
0xb7: {  	v11 =	vld.idx.msk [tilespmem:v1+s6+$0x0], $0xffff  }
0xb8: {  	v5 =	vld.idx.msk [tilespmem:v2+s6+$0x0], $0xffff  }
0xb9: {  	v4 =	vld.idx.msk [tilespmem:v3+s6+$0x0], $0xffff  }
0xba: {  	v3 =	vld.idx.msk [tilespmem:v6+s6+$0x0], $0xffff  }
0xbb: {  	v2 =	vld.idx.msk [tilespmem:v7+s6+$0x0], $0xffff  }
0xbc: {  	v0 =	vld.idx.msk [tilespmem:v8+s6+$0x0], $0xffff;
	[tilespmem:s2+$0x30] =	vst v10  }
0xbd: {  	s7 =	simm.s32 $0x0;
	s8 =	simm.s32 $0x1DDC0;
	v1 =	vld.idx.msk [tilespmem:v9+s6+$0x0], $0xffff;
	[tilespmem:s2+$0xFFFFFFD0] =	vst v11  }
.LBB2_7:
0xbe: {  	v6 =	vld [tilespmem:s8+$0x30];
	s7 =	sadd.s32 $0x8, s7;
	[tilespmem:s2+$0xFFFFFFE0] =	vst v5  }
0xbf: {  	v5 =	vld [tilespmem:s8+$0xFFFFFFD0];
	p1 =	slt.u32 s7, $0x38;
	[tilespmem:s2+$0xFFFFFFF0] =	vst v4  }
0xc0: {  	v4 =	vld [tilespmem:s8+$0xFFFFFFE0];
	[tilespmem:s2+$0x0] =	vst v3  }
0xc1: {  	v3 =	vld [tilespmem:s8+$0xFFFFFFF0];
	[tilespmem:s2+$0x10] =	vst v2  }
0xc2: {  	v2 =	vld [tilespmem:s8+$0x0];
	[tilespmem:s2+$0x20] =	vst v0  }
0xc3: {  	v0 =	vld [tilespmem:s8+$0x10];
	[tilespmem:s2+$0xFFFFFFC0] =	vst v1;
	s2 =	smov.u32 s8  }
0xc4: {  	v1 =	vld [tilespmem:s8+$0x20]  }
0xc5: {  	v7 =	vld [tilespmem:s8+$0xFFFFFFC0]  }
0xc6: {  	v6 =	vld.idx.msk [tilespmem:v6+s6+$0x0], $0xffff  }
0xc7: {  	v8 =	vld.idx.msk [tilespmem:v5+s6+$0x0], $0xffff  }
0xc8: {  	v5 =	vld.idx.msk [tilespmem:v4+s6+$0x0], $0xffff  }
.Ltmp2:
0xc9: {  	v4 =	vld.idx.msk [tilespmem:v3+s6+$0x0], $0xffff;
	(pc) =	sbr.rel @p1 .LBB2_7-.Ltmp2, $4  }
0xca: {  	v3 =	vld.idx.msk [tilespmem:v2+s6+$0x0], $0xffff  }
0xcb: {  	v2 =	vld.idx.msk [tilespmem:v0+s6+$0x0], $0xffff  }
0xcc: {  	v0 =	vld.idx.msk [tilespmem:v1+s6+$0x0], $0xffff;
	[tilespmem:s8+$0x30] =	vst v6  }
0xcd: {  	s8 =	sadd.s32 $0x80, s8;
	v1 =	vld.idx.msk [tilespmem:v7+s6+$0x0], $0xffff;
	[tilespmem:s2+$0xFFFFFFD0] =	vst v8  }
0xce: {  	[tilespmem:s2+$0xFFFFFFE0] =	vst v5  }
0xcf: {  	[tilespmem:s2+$0xFFFFFFF0] =	vst v4  }
0xd0: {  	s7 =	rddreg [dreg:$0x13];
	[tilespmem:s2+$0x0] =	vst v3  }
0xd1: {  	s7 =	sadd.s32 s29, s7;
	[tilespmem:s2+$0x10] =	vst v2  }
0xd2: {  	s8 =	sshll.u32 s7, $0xA;
	s10 =	sshll.u32 s7, $0x7;
	[tilespmem:s2+$0x20] =	vst v0  }
0xd3: {  	s7 =	sand.u32 $0x70, s7;
	s8 =	sand.u32 $0x3800, s8;
	s10 =	sand.u32 $0xFFFC000, s10;
	[tilespmem:s2+$0xFFFFFFC0] =	vst v1  }
0xd4: {  	s7 =	sadd.s32 s4, s7;
	s8 =	sor.u32 s8, s10;
	s2 =	rddreg [dreg:$0x14]  }
0xd5: {  	s10 =	simm.s32 $0x1DD00;
	s8 =	sadd.s32 s8, s7;
	s2 =	sadd.s32 @!p0 s29, s2  }
0xd6: {  	[hbm4b:s8+s0] =	stream.strided.scatter [tilespmem:s10], [sflag:$0xD], $0x400, s3, s0, $0x38;
	[tilespmem:$0x1FD00] =	vst v63  }
0xd7: {  	s7 =	sshll.u32 @!p0 s2, $0x7;
	s8 =	sshll.u32 @!p0 s2, $0xA  }
0xd8: {  	s2 =	sand.u32 @!p0 $0x70, s2;
	s10 =	simm.s32 @!p0 $0x1D900;
	_ =	swait.ge [sflag:s17], $0x400  }
0xd9: {  	s7 =	sand.u32 @!p0 $0xFFFC000, s7;
	s8 =	sand.u32 @!p0 $0x3C00, s8;
	s2 =	sadd.s32 @!p0 s1, s2  }
0xda: {  	[sflag:s17] =	ssyncset.done $0x0;
	s7 =	sor.u32 @!p0 s8, s7;
	s8 =	simm.s32 @!p0 $0x400  }
0xdb: {  	[sflag:s17] =	ssyncadd.s32 $0xFFFFFC00;
	s2 =	sadd.s32 @!p0 s7, s2;
	s7 =	simm.s32 @!p0 $0x80  }
0xdc: {  	[tilespmem:s10], [sflag:$0x2] =	stream.strided.gather @!p0 [hbm4b:s2+s7], $0x400, s8, s7, $0x38;
	[tilespmem:$0x1FD00] =	vst v63  }
0xdd: {  	_ =	swait.ge [sflag:s18], $0x400  }
0xde: {  	[sflag:s18] =	ssyncset.done $0x0  }
0xdf: {  	s2 =	simm.s32 $0x1E140;
	[sflag:s18] =	ssyncadd.s32 $0xFFFFFC00  }
0xe0: {  	v0 =	vld [tilespmem:s2+$0x30]  }
0xe1: {  	v1 =	vld [tilespmem:s2+$0xFFFFFFD0]  }
0xe2: {  	v2 =	vld [tilespmem:s2+$0xFFFFFFE0]  }
0xe3: {  	v3 =	vld [tilespmem:s2+$0xFFFFFFF0]  }
0xe4: {  	v6 =	vld [tilespmem:s2+$0x0]  }
0xe5: {  	v7 =	vld [tilespmem:s2+$0x10]  }
0xe6: {  	v8 =	vld [tilespmem:s2+$0x20]  }
0xe7: {  	v9 =	vld [tilespmem:s2+$0xFFFFFFC0]  }
0xe8: {  	v10 =	vld.idx.msk [tilespmem:v0+s6+$0x0], $0xffff  }
0xe9: {  	v11 =	vld.idx.msk [tilespmem:v1+s6+$0x0], $0xffff  }
0xea: {  	v5 =	vld.idx.msk [tilespmem:v2+s6+$0x0], $0xffff  }
0xeb: {  	v4 =	vld.idx.msk [tilespmem:v3+s6+$0x0], $0xffff  }
0xec: {  	v3 =	vld.idx.msk [tilespmem:v6+s6+$0x0], $0xffff  }
0xed: {  	v2 =	vld.idx.msk [tilespmem:v7+s6+$0x0], $0xffff  }
0xee: {  	v0 =	vld.idx.msk [tilespmem:v8+s6+$0x0], $0xffff;
	[tilespmem:s2+$0x30] =	vst v10  }
0xef: {  	s7 =	simm.s32 $0x0;
	s8 =	simm.s32 $0x1E1C0;
	v1 =	vld.idx.msk [tilespmem:v9+s6+$0x0], $0xffff;
	[tilespmem:s2+$0xFFFFFFD0] =	vst v11  }
.LBB2_9:
0xf0: {  	v6 =	vld [tilespmem:s8+$0x30];
	s7 =	sadd.s32 $0x8, s7;
	[tilespmem:s2+$0xFFFFFFE0] =	vst v5  }
0xf1: {  	v5 =	vld [tilespmem:s8+$0xFFFFFFD0];
	p1 =	slt.u32 s7, $0x38;
	[tilespmem:s2+$0xFFFFFFF0] =	vst v4  }
0xf2: {  	v4 =	vld [tilespmem:s8+$0xFFFFFFE0];
	[tilespmem:s2+$0x0] =	vst v3  }
0xf3: {  	v3 =	vld [tilespmem:s8+$0xFFFFFFF0];
	[tilespmem:s2+$0x10] =	vst v2  }
0xf4: {  	v2 =	vld [tilespmem:s8+$0x0];
	[tilespmem:s2+$0x20] =	vst v0  }
0xf5: {  	v0 =	vld [tilespmem:s8+$0x10];
	[tilespmem:s2+$0xFFFFFFC0] =	vst v1;
	s2 =	smov.u32 s8  }
0xf6: {  	v1 =	vld [tilespmem:s8+$0x20]  }
0xf7: {  	v7 =	vld [tilespmem:s8+$0xFFFFFFC0]  }
0xf8: {  	v6 =	vld.idx.msk [tilespmem:v6+s6+$0x0], $0xffff  }
0xf9: {  	v8 =	vld.idx.msk [tilespmem:v5+s6+$0x0], $0xffff  }
0xfa: {  	v5 =	vld.idx.msk [tilespmem:v4+s6+$0x0], $0xffff  }
.Ltmp3:
0xfb: {  	v4 =	vld.idx.msk [tilespmem:v3+s6+$0x0], $0xffff;
	(pc) =	sbr.rel @p1 .LBB2_9-.Ltmp3, $4  }
0xfc: {  	v3 =	vld.idx.msk [tilespmem:v2+s6+$0x0], $0xffff  }
0xfd: {  	v2 =	vld.idx.msk [tilespmem:v0+s6+$0x0], $0xffff  }
0xfe: {  	v0 =	vld.idx.msk [tilespmem:v1+s6+$0x0], $0xffff;
	[tilespmem:s8+$0x30] =	vst v6  }
0xff: {  	s8 =	sadd.s32 $0x80, s8;
	v1 =	vld.idx.msk [tilespmem:v7+s6+$0x0], $0xffff;
	[tilespmem:s2+$0xFFFFFFD0] =	vst v8  }
0x100: {  	[tilespmem:s2+$0xFFFFFFE0] =	vst v5  }
0x101: {  	[tilespmem:s2+$0xFFFFFFF0] =	vst v4  }
0x102: {  	s7 =	rddreg [dreg:$0x15];
	[tilespmem:s2+$0x0] =	vst v3  }
0x103: {  	s7 =	sadd.s32 s29, s7;
	[tilespmem:s2+$0x10] =	vst v2  }
0x104: {  	s8 =	sshll.u32 s7, $0xA;
	s10 =	sshll.u32 s7, $0x7;
	[tilespmem:s2+$0x20] =	vst v0  }
0x105: {  	s7 =	sand.u32 $0x70, s7;
	s8 =	sand.u32 $0x3C00, s8;
	s10 =	sand.u32 $0xFFFC000, s10;
	[tilespmem:s2+$0xFFFFFFC0] =	vst v1  }
0x106: {  	s7 =	sadd.s32 s4, s7;
	s8 =	sor.u32 s8, s10;
	s2 =	rddreg [dreg:$0x17]  }
0x107: {  	s10 =	simm.s32 $0x1E100;
	s8 =	sadd.s32 s8, s7;
	s2 =	sadd.s32 @!p0 s29, s2  }
0x108: {  	[hbm4b:s8+s0] =	stream.strided.scatter [tilespmem:s10], [sflag:$0xE], $0x400, s3, s0, $0x38;
	[tilespmem:$0x1FD00] =	vst v63  }
0x109: {  	s7 =	sshll.u32 @!p0 s2, $0x7;
	s8 =	sshll.u32 @!p0 s2, $0xA  }
0x10a: {  	s2 =	sand.u32 @!p0 $0x70, s2;
	s10 =	simm.s32 @!p0 $0x1DD00;
	_ =	swait.ge [sflag:s25], $0x400  }
0x10b: {  	s7 =	sand.u32 @!p0 $0xFFFC000, s7;
	s8 =	sand.u32 @!p0 $0x3800, s8;
	s2 =	sadd.s32 @!p0 s1, s2  }
0x10c: {  	[sflag:s25] =	ssyncset.done $0x0;
	s7 =	sor.u32 @!p0 s8, s7;
	s8 =	simm.s32 @!p0 $0x400  }
0x10d: {  	[sflag:s25] =	ssyncadd.s32 $0xFFFFFC00;
	s2 =	sadd.s32 @!p0 s7, s2;
	s7 =	simm.s32 @!p0 $0x80  }
0x10e: {  	[tilespmem:s10], [sflag:$0x3] =	stream.strided.gather @!p0 [hbm4b:s2+s7], $0x400, s8, s7, $0x38;
	[tilespmem:$0x1FD00] =	vst v63  }
0x10f: {  	_ =	swait.ge [sflag:s9], $0x400  }
0x110: {  	[sflag:s9] =	ssyncset.done $0x0  }
0x111: {  	s2 =	simm.s32 $0x1E540;
	[sflag:s9] =	ssyncadd.s32 $0xFFFFFC00  }
0x112: {  	v0 =	vld [tilespmem:s2+$0x30]  }
0x113: {  	v1 =	vld [tilespmem:s2+$0xFFFFFFD0]  }
0x114: {  	v2 =	vld [tilespmem:s2+$0xFFFFFFE0]  }
0x115: {  	v3 =	vld [tilespmem:s2+$0xFFFFFFF0]  }
0x116: {  	v6 =	vld [tilespmem:s2+$0x0]  }
0x117: {  	v7 =	vld [tilespmem:s2+$0x10]  }
0x118: {  	v8 =	vld [tilespmem:s2+$0x20]  }
0x119: {  	v9 =	vld [tilespmem:s2+$0xFFFFFFC0]  }
0x11a: {  	v10 =	vld.idx.msk [tilespmem:v0+s6+$0x0], $0xffff  }
0x11b: {  	v11 =	vld.idx.msk [tilespmem:v1+s6+$0x0], $0xffff  }
0x11c: {  	v5 =	vld.idx.msk [tilespmem:v2+s6+$0x0], $0xffff  }
0x11d: {  	v4 =	vld.idx.msk [tilespmem:v3+s6+$0x0], $0xffff  }
0x11e: {  	v3 =	vld.idx.msk [tilespmem:v6+s6+$0x0], $0xffff  }
0x11f: {  	v2 =	vld.idx.msk [tilespmem:v7+s6+$0x0], $0xffff  }
0x120: {  	v0 =	vld.idx.msk [tilespmem:v8+s6+$0x0], $0xffff;
	[tilespmem:s2+$0x30] =	vst v10  }
0x121: {  	s7 =	simm.s32 $0x0;
	s8 =	simm.s32 $0x1E5C0;
	v1 =	vld.idx.msk [tilespmem:v9+s6+$0x0], $0xffff;
	[tilespmem:s2+$0xFFFFFFD0] =	vst v11  }
.LBB2_11:
0x122: {  	v6 =	vld [tilespmem:s8+$0x30];
	s7 =	sadd.s32 $0x8, s7;
	[tilespmem:s2+$0xFFFFFFE0] =	vst v5  }
0x123: {  	v5 =	vld [tilespmem:s8+$0xFFFFFFD0];
	p1 =	slt.u32 s7, $0x38;
	[tilespmem:s2+$0xFFFFFFF0] =	vst v4  }
0x124: {  	v4 =	vld [tilespmem:s8+$0xFFFFFFE0];
	[tilespmem:s2+$0x0] =	vst v3  }
0x125: {  	v3 =	vld [tilespmem:s8+$0xFFFFFFF0];
	[tilespmem:s2+$0x10] =	vst v2  }
0x126: {  	v2 =	vld [tilespmem:s8+$0x0];
	[tilespmem:s2+$0x20] =	vst v0  }
0x127: {  	v0 =	vld [tilespmem:s8+$0x10];
	[tilespmem:s2+$0xFFFFFFC0] =	vst v1;
	s2 =	smov.u32 s8  }
0x128: {  	v1 =	vld [tilespmem:s8+$0x20]  }
0x129: {  	v7 =	vld [tilespmem:s8+$0xFFFFFFC0]  }
0x12a: {  	v6 =	vld.idx.msk [tilespmem:v6+s6+$0x0], $0xffff  }
0x12b: {  	v8 =	vld.idx.msk [tilespmem:v5+s6+$0x0], $0xffff  }
0x12c: {  	v5 =	vld.idx.msk [tilespmem:v4+s6+$0x0], $0xffff  }
.Ltmp4:
0x12d: {  	v4 =	vld.idx.msk [tilespmem:v3+s6+$0x0], $0xffff;
	(pc) =	sbr.rel @p1 .LBB2_11-.Ltmp4, $4  }
0x12e: {  	v3 =	vld.idx.msk [tilespmem:v2+s6+$0x0], $0xffff  }
0x12f: {  	v2 =	vld.idx.msk [tilespmem:v0+s6+$0x0], $0xffff  }
0x130: {  	v0 =	vld.idx.msk [tilespmem:v1+s6+$0x0], $0xffff;
	[tilespmem:s8+$0x30] =	vst v6  }
0x131: {  	s8 =	sadd.s32 $0x80, s8;
	v1 =	vld.idx.msk [tilespmem:v7+s6+$0x0], $0xffff;
	[tilespmem:s2+$0xFFFFFFD0] =	vst v8  }
0x132: {  	[tilespmem:s2+$0xFFFFFFE0] =	vst v5  }
0x133: {  	[tilespmem:s2+$0xFFFFFFF0] =	vst v4  }
0x134: {  	s7 =	rddreg [dreg:$0x6];
	[tilespmem:s2+$0x0] =	vst v3  }
0x135: {  	s7 =	sadd.s32 s29, s7;
	[tilespmem:s2+$0x10] =	vst v2  }
0x136: {  	s8 =	sshll.u32 s7, $0xA;
	s10 =	sshll.u32 s7, $0x7;
	[tilespmem:s2+$0x20] =	vst v0  }
0x137: {  	s7 =	sand.u32 $0x70, s7;
	s8 =	sand.u32 $0x3800, s8;
	s10 =	sand.u32 $0xFFFC000, s10;
	[tilespmem:s2+$0xFFFFFFC0] =	vst v1  }
0x138: {  	s7 =	sadd.s32 s4, s7;
	s8 =	sor.u32 s8, s10;
	s2 =	rddreg [dreg:$0x18]  }
0x139: {  	s10 =	simm.s32 $0x1E500;
	s8 =	sadd.s32 s8, s7;
	s2 =	sadd.s32 @!p0 s29, s2  }
0x13a: {  	[hbm4b:s8+s0] =	stream.strided.scatter [tilespmem:s10], [sflag:$0xF], $0x400, s3, s0, $0x38;
	[tilespmem:$0x1FD00] =	vst v63  }
0x13b: {  	s7 =	sshll.u32 @!p0 s2, $0x7;
	s8 =	sshll.u32 @!p0 s2, $0xA  }
0x13c: {  	s2 =	sand.u32 @!p0 $0x70, s2;
	s10 =	simm.s32 @!p0 $0x1E100;
	_ =	swait.ge [sflag:s12], $0x400  }
0x13d: {  	s7 =	sand.u32 @!p0 $0xFFFC000, s7;
	s8 =	sand.u32 @!p0 $0x3C00, s8;
	s2 =	sadd.s32 @!p0 s1, s2  }
0x13e: {  	[sflag:s12] =	ssyncset.done $0x0;
	s7 =	sor.u32 @!p0 s8, s7;
	s8 =	simm.s32 @!p0 $0x400  }
0x13f: {  	[sflag:s12] =	ssyncadd.s32 $0xFFFFFC00;
	s2 =	sadd.s32 @!p0 s7, s2;
	s7 =	simm.s32 @!p0 $0x80  }
0x140: {  	[tilespmem:s10], [sflag:$0x4] =	stream.strided.gather @!p0 [hbm4b:s2+s7], $0x400, s8, s7, $0x38;
	[tilespmem:$0x1FD00] =	vst v63  }
0x141: {  	_ =	swait.ge [sflag:s14], $0x400  }
0x142: {  	[sflag:s14] =	ssyncset.done $0x0  }
0x143: {  	s2 =	simm.s32 $0x1E940;
	[sflag:s14] =	ssyncadd.s32 $0xFFFFFC00  }
0x144: {  	v0 =	vld [tilespmem:s2+$0x30]  }
0x145: {  	v1 =	vld [tilespmem:s2+$0xFFFFFFD0]  }
0x146: {  	v2 =	vld [tilespmem:s2+$0xFFFFFFE0]  }
0x147: {  	v3 =	vld [tilespmem:s2+$0xFFFFFFF0]  }
0x148: {  	v6 =	vld [tilespmem:s2+$0x0]  }
0x149: {  	v7 =	vld [tilespmem:s2+$0x10]  }
0x14a: {  	v8 =	vld [tilespmem:s2+$0x20]  }
0x14b: {  	v9 =	vld [tilespmem:s2+$0xFFFFFFC0]  }
0x14c: {  	v10 =	vld.idx.msk [tilespmem:v0+s6+$0x0], $0xffff  }
0x14d: {  	v11 =	vld.idx.msk [tilespmem:v1+s6+$0x0], $0xffff  }
0x14e: {  	v5 =	vld.idx.msk [tilespmem:v2+s6+$0x0], $0xffff  }
0x14f: {  	v4 =	vld.idx.msk [tilespmem:v3+s6+$0x0], $0xffff  }
0x150: {  	v3 =	vld.idx.msk [tilespmem:v6+s6+$0x0], $0xffff  }
0x151: {  	v2 =	vld.idx.msk [tilespmem:v7+s6+$0x0], $0xffff  }
0x152: {  	v0 =	vld.idx.msk [tilespmem:v8+s6+$0x0], $0xffff;
	[tilespmem:s2+$0x30] =	vst v10  }
0x153: {  	s7 =	simm.s32 $0x0;
	s8 =	simm.s32 $0x1E9C0;
	v1 =	vld.idx.msk [tilespmem:v9+s6+$0x0], $0xffff;
	[tilespmem:s2+$0xFFFFFFD0] =	vst v11  }
.LBB2_13:
0x154: {  	v6 =	vld [tilespmem:s8+$0x30];
	s7 =	sadd.s32 $0x8, s7;
	[tilespmem:s2+$0xFFFFFFE0] =	vst v5  }
0x155: {  	v5 =	vld [tilespmem:s8+$0xFFFFFFD0];
	p1 =	slt.u32 s7, $0x38;
	[tilespmem:s2+$0xFFFFFFF0] =	vst v4  }
0x156: {  	v4 =	vld [tilespmem:s8+$0xFFFFFFE0];
	[tilespmem:s2+$0x0] =	vst v3  }
0x157: {  	v3 =	vld [tilespmem:s8+$0xFFFFFFF0];
	[tilespmem:s2+$0x10] =	vst v2  }
0x158: {  	v2 =	vld [tilespmem:s8+$0x0];
	[tilespmem:s2+$0x20] =	vst v0  }
0x159: {  	v0 =	vld [tilespmem:s8+$0x10];
	[tilespmem:s2+$0xFFFFFFC0] =	vst v1;
	s2 =	smov.u32 s8  }
0x15a: {  	v1 =	vld [tilespmem:s8+$0x20]  }
0x15b: {  	v7 =	vld [tilespmem:s8+$0xFFFFFFC0]  }
0x15c: {  	v6 =	vld.idx.msk [tilespmem:v6+s6+$0x0], $0xffff  }
0x15d: {  	v8 =	vld.idx.msk [tilespmem:v5+s6+$0x0], $0xffff  }
0x15e: {  	v5 =	vld.idx.msk [tilespmem:v4+s6+$0x0], $0xffff  }
.Ltmp5:
0x15f: {  	v4 =	vld.idx.msk [tilespmem:v3+s6+$0x0], $0xffff;
	(pc) =	sbr.rel @p1 .LBB2_13-.Ltmp5, $4  }
0x160: {  	v3 =	vld.idx.msk [tilespmem:v2+s6+$0x0], $0xffff  }
0x161: {  	v2 =	vld.idx.msk [tilespmem:v0+s6+$0x0], $0xffff  }
0x162: {  	v0 =	vld.idx.msk [tilespmem:v1+s6+$0x0], $0xffff;
	[tilespmem:s8+$0x30] =	vst v6  }
0x163: {  	s8 =	sadd.s32 $0x80, s8;
	v1 =	vld.idx.msk [tilespmem:v7+s6+$0x0], $0xffff;
	[tilespmem:s2+$0xFFFFFFD0] =	vst v8  }
0x164: {  	[tilespmem:s2+$0xFFFFFFE0] =	vst v5  }
0x165: {  	[tilespmem:s2+$0xFFFFFFF0] =	vst v4  }
0x166: {  	s7 =	rddreg [dreg:$0x9];
	[tilespmem:s2+$0x0] =	vst v3  }
0x167: {  	s7 =	sadd.s32 s29, s7;
	[tilespmem:s2+$0x10] =	vst v2  }
0x168: {  	s8 =	sshll.u32 s7, $0xA;
	s10 =	sshll.u32 s7, $0x7;
	[tilespmem:s2+$0x20] =	vst v0  }
0x169: {  	s7 =	sand.u32 $0x70, s7;
	s8 =	sand.u32 $0x3C00, s8;
	s10 =	sand.u32 $0xFFFC000, s10;
	[tilespmem:s2+$0xFFFFFFC0] =	vst v1  }
0x16a: {  	s7 =	sadd.s32 s4, s7;
	s8 =	sor.u32 s8, s10;
	s2 =	rddreg [dreg:$0x19]  }
0x16b: {  	s10 =	simm.s32 $0x1E900;
	s8 =	sadd.s32 s8, s7;
	s2 =	sadd.s32 @!p0 s29, s2  }
0x16c: {  	[hbm4b:s8+s0] =	stream.strided.scatter [tilespmem:s10], [sflag:$0x10], $0x400, s3, s0, $0x38;
	[tilespmem:$0x1FD00] =	vst v63  }
0x16d: {  	s7 =	sshll.u32 @!p0 s2, $0x7;
	s8 =	sshll.u32 @!p0 s2, $0xA  }
0x16e: {  	s2 =	sand.u32 @!p0 $0x70, s2;
	s10 =	simm.s32 @!p0 $0x1E500;
	_ =	swait.ge [sflag:s16], $0x400  }
0x16f: {  	s7 =	sand.u32 @!p0 $0xFFFC000, s7;
	s8 =	sand.u32 @!p0 $0x3800, s8;
	s2 =	sadd.s32 @!p0 s1, s2  }
0x170: {  	[sflag:s16] =	ssyncset.done $0x0;
	s7 =	sor.u32 @!p0 s8, s7;
	s8 =	simm.s32 @!p0 $0x400  }
0x171: {  	[sflag:s16] =	ssyncadd.s32 $0xFFFFFC00;
	s2 =	sadd.s32 @!p0 s7, s2;
	s7 =	simm.s32 @!p0 $0x80  }
0x172: {  	[tilespmem:s10], [sflag:$0x5] =	stream.strided.gather @!p0 [hbm4b:s2+s7], $0x400, s8, s7, $0x38;
	[tilespmem:$0x1FD00] =	vst v63  }
0x173: {  	_ =	swait.ge [sflag:s19], $0x400  }
0x174: {  	[sflag:s19] =	ssyncset.done $0x0  }
0x175: {  	s2 =	simm.s32 $0x1ED40;
	[sflag:s19] =	ssyncadd.s32 $0xFFFFFC00  }
0x176: {  	v0 =	vld [tilespmem:s2+$0x30]  }
0x177: {  	v1 =	vld [tilespmem:s2+$0xFFFFFFD0]  }
0x178: {  	v2 =	vld [tilespmem:s2+$0xFFFFFFE0]  }
0x179: {  	v3 =	vld [tilespmem:s2+$0xFFFFFFF0]  }
0x17a: {  	v6 =	vld [tilespmem:s2+$0x0]  }
0x17b: {  	v7 =	vld [tilespmem:s2+$0x10]  }
0x17c: {  	v8 =	vld [tilespmem:s2+$0x20]  }
0x17d: {  	v9 =	vld [tilespmem:s2+$0xFFFFFFC0]  }
0x17e: {  	v10 =	vld.idx.msk [tilespmem:v0+s6+$0x0], $0xffff  }
0x17f: {  	v11 =	vld.idx.msk [tilespmem:v1+s6+$0x0], $0xffff  }
0x180: {  	v5 =	vld.idx.msk [tilespmem:v2+s6+$0x0], $0xffff  }
0x181: {  	v4 =	vld.idx.msk [tilespmem:v3+s6+$0x0], $0xffff  }
0x182: {  	v3 =	vld.idx.msk [tilespmem:v6+s6+$0x0], $0xffff  }
0x183: {  	v2 =	vld.idx.msk [tilespmem:v7+s6+$0x0], $0xffff  }
0x184: {  	v0 =	vld.idx.msk [tilespmem:v8+s6+$0x0], $0xffff;
	[tilespmem:s2+$0x30] =	vst v10  }
0x185: {  	s7 =	simm.s32 $0x0;
	s8 =	simm.s32 $0x1EDC0;
	v1 =	vld.idx.msk [tilespmem:v9+s6+$0x0], $0xffff;
	[tilespmem:s2+$0xFFFFFFD0] =	vst v11  }
.LBB2_15:
0x186: {  	v6 =	vld [tilespmem:s8+$0x30];
	s7 =	sadd.s32 $0x8, s7;
	[tilespmem:s2+$0xFFFFFFE0] =	vst v5  }
0x187: {  	v5 =	vld [tilespmem:s8+$0xFFFFFFD0];
	p1 =	slt.u32 s7, $0x38;
	[tilespmem:s2+$0xFFFFFFF0] =	vst v4  }
0x188: {  	v4 =	vld [tilespmem:s8+$0xFFFFFFE0];
	[tilespmem:s2+$0x0] =	vst v3  }
0x189: {  	v3 =	vld [tilespmem:s8+$0xFFFFFFF0];
	[tilespmem:s2+$0x10] =	vst v2  }
0x18a: {  	v2 =	vld [tilespmem:s8+$0x0];
	[tilespmem:s2+$0x20] =	vst v0  }
0x18b: {  	v0 =	vld [tilespmem:s8+$0x10];
	[tilespmem:s2+$0xFFFFFFC0] =	vst v1;
	s2 =	smov.u32 s8  }
0x18c: {  	v1 =	vld [tilespmem:s8+$0x20]  }
0x18d: {  	v7 =	vld [tilespmem:s8+$0xFFFFFFC0]  }
0x18e: {  	v6 =	vld.idx.msk [tilespmem:v6+s6+$0x0], $0xffff  }
0x18f: {  	v8 =	vld.idx.msk [tilespmem:v5+s6+$0x0], $0xffff  }
0x190: {  	v5 =	vld.idx.msk [tilespmem:v4+s6+$0x0], $0xffff  }
.Ltmp6:
0x191: {  	v4 =	vld.idx.msk [tilespmem:v3+s6+$0x0], $0xffff;
	(pc) =	sbr.rel @p1 .LBB2_15-.Ltmp6, $4  }
0x192: {  	v3 =	vld.idx.msk [tilespmem:v2+s6+$0x0], $0xffff  }
0x193: {  	v2 =	vld.idx.msk [tilespmem:v0+s6+$0x0], $0xffff  }
0x194: {  	v0 =	vld.idx.msk [tilespmem:v1+s6+$0x0], $0xffff;
	[tilespmem:s8+$0x30] =	vst v6  }
0x195: {  	s8 =	sadd.s32 $0x80, s8;
	v1 =	vld.idx.msk [tilespmem:v7+s6+$0x0], $0xffff;
	[tilespmem:s2+$0xFFFFFFD0] =	vst v8  }
0x196: {  	[tilespmem:s2+$0xFFFFFFE0] =	vst v5  }
0x197: {  	[tilespmem:s2+$0xFFFFFFF0] =	vst v4  }
0x198: {  	s7 =	rddreg [dreg:$0xb];
	[tilespmem:s2+$0x0] =	vst v3  }
0x199: {  	s7 =	sadd.s32 s29, s7;
	[tilespmem:s2+$0x10] =	vst v2  }
0x19a: {  	s8 =	sshll.u32 s7, $0xA;
	s10 =	sshll.u32 s7, $0x7;
	[tilespmem:s2+$0x20] =	vst v0  }
0x19b: {  	s7 =	sand.u32 $0x70, s7;
	s8 =	sand.u32 $0x3800, s8;
	s10 =	sand.u32 $0xFFFC000, s10;
	[tilespmem:s2+$0xFFFFFFC0] =	vst v1  }
0x19c: {  	s7 =	sadd.s32 s4, s7;
	s8 =	sor.u32 s8, s10;
	s2 =	rddreg [dreg:$0x1a]  }
0x19d: {  	s10 =	simm.s32 $0x1ED00;
	s8 =	sadd.s32 s8, s7;
	s2 =	sadd.s32 @!p0 s29, s2  }
0x19e: {  	[hbm4b:s8+s0] =	stream.strided.scatter [tilespmem:s10], [sflag:$0x11], $0x400, s3, s0, $0x38;
	[tilespmem:$0x1FD00] =	vst v63  }
0x19f: {  	s7 =	sshll.u32 @!p0 s2, $0x7;
	s8 =	sshll.u32 @!p0 s2, $0xA  }
0x1a0: {  	s2 =	sand.u32 @!p0 $0x70, s2;
	s10 =	simm.s32 @!p0 $0x1E900;
	_ =	swait.ge [sflag:s20], $0x400  }
0x1a1: {  	s7 =	sand.u32 @!p0 $0xFFFC000, s7;
	s8 =	sand.u32 @!p0 $0x3C00, s8;
	s2 =	sadd.s32 @!p0 s1, s2  }
0x1a2: {  	[sflag:s20] =	ssyncset.done $0x0;
	s7 =	sor.u32 @!p0 s8, s7;
	s8 =	simm.s32 @!p0 $0x400  }
0x1a3: {  	[sflag:s20] =	ssyncadd.s32 $0xFFFFFC00;
	s2 =	sadd.s32 @!p0 s7, s2;
	s7 =	simm.s32 @!p0 $0x80  }
0x1a4: {  	[tilespmem:s10], [sflag:$0x6] =	stream.strided.gather @!p0 [hbm4b:s2+s7], $0x400, s8, s7, $0x38;
	[tilespmem:$0x1FD00] =	vst v63  }
0x1a5: {  	_ =	swait.ge [sflag:s21], $0x400  }
0x1a6: {  	[sflag:s21] =	ssyncset.done $0x0  }
0x1a7: {  	s2 =	simm.s32 $0x1F140;
	[sflag:s21] =	ssyncadd.s32 $0xFFFFFC00  }
0x1a8: {  	v0 =	vld [tilespmem:s2+$0x30]  }
0x1a9: {  	v1 =	vld [tilespmem:s2+$0xFFFFFFD0]  }
0x1aa: {  	v2 =	vld [tilespmem:s2+$0xFFFFFFE0]  }
0x1ab: {  	v3 =	vld [tilespmem:s2+$0xFFFFFFF0]  }
0x1ac: {  	v6 =	vld [tilespmem:s2+$0x0]  }
0x1ad: {  	v7 =	vld [tilespmem:s2+$0x10]  }
0x1ae: {  	v8 =	vld [tilespmem:s2+$0x20]  }
0x1af: {  	v9 =	vld [tilespmem:s2+$0xFFFFFFC0]  }
0x1b0: {  	v10 =	vld.idx.msk [tilespmem:v0+s6+$0x0], $0xffff  }
0x1b1: {  	v11 =	vld.idx.msk [tilespmem:v1+s6+$0x0], $0xffff  }
0x1b2: {  	v5 =	vld.idx.msk [tilespmem:v2+s6+$0x0], $0xffff  }
0x1b3: {  	v4 =	vld.idx.msk [tilespmem:v3+s6+$0x0], $0xffff  }
0x1b4: {  	v3 =	vld.idx.msk [tilespmem:v6+s6+$0x0], $0xffff  }
0x1b5: {  	v2 =	vld.idx.msk [tilespmem:v7+s6+$0x0], $0xffff  }
0x1b6: {  	v0 =	vld.idx.msk [tilespmem:v8+s6+$0x0], $0xffff;
	[tilespmem:s2+$0x30] =	vst v10  }
0x1b7: {  	s7 =	simm.s32 $0x0;
	s8 =	simm.s32 $0x1F1C0;
	v1 =	vld.idx.msk [tilespmem:v9+s6+$0x0], $0xffff;
	[tilespmem:s2+$0xFFFFFFD0] =	vst v11  }
.LBB2_17:
0x1b8: {  	v6 =	vld [tilespmem:s8+$0x30];
	s7 =	sadd.s32 $0x8, s7;
	[tilespmem:s2+$0xFFFFFFE0] =	vst v5  }
0x1b9: {  	v5 =	vld [tilespmem:s8+$0xFFFFFFD0];
	p1 =	slt.u32 s7, $0x38;
	[tilespmem:s2+$0xFFFFFFF0] =	vst v4  }
0x1ba: {  	v4 =	vld [tilespmem:s8+$0xFFFFFFE0];
	[tilespmem:s2+$0x0] =	vst v3  }
0x1bb: {  	v3 =	vld [tilespmem:s8+$0xFFFFFFF0];
	[tilespmem:s2+$0x10] =	vst v2  }
0x1bc: {  	v2 =	vld [tilespmem:s8+$0x0];
	[tilespmem:s2+$0x20] =	vst v0  }
0x1bd: {  	v0 =	vld [tilespmem:s8+$0x10];
	[tilespmem:s2+$0xFFFFFFC0] =	vst v1;
	s2 =	smov.u32 s8  }
0x1be: {  	v1 =	vld [tilespmem:s8+$0x20]  }
0x1bf: {  	v7 =	vld [tilespmem:s8+$0xFFFFFFC0]  }
0x1c0: {  	v6 =	vld.idx.msk [tilespmem:v6+s6+$0x0], $0xffff  }
0x1c1: {  	v8 =	vld.idx.msk [tilespmem:v5+s6+$0x0], $0xffff  }
0x1c2: {  	v5 =	vld.idx.msk [tilespmem:v4+s6+$0x0], $0xffff  }
.Ltmp7:
0x1c3: {  	v4 =	vld.idx.msk [tilespmem:v3+s6+$0x0], $0xffff;
	(pc) =	sbr.rel @p1 .LBB2_17-.Ltmp7, $4  }
0x1c4: {  	v3 =	vld.idx.msk [tilespmem:v2+s6+$0x0], $0xffff  }
0x1c5: {  	v2 =	vld.idx.msk [tilespmem:v0+s6+$0x0], $0xffff  }
0x1c6: {  	v0 =	vld.idx.msk [tilespmem:v1+s6+$0x0], $0xffff;
	[tilespmem:s8+$0x30] =	vst v6  }
0x1c7: {  	s8 =	sadd.s32 $0x80, s8;
	v1 =	vld.idx.msk [tilespmem:v7+s6+$0x0], $0xffff;
	[tilespmem:s2+$0xFFFFFFD0] =	vst v8  }
0x1c8: {  	[tilespmem:s2+$0xFFFFFFE0] =	vst v5  }
0x1c9: {  	[tilespmem:s2+$0xFFFFFFF0] =	vst v4  }
0x1ca: {  	s7 =	rddreg [dreg:$0xd];
	[tilespmem:s2+$0x0] =	vst v3  }
0x1cb: {  	s7 =	sadd.s32 s29, s7;
	[tilespmem:s2+$0x10] =	vst v2  }
0x1cc: {  	s8 =	sshll.u32 s7, $0xA;
	s10 =	sshll.u32 s7, $0x7;
	[tilespmem:s2+$0x20] =	vst v0  }
0x1cd: {  	s7 =	sand.u32 $0x70, s7;
	s8 =	sand.u32 $0x3C00, s8;
	s10 =	sand.u32 $0xFFFC000, s10;
	[tilespmem:s2+$0xFFFFFFC0] =	vst v1  }
0x1ce: {  	s7 =	sadd.s32 s4, s7;
	s8 =	sor.u32 s8, s10;
	s2 =	rddreg [dreg:$0x1b]  }
0x1cf: {  	s10 =	simm.s32 $0x1F100;
	s8 =	sadd.s32 s8, s7;
	s2 =	sadd.s32 @!p0 s29, s2  }
0x1d0: {  	[hbm4b:s8+s0] =	stream.strided.scatter [tilespmem:s10], [sflag:$0x12], $0x400, s3, s0, $0x38;
	[tilespmem:$0x1FD00] =	vst v63  }
0x1d1: {  	s7 =	sshll.u32 @!p0 s2, $0x7;
	s8 =	sshll.u32 @!p0 s2, $0xA  }
0x1d2: {  	s2 =	sand.u32 @!p0 $0x70, s2;
	s10 =	simm.s32 @!p0 $0x1ED00;
	_ =	swait.ge [sflag:s22], $0x400  }
0x1d3: {  	s7 =	sand.u32 @!p0 $0xFFFC000, s7;
	s8 =	sand.u32 @!p0 $0x3800, s8;
	s2 =	sadd.s32 @!p0 s1, s2  }
0x1d4: {  	[sflag:s22] =	ssyncset.done $0x0;
	s7 =	sor.u32 @!p0 s8, s7;
	s8 =	simm.s32 @!p0 $0x400  }
0x1d5: {  	[sflag:s22] =	ssyncadd.s32 $0xFFFFFC00;
	s2 =	sadd.s32 @!p0 s7, s2;
	s7 =	simm.s32 @!p0 $0x80  }
0x1d6: {  	[tilespmem:s10], [sflag:$0x7] =	stream.strided.gather @!p0 [hbm4b:s2+s7], $0x400, s8, s7, $0x38;
	[tilespmem:$0x1FD00] =	vst v63  }
0x1d7: {  	_ =	swait.ge [sflag:s23], $0x400  }
0x1d8: {  	[sflag:s23] =	ssyncset.done $0x0  }
0x1d9: {  	s2 =	simm.s32 $0x1F540;
	[sflag:s23] =	ssyncadd.s32 $0xFFFFFC00  }
0x1da: {  	v0 =	vld [tilespmem:s2+$0x30]  }
0x1db: {  	v1 =	vld [tilespmem:s2+$0xFFFFFFD0]  }
0x1dc: {  	v2 =	vld [tilespmem:s2+$0xFFFFFFE0]  }
0x1dd: {  	v3 =	vld [tilespmem:s2+$0xFFFFFFF0]  }
0x1de: {  	v6 =	vld [tilespmem:s2+$0x0]  }
0x1df: {  	v7 =	vld [tilespmem:s2+$0x10]  }
0x1e0: {  	v8 =	vld [tilespmem:s2+$0x20]  }
0x1e1: {  	v9 =	vld [tilespmem:s2+$0xFFFFFFC0]  }
0x1e2: {  	v10 =	vld.idx.msk [tilespmem:v0+s6+$0x0], $0xffff  }
0x1e3: {  	v11 =	vld.idx.msk [tilespmem:v1+s6+$0x0], $0xffff  }
0x1e4: {  	v5 =	vld.idx.msk [tilespmem:v2+s6+$0x0], $0xffff  }
0x1e5: {  	v4 =	vld.idx.msk [tilespmem:v3+s6+$0x0], $0xffff  }
0x1e6: {  	v2 =	vld.idx.msk [tilespmem:v6+s6+$0x0], $0xffff  }
0x1e7: {  	v1 =	vld.idx.msk [tilespmem:v7+s6+$0x0], $0xffff  }
0x1e8: {  	v0 =	vld.idx.msk [tilespmem:v8+s6+$0x0], $0xffff;
	[tilespmem:s2+$0x30] =	vst v10  }
0x1e9: {  	s7 =	simm.s32 $0x0;
	s8 =	simm.s32 $0x1F5C0;
	v3 =	vld.idx.msk [tilespmem:v9+s6+$0x0], $0xffff;
	[tilespmem:s2+$0xFFFFFFD0] =	vst v11  }
.LBB2_19:
0x1ea: {  	v6 =	vld [tilespmem:s8+$0x30];
	s7 =	sadd.s32 $0x8, s7;
	[tilespmem:s2+$0xFFFFFFE0] =	vst v5  }
0x1eb: {  	v5 =	vld [tilespmem:s8+$0xFFFFFFD0];
	p1 =	slt.u32 s7, $0x38;
	[tilespmem:s2+$0xFFFFFFF0] =	vst v4  }
0x1ec: {  	v4 =	vld [tilespmem:s8+$0xFFFFFFE0];
	[tilespmem:s2+$0x0] =	vst v2  }
0x1ed: {  	v2 =	vld [tilespmem:s8+$0xFFFFFFF0];
	[tilespmem:s2+$0x10] =	vst v1  }
0x1ee: {  	v1 =	vld [tilespmem:s8+$0x0];
	[tilespmem:s2+$0x20] =	vst v0  }
0x1ef: {  	v0 =	vld [tilespmem:s8+$0x10];
	[tilespmem:s2+$0xFFFFFFC0] =	vst v3;
	s2 =	smov.u32 s8  }
0x1f0: {  	v3 =	vld [tilespmem:s8+$0x20]  }
0x1f1: {  	v7 =	vld [tilespmem:s8+$0xFFFFFFC0]  }
0x1f2: {  	v6 =	vld.idx.msk [tilespmem:v6+s6+$0x0], $0xffff  }
0x1f3: {  	v8 =	vld.idx.msk [tilespmem:v5+s6+$0x0], $0xffff  }
0x1f4: {  	v5 =	vld.idx.msk [tilespmem:v4+s6+$0x0], $0xffff  }
.Ltmp8:
0x1f5: {  	v4 =	vld.idx.msk [tilespmem:v2+s6+$0x0], $0xffff;
	(pc) =	sbr.rel @p1 .LBB2_19-.Ltmp8, $4  }
0x1f6: {  	v2 =	vld.idx.msk [tilespmem:v1+s6+$0x0], $0xffff  }
0x1f7: {  	v1 =	vld.idx.msk [tilespmem:v0+s6+$0x0], $0xffff  }
0x1f8: {  	v0 =	vld.idx.msk [tilespmem:v3+s6+$0x0], $0xffff;
	[tilespmem:s8+$0x30] =	vst v6  }
0x1f9: {  	s8 =	sadd.s32 $0x80, s8;
	v3 =	vld.idx.msk [tilespmem:v7+s6+$0x0], $0xffff;
	[tilespmem:s2+$0xFFFFFFD0] =	vst v8  }
0x1fa: {  	[tilespmem:s2+$0xFFFFFFE0] =	vst v5  }
0x1fb: {  	[tilespmem:s2+$0xFFFFFFF0] =	vst v4  }
0x1fc: {  	[tilespmem:s2+$0x0] =	vst v2  }
0x1fd: {  	[tilespmem:s2+$0x10] =	vst v1  }
0x1fe: {  	[tilespmem:s2+$0x20] =	vst v0  }
0x1ff: {  	s30 =	sadd.s32 s4, s30;
	s7 =	simm.s32 $0x1F500;
	[tilespmem:s2+$0xFFFFFFC0] =	vst v3  }
0x200: {  	[hbm4b:s30+s0] =	stream.strided.scatter [tilespmem:s7], [sflag:$0x13], $0x400, s3, s0, $0x38;
	[tilespmem:$0x1FD00] =	vst v63  }
0x201: {  	s2 =	rddreg [dreg:$0x1c]  }
0x202: {  	s10 =	simm.s32 @!p0 $0x1F100;
	s2 =	sadd.s32 @!p0 s29, s2;
	_ =	swait.ge [sflag:s24], $0x400  }
0x203: {  	s7 =	sshll.u32 @!p0 s2, $0x7;
	s8 =	sshll.u32 @!p0 s2, $0xA;
	s2 =	sand.u32 @!p0 $0x70, s2  }
0x204: {  	[sflag:s24] =	ssyncset.done $0x0;
	s7 =	sand.u32 @!p0 $0xFFFC000, s7;
	s8 =	sand.u32 @!p0 $0x3C00, s8  }
0x205: {  	s2 =	sadd.s32 @!p0 s1, s2;
	[sflag:s24] =	ssyncadd.s32 $0xFFFFFC00;
	s7 =	sor.u32 @!p0 s8, s7  }
0x206: {  	s8 =	simm.s32 @!p0 $0x400;
	s2 =	sadd.s32 @!p0 s7, s2;
	s7 =	simm.s32 @!p0 $0x80  }
0x207: {  	[tilespmem:s10], [sflag:$0x8] =	stream.strided.gather @!p0 [hbm4b:s2+s7], $0x400, s8, s7, $0x38;
	[tilespmem:$0x1FD00] =	vst v63  }
0x208: {  	_ =	swait.ge [sflag:s26], $0x400  }
0x209: {  	[sflag:s26] =	ssyncset.done $0x0  }
0x20a: {  	s2 =	simm.s32 $0x1F940;
	[sflag:s26] =	ssyncadd.s32 $0xFFFFFC00  }
0x20b: {  	v0 =	vld [tilespmem:s2+$0x30]  }
0x20c: {  	v1 =	vld [tilespmem:s2+$0xFFFFFFD0]  }
0x20d: {  	v2 =	vld [tilespmem:s2+$0xFFFFFFE0]  }
0x20e: {  	v3 =	vld [tilespmem:s2+$0xFFFFFFF0]  }
0x20f: {  	v6 =	vld [tilespmem:s2+$0x0]  }
0x210: {  	v7 =	vld [tilespmem:s2+$0x10]  }
0x211: {  	v8 =	vld [tilespmem:s2+$0x20]  }
0x212: {  	v9 =	vld [tilespmem:s2+$0xFFFFFFC0]  }
0x213: {  	v10 =	vld.idx.msk [tilespmem:v0+s6+$0x0], $0xffff  }
0x214: {  	v11 =	vld.idx.msk [tilespmem:v1+s6+$0x0], $0xffff  }
0x215: {  	v5 =	vld.idx.msk [tilespmem:v2+s6+$0x0], $0xffff  }
0x216: {  	v4 =	vld.idx.msk [tilespmem:v3+s6+$0x0], $0xffff  }
0x217: {  	v2 =	vld.idx.msk [tilespmem:v6+s6+$0x0], $0xffff  }
0x218: {  	v1 =	vld.idx.msk [tilespmem:v7+s6+$0x0], $0xffff  }
0x219: {  	v0 =	vld.idx.msk [tilespmem:v8+s6+$0x0], $0xffff;
	[tilespmem:s2+$0x30] =	vst v10  }
0x21a: {  	s7 =	simm.s32 $0x0;
	s8 =	simm.s32 $0x1F9C0;
	v3 =	vld.idx.msk [tilespmem:v9+s6+$0x0], $0xffff;
	[tilespmem:s2+$0xFFFFFFD0] =	vst v11  }
.LBB2_21:
0x21b: {  	v6 =	vld [tilespmem:s8+$0x30];
	s7 =	sadd.s32 $0x8, s7;
	[tilespmem:s2+$0xFFFFFFE0] =	vst v5  }
0x21c: {  	v5 =	vld [tilespmem:s8+$0xFFFFFFD0];
	p0 =	slt.u32 s7, $0x38;
	[tilespmem:s2+$0xFFFFFFF0] =	vst v4  }
0x21d: {  	v4 =	vld [tilespmem:s8+$0xFFFFFFE0];
	[tilespmem:s2+$0x0] =	vst v2  }
0x21e: {  	v2 =	vld [tilespmem:s8+$0xFFFFFFF0];
	[tilespmem:s2+$0x10] =	vst v1  }
0x21f: {  	v1 =	vld [tilespmem:s8+$0x0];
	[tilespmem:s2+$0x20] =	vst v0  }
0x220: {  	v0 =	vld [tilespmem:s8+$0x10];
	[tilespmem:s2+$0xFFFFFFC0] =	vst v3;
	s2 =	smov.u32 s8  }
0x221: {  	v3 =	vld [tilespmem:s8+$0x20]  }
0x222: {  	v7 =	vld [tilespmem:s8+$0xFFFFFFC0]  }
0x223: {  	v6 =	vld.idx.msk [tilespmem:v6+s6+$0x0], $0xffff  }
0x224: {  	v8 =	vld.idx.msk [tilespmem:v5+s6+$0x0], $0xffff  }
0x225: {  	v5 =	vld.idx.msk [tilespmem:v4+s6+$0x0], $0xffff  }
.Ltmp9:
0x226: {  	v4 =	vld.idx.msk [tilespmem:v2+s6+$0x0], $0xffff;
	(pc) =	sbr.rel @p0 .LBB2_21-.Ltmp9, $4  }
0x227: {  	v2 =	vld.idx.msk [tilespmem:v1+s6+$0x0], $0xffff  }
0x228: {  	v1 =	vld.idx.msk [tilespmem:v0+s6+$0x0], $0xffff  }
0x229: {  	v0 =	vld.idx.msk [tilespmem:v3+s6+$0x0], $0xffff;
	[tilespmem:s8+$0x30] =	vst v6  }
0x22a: {  	s8 =	sadd.s32 $0x80, s8;
	v3 =	vld.idx.msk [tilespmem:v7+s6+$0x0], $0xffff;
	[tilespmem:s2+$0xFFFFFFD0] =	vst v8  }
0x22b: {  	[tilespmem:s2+$0xFFFFFFE0] =	vst v5;
	s28 =	sadd.s32 $0x1, s28  }
0x22c: {  	[tilespmem:s2+$0xFFFFFFF0] =	vst v4;
	p0 =	sne.s32 s28, $0xA  }
.Ltmp10:
0x22d: {  	[tilespmem:s2+$0x0] =	vst v2;
	(pc) =	sbr.rel @p0 .LBB2_2-.Ltmp10, $4  }
0x22e: {  	[tilespmem:s2+$0x10] =	vst v1  }
0x22f: {  	[tilespmem:s2+$0x20] =	vst v0  }
0x230: {  	s31 =	sadd.s32 s4, s31;
	s7 =	simm.s32 $0x1F900;
	[tilespmem:s2+$0xFFFFFFC0] =	vst v3  }
0x231: {  	[hbm4b:s31+s0] =	stream.strided.scatter [tilespmem:s7], [sflag:$0x14], $0x400, s3, s0, $0x38;
	[tilespmem:$0x1FD00] =	vst v63  }
0x232: {  	s2 =	simm.s32 $0x13  }
0x233: {  	_ =	swait.ge [sflag:s2], $0x400  }
0x234: {  	[sflag:s2] =	ssyncset.done $0x0  }
0x235: {  	s7 =	simm.s32 $0x14;
	[sflag:s2] =	ssyncadd.s32 $0xFFFFFC00  }
0x236: {  	_ =	swait.ge [sflag:s7], $0x400  }
0x237: {  	s8 =	rddreg [dreg:$0x1d]  }
0x238: {  	s31 =	rddreg [dreg:$0x16];
	s8 =	sadd.s32 $0x1, s8  }
0x239: {  	p0 =	sne.s32 s8, s31  }
.Ltmp11:
0x23a: {  	_ = 	snop;
	(pc) =	sbr.rel @p0 .LBB2_1-.Ltmp11, $3  }
0x23b: {  	_ =	sdelay $0x1  }
0x23c: {  	[sflag:s7] =	ssyncset.done $0x0  }
0x23d: {  	[sflag:s7] =	ssyncadd.s32 $0xFFFFFC00  }
0x23e: {  	_ =	sfence.sel $0x180000  }
0x23f: {  	[bflag:$0x0] =	sbarrier.arrive $0xFFFF  }
0x240: {  	_ =	strace $0x90000047  }
0x241: {  	s0 =	stileid.u32;
	[bflag:$0x2] =	sbarrier.arrive $0xFFFF  }
0x242: {  	p0 =	sne.s32 s0, $0x0;
	s0 =	rddreg [dreg:$0x3]  }
0x243: {  	s0 =	sadd.s32 @!p0 $0x100000, s0  }
0x244: {  	[sflag:s0] =	ssyncadd.tile.s32 @!p0 $0x1;
	_ =	shalt  }
.Lfunc_end2:
_tile_overlayer_lowered:
.L_overlay_start_2:
0x245: {  	(tag) =	ssettag $0x2  }
0x246: {  	s0 =	rddreg [dreg:$0x0];
	s2 =	stileid.u32  }
0x247: {  	s1 =	rddreg [dreg:$0x1];
	p0 =	sne.s32 s2, $0x0  }
0x248: {  	s3 =	rddreg [dreg:$0x2];
	[bflag:$0x3] =	sbarrier.arrive $0xFFFF;
	s2 =	simm.s32 @!p0 $0x1C15  }
0x249: {  	[timem:s3], [sflag:s2] =	dma.local @!p0 [hbm:s0], s1  }
0x24a: {  	s0 =	simm.s32 @!p0 $0x15  }
0x24b: {  	_ =	swait.ge @!p0 [sflag:s0], s1  }
0x24c: {  	s1 =	ssub.s32 @!p0 $0x0, s1;
	[sflag:s0] =	ssyncset.done @!p0 $0x0  }
0x24d: {  	[sflag:s0] =	ssyncadd.s32 @!p0 s1  }
0x24e: {  	[bflag:$0x3] =	sbarrier.arrive $0xFFFF  }
0x24f: {  	_ =	shalt  }

</sc_bundles>
